<compile_context>
chip_gen: v7x
topology: tpu7x:2x2x1
jax: 0.10.2.dev20260603
libtpu: 0.0.44.dev20260713+nightly
codegen_flags: <defaults>
</compile_context>

<pallas_src>
import functools

import jax
import jax.numpy as jnp
from jax import lax
from jax.experimental import pallas as pl
from jax.experimental.pallas import tpu as pltpu
from jax.experimental.pallas import tpu_sc as plsc

N_FEATS = 9
VOCAB = 64
DIM_PE = 32
MAX_FREQS = 16
D1 = 224
EMB = 256

NC, NS, LANES = 2, 16, 16
NW = NC * NS
NB = 48
NPAIR = 4
TAB_ROWS = NPAIR * VOCAB * VOCAB + VOCAB


def _pairs_body(embf_ref, out_ref):
    i = jnp.minimum(pl.program_id(0), NPAIR)
    p = jnp.minimum(i, NPAIR - 1)
    ta = embf_ref[pl.ds(p * 2 * VOCAB, VOCAB), :]
    tb = embf_ref[pl.ds(p * 2 * VOCAB + VOCAB, VOCAB), :]
    single = embf_ref[pl.ds(8 * VOCAB, VOCAB), :]
    pair = (ta[:, None, :] + tb[None, :, :]).reshape(VOCAB * VOCAB, EMB)
    rows = jnp.where(i < NPAIR, pair, jnp.tile(single, (VOCAB, 1)))
    lo = jax.lax.bitcast_convert_type(
        rows[:, :EMB // 2].astype(jnp.bfloat16), jnp.uint16).astype(jnp.uint32)
    hi = jax.lax.bitcast_convert_type(
        rows[:, EMB // 2:].astype(jnp.bfloat16), jnp.uint16).astype(jnp.uint32)
    out_ref[...] = (lo | (hi << 16)).astype(jnp.int32)


def _prologue_body(embf_ref, pe_ref, wbig_ref, bbig_ref, w1bd_ref, b1t_ref,
                   wpt_ref, bpost_ref, tab_ref, out_ref):
    i = pl.program_id(0)

    @pl.when(i <= NPAIR)
    def _():
        _pairs_body(embf_ref, tab_ref)

    xpe = pe_ref[...].astype(jnp.bfloat16)
    pos = jax.nn.relu(jnp.dot(xpe, wbig_ref[...],
                              preferred_element_type=jnp.float32) + bbig_ref[...])
    s = jax.nn.relu(jnp.dot(pos.astype(jnp.bfloat16), w1bd_ref[...],
                            preferred_element_type=jnp.float32) + b1t_ref[...])
    out_ref[...] = jax.nn.relu(jnp.dot(s.astype(jnp.bfloat16), wpt_ref[...],
                                       preferred_element_type=jnp.float32)
                               + bpost_ref[...])


def _make_sc_kernel(N, QT, CH):
    mesh = plsc.VectorSubcoreMesh(core_axis_name="c", subcore_axis_name="s")

    def body(x_hbm, tab_hbm, pe_hbm, out_hbm,
             xbufs, idxbufs, rowbufs, pebufs, outbufs,
             gsems, osems, xsems, psems):
        wid = lax.axis_index("s") * NC + lax.axis_index("c")
        t0 = wid * QT

        def chunk_base(k):
            return jnp.minimum(t0 + k * NB, N - NB)

        def fire_xpe(k, slot):
            base = chunk_base(k)
            pltpu.async_copy(x_hbm.at[pl.ds(base, NB), :],
                             xbufs[slot], xsems[slot])
            pltpu.async_copy(pe_hbm.at[pl.ds(base, NB), :],
                             pebufs[slot], psems[slot])

        def fire_gather(k, slot):
            base = chunk_base(k)
            xbuf, idxbuf = xbufs[slot], idxbufs[slot]
            pltpu.make_async_copy(
                x_hbm.at[pl.ds(base, NB), :], xbuf,
                xsems[slot]).wait()
            for g in range(NB // LANES):
                rows = lax.iota(jnp.int32, LANES) + g * LANES
                dst = rows * 5
                for p in range(NPAIR):
                    av = plsc.load_gather(xbuf, [rows, jnp.full((LANES,), 2 * p, jnp.int32)])
                    bv = plsc.load_gather(xbuf, [rows, jnp.full((LANES,), 2 * p + 1, jnp.int32)])
                    plsc.store_scatter(idxbuf, [dst + p],
                                       av * VOCAB + bv + p * VOCAB * VOCAB)
                cv = plsc.load_gather(xbuf, [rows, jnp.full((LANES,), 8, jnp.int32)])
                plsc.store_scatter(idxbuf, [dst + 4], cv + NPAIR * VOCAB * VOCAB)
            pltpu.async_copy(tab_hbm.at[idxbuf], rowbufs[slot], gsems[slot])

        def consume(k, slot):
            base = chunk_base(k)
            rowbuf, pebuf, outbuf = rowbufs[slot], pebufs[slot], outbufs[slot]

            @pl.when(k >= 2)
            def _():
                pltpu.make_async_copy(
                    outbuf, out_hbm.at[pl.ds(chunk_base(k - 2), NB), :],
                    osems[slot]).wait()

            pltpu.make_async_copy(tab_hbm.at[idxbufs[slot]], rowbuf,
                                  gsems[slot]).wait()
            pltpu.make_async_copy(pe_hbm.at[pl.ds(base, NB), :], pebuf,
                                  psems[slot]).wait()

            def jbody(j, c2):
                r0 = j * 5
                for ci in range(EMB // (2 * LANES)):
                    acc_a = None
                    acc_b = None
                    for p in range(5):
                        w = rowbuf[r0 + p, pl.ds(ci * LANES, LANES)]
                        v = plsc.bitcast(w, jnp.bfloat16)
                        a, b = plsc.unpack(v, format=plsc.PackFormat.INTERLEAVED)
                        acc_a = a if acc_a is None else acc_a + a
                        acc_b = b if acc_b is None else acc_b + b
                    outbuf[j, pl.ds(ci * LANES, LANES)] = acc_a
                    outbuf[j, pl.ds(EMB // 2 + ci * LANES, LANES)] = acc_b
                outbuf[j, pl.ds(D1, LANES)] = pebuf[j, pl.ds(0, LANES)]
                outbuf[j, pl.ds(D1 + LANES, LANES)] = pebuf[j, pl.ds(LANES, LANES)]
                return c2

            lax.fori_loop(0, NB, jbody, 0)
            pltpu.async_copy(outbuf, out_hbm.at[pl.ds(base, NB), :], osems[slot])

        fire_xpe(0, 0)
        fire_xpe(1, 1)
        fire_gather(0, 0)

        def step(k, carry):
            @pl.when(k % 2 == 0)
            def _():
                @pl.when(k + 1 < CH)
                def _():
                    fire_gather(k + 1, 1)
                consume(k, 0)

                @pl.when(k + 2 < CH)
                def _():
                    fire_xpe(k + 2, 0)

            @pl.when(k % 2 == 1)
            def _():
                @pl.when(k + 1 < CH)
                def _():
                    fire_gather(k + 1, 0)
                consume(k, 1)

                @pl.when(k + 2 < CH)
                def _():
                    fire_xpe(k + 2, 1)
            return carry

        lax.fori_loop(0, CH, step, 0)
        for k in (CH - 2, CH - 1):
            if k >= 0:
                pltpu.make_async_copy(
                    outbufs[k % 2],
                    out_hbm.at[pl.ds(chunk_base(k), NB), :],
                    osems[k % 2]).wait()

    return pl.kernel(
        body,
        out_type=jax.ShapeDtypeStruct((N, EMB), jnp.float32),
        mesh=mesh,
        compiler_params=pltpu.CompilerParams(needs_layout_passes=False),
        scratch_types=[
            [pltpu.VMEM((NB, N_FEATS), jnp.int32)] * 2,
            [pltpu.VMEM((5 * NB,), jnp.int32)] * 2,
            [pltpu.VMEM((5 * NB, EMB // 2), jnp.int32)] * 2,
            [pltpu.VMEM((NB, DIM_PE), jnp.float32)] * 2,
            [pltpu.VMEM((NB, EMB), jnp.float32)] * 2,
            [pltpu.SemaphoreType.DMA] * 2,
            [pltpu.SemaphoreType.DMA] * 2,
            [pltpu.SemaphoreType.DMA] * 2,
            [pltpu.SemaphoreType.DMA] * 2,
        ],
    )


def kernel(x, pestat, emb_tables, W_A, b_A, W1, b1, W_post, b_post):
    N = x.shape[0]
    F = MAX_FREQS

    embf = jnp.pad(emb_tables.reshape(N_FEATS * VOCAB, D1),
                   ((0, 0), (0, EMB - D1)))
    eye_f = jnp.eye(F, dtype=jnp.float32)
    wbig = jnp.kron(eye_f, W_A).astype(jnp.bfloat16)
    bbig = jnp.tile(b_A, (F,))[None, :]
    w1bd = jnp.kron(eye_f, W1).astype(jnp.bfloat16)
    b1t = jnp.tile(b1, (F,))[None, :]
    wpt = jnp.tile(W_post, (F, 1)).astype(jnp.bfloat16)
    bpost = b_post[None, :]
    xpe = pestat.reshape(N, 2 * F)

    BP = 4096
    full = lambda shape: pl.BlockSpec(shape, lambda i: (0,) * len(shape))
    tab2, pe = pl.pallas_call(
        _prologue_body,
        grid=(pl.cdiv(N, BP),),
        in_specs=[
            full(embf.shape),
            pl.BlockSpec((BP, 2 * F), lambda i: (i, 0)),
            full(wbig.shape), full(bbig.shape), full(w1bd.shape),
            full(b1t.shape), full(wpt.shape), full(bpost.shape),
        ],
        out_specs=[
            pl.BlockSpec((VOCAB * VOCAB, EMB // 2),
                         lambda i: (jnp.minimum(i, NPAIR), 0)),
            pl.BlockSpec((BP, DIM_PE), lambda i: (i, 0)),
        ],
        out_shape=[
            jax.ShapeDtypeStruct(((NPAIR + 1) * VOCAB * VOCAB, EMB // 2),
                                 jnp.int32),
            jax.ShapeDtypeStruct((N, DIM_PE), jnp.float32),
        ],
    )(embf, xpe, wbig, bbig, w1bd, b1t, wpt, bpost)

    QT = ((N + NW - 1) // NW + 7) // 8 * 8
    CH = (QT + NB - 1) // NB
    sc = _make_sc_kernel(N, QT, CH)
    return sc(x.astype(jnp.int32), tab2, pe)

# --- scband reference (transcript-rebuilt; emitter-appended) ---
"""Pipeline reference for scband-concat2-node-encoder-16226386444982 (READ-ONLY COPY).

The authoritative reference and input builder live on the scoring server;
editing this copy changes nothing except your own understanding.
"""

import jax, jax.numpy as jnp
import numpy as np

N = 50000
NUM_ATOM_FEATS = 9
VOCAB = 64
EMB_DIM = 256
DIM_PE = 32
MAX_FREQS = 16
D1 = EMB_DIM - DIM_PE  # AtomEncoder output dim; LapPE appends DIM_PE to reach EMB_DIM


def setup_inputs(seed: int = 0) -> dict:
    key = jax.random.key(seed)
    ks = jax.random.split(key, 10)
    x = jax.random.randint(ks[0], (N, NUM_ATOM_FEATS), 0, VOCAB)
    pestat = jax.random.normal(ks[1], (N, MAX_FREQS, 2), dtype=jnp.float32)
    # Learned parameters
    emb_tables = jax.random.normal(ks[2], (NUM_ATOM_FEATS, VOCAB, D1), dtype=jnp.float32) * 0.02
    W_A = jax.random.normal(ks[3], (2, DIM_PE), dtype=jnp.float32) * 0.1
    b_A = jnp.zeros((DIM_PE,), dtype=jnp.float32)
    W1 = jax.random.normal(ks[4], (DIM_PE, DIM_PE), dtype=jnp.float32) * 0.1
    b1 = jnp.zeros((DIM_PE,), dtype=jnp.float32)
    W_post = jax.random.normal(ks[5], (DIM_PE, DIM_PE), dtype=jnp.float32) * 0.1
    b_post = jnp.zeros((DIM_PE,), dtype=jnp.float32)
    return {"x": x, "pestat": pestat, "emb_tables": emb_tables, "W_A": W_A,
            "b_A": b_A, "W1": W1, "b1": b1, "W_post": W_post, "b_post": b_post}


def reference(x, pestat, emb_tables, W_A, b_A, W1, b1, W_post, b_post):
    # encoder1: AtomEncoder -- sum of per-feature embedding lookups -> [N, D1]
    h = jnp.zeros((x.shape[0], emb_tables.shape[-1]), dtype=emb_tables.dtype)
    for i in range(emb_tables.shape[0]):
        h = h + jnp.take(emb_tables[i], x[:, i], axis=0)
    # encoder2: LapPENodeEncoder (DeepSet variant, expand_x=False)
    # pestat[..., 0] = eigvecs, pestat[..., 1] = eigvals, shape [N, MAX_FREQS, 2]
    pos = jax.nn.relu(pestat @ W_A + b_A)          # [N, F, DIM_PE]
    pos = jax.nn.relu(pos @ W1 + b1)               # [N, F, DIM_PE]
    pe = jnp.sum(pos, axis=1)                      # DeepSet sum over freqs -> [N, DIM_PE]
    pe = jax.nn.relu(pe @ W_post + b_post)         # post MLP -> [N, DIM_PE]
    # concat node embedding with positional encoding -> [N, EMB_DIM]
    return jnp.concatenate([h, pe], axis=1)

if __name__ == "__main__":
    import jax
    _d = setup_inputs()
    print(jax.jit(kernel)(*tuple(_d.values())))

</pallas_src>

<mosaic_0001>
#map = affine_map<(d0, d1) -> (0, 0)>
module attributes {stable_mosaic.version = 14 : i64} {
  func.func @body(%arg0: i32, %arg1: i32, %arg2: memref<50000x9xi32, #tpu.memory_space<hbm>>, %arg3: memref<20480x128xi32, #tpu.memory_space<hbm>>, %arg4: memref<50000x32xf32, #tpu.memory_space<hbm>>, %arg5: memref<50000x256xf32, #tpu.memory_space<hbm>>, %arg6: memref<48x9xi32, #tpu.memory_space<vmem>>, %arg7: memref<48x9xi32, #tpu.memory_space<vmem>>, %arg8: memref<240xi32, #tpu.memory_space<vmem>>, %arg9: memref<240xi32, #tpu.memory_space<vmem>>, %arg10: memref<240x128xi32, #tpu.memory_space<vmem>>, %arg11: memref<240x128xi32, #tpu.memory_space<vmem>>, %arg12: memref<48x32xf32, #tpu.memory_space<vmem>>, %arg13: memref<48x32xf32, #tpu.memory_space<vmem>>, %arg14: memref<48x256xf32, #tpu.memory_space<vmem>>, %arg15: memref<48x256xf32, #tpu.memory_space<vmem>>, %arg16: memref<!tpu.dma_semaphore, #tpu.memory_space<semaphore_mem>>, %arg17: memref<!tpu.dma_semaphore, #tpu.memory_space<semaphore_mem>>, %arg18: memref<!tpu.dma_semaphore, #tpu.memory_space<semaphore_mem>>, %arg19: memref<!tpu.dma_semaphore, #tpu.memory_space<semaphore_mem>>, %arg20: memref<!tpu.dma_semaphore, #tpu.memory_space<semaphore_mem>>, %arg21: memref<!tpu.dma_semaphore, #tpu.memory_space<semaphore_mem>>, %arg22: memref<!tpu.dma_semaphore, #tpu.memory_space<semaphore_mem>>, %arg23: memref<!tpu.dma_semaphore, #tpu.memory_space<semaphore_mem>>) attributes {dimension_semantics = [#tpu.dimension_semantics<core_parallel>, #tpu.dimension_semantics<subcore_parallel>], iteration_bounds = array<i64: 2, 16>, scalar_prefetch = 0 : i64, scratch_operands = 18 : i64, tpu.core_type = #tpu.core_type<sc_vector_subcore>, window_params = [{transform_indices = #map}, {transform_indices = #map}, {transform_indices = #map}, {transform_indices = #map}]} {
    %mul3A = arith.constant 2 : i32
    %mul3A_0 = arith.muli %arg1, %mul3A : i32
    %add3A = arith.addi %mul3A_0, %arg0 : i32
    %mul3A_1 = arith.constant 1568 : i32
    %mul3A_2 = arith.muli %add3A, %mul3A_1 : i32
    %add3A_3 = arith.constant 0 : i32
    %add3A_4 = arith.addi %mul3A_2, %add3A_3 : i32
    %min3A = arith.constant 49952 : i32
    %min3A_5 = arith.minsi %add3A_4, %min3A : i32
    %dma_start3A = arith.constant 0 : i32
    %dma_start3A_6 = tpu.memref_slice %arg2[%min3A_5, %dma_start3A] : memref<50000x9xi32, #tpu.memory_space<hbm>> -> memref<48x9xi32, #tpu.memory_space<hbm>>
    %dma_start3A_7 = arith.constant 0 : i32
    %dma_start3A_8 = tpu.memref_slice %arg2[%min3A_5, %dma_start3A_7] : memref<50000x9xi32, #tpu.memory_space<hbm>> -> memref<48x9xi32, #tpu.memory_space<hbm>>
    tpu.enqueue_dma source(%dma_start3A_8 : memref<48x9xi32, #tpu.memory_space<hbm>>) target(%arg6 : memref<48x9xi32, #tpu.memory_space<vmem>>) target_semaphore(%arg20 : memref<!tpu.dma_semaphore, #tpu.memory_space<semaphore_mem>>)
    %dma_start3A_9 = arith.constant 0 : i32
    %dma_start3A_10 = tpu.memref_slice %arg4[%min3A_5, %dma_start3A_9] : memref<50000x32xf32, #tpu.memory_space<hbm>> -> memref<48x32xf32, #tpu.memory_space<hbm>>
    %dma_start3A_11 = arith.constant 0 : i32
    %dma_start3A_12 = tpu.memref_slice %arg4[%min3A_5, %dma_start3A_11] : memref<50000x32xf32, #tpu.memory_space<hbm>> -> memref<48x32xf32, #tpu.memory_space<hbm>>
    tpu.enqueue_dma source(%dma_start3A_12 : memref<48x32xf32, #tpu.memory_space<hbm>>) target(%arg12 : memref<48x32xf32, #tpu.memory_space<vmem>>) target_semaphore(%arg22 : memref<!tpu.dma_semaphore, #tpu.memory_space<semaphore_mem>>)
    %add3A_13 = arith.constant 48 : i32
    %add3A_14 = arith.addi %mul3A_2, %add3A_13 : i32
    %min3A_15 = arith.constant 49952 : i32
    %min3A_16 = arith.minsi %add3A_14, %min3A_15 : i32
    %dma_start3A_17 = arith.constant 0 : i32
    %dma_start3A_18 = tpu.memref_slice %arg2[%min3A_16, %dma_start3A_17] : memref<50000x9xi32, #tpu.memory_space<hbm>> -> memref<48x9xi32, #tpu.memory_space<hbm>>
    %dma_start3A_19 = arith.constant 0 : i32
    %dma_start3A_20 = tpu.memref_slice %arg2[%min3A_16, %dma_start3A_19] : memref<50000x9xi32, #tpu.memory_space<hbm>> -> memref<48x9xi32, #tpu.memory_space<hbm>>
    tpu.enqueue_dma source(%dma_start3A_20 : memref<48x9xi32, #tpu.memory_space<hbm>>) target(%arg7 : memref<48x9xi32, #tpu.memory_space<vmem>>) target_semaphore(%arg21 : memref<!tpu.dma_semaphore, #tpu.memory_space<semaphore_mem>>)
    %dma_start3A_21 = arith.constant 0 : i32
    %dma_start3A_22 = tpu.memref_slice %arg4[%min3A_16, %dma_start3A_21] : memref<50000x32xf32, #tpu.memory_space<hbm>> -> memref<48x32xf32, #tpu.memory_space<hbm>>
    %dma_start3A_23 = arith.constant 0 : i32
    %dma_start3A_24 = tpu.memref_slice %arg4[%min3A_16, %dma_start3A_23] : memref<50000x32xf32, #tpu.memory_space<hbm>> -> memref<48x32xf32, #tpu.memory_space<hbm>>
    tpu.enqueue_dma source(%dma_start3A_24 : memref<48x32xf32, #tpu.memory_space<hbm>>) target(%arg13 : memref<48x32xf32, #tpu.memory_space<vmem>>) target_semaphore(%arg23 : memref<!tpu.dma_semaphore, #tpu.memory_space<semaphore_mem>>)
    %add3A_25 = arith.constant 0 : i32
    %add3A_26 = arith.addi %mul3A_2, %add3A_25 : i32
    %min3A_27 = arith.constant 49952 : i32
    %min3A_28 = arith.minsi %add3A_26, %min3A_27 : i32
    %dma_wait3A = arith.constant 0 : i32
    %dma_wait3A_29 = tpu.memref_slice %arg2[%min3A_28, %dma_wait3A] : memref<50000x9xi32, #tpu.memory_space<hbm>> -> memref<48x9xi32, #tpu.memory_space<hbm>>
    %dma_wait3A_30 = arith.constant 0 : i32
    %dma_wait3A_31 = tpu.memref_slice %arg2[%min3A_28, %dma_wait3A_30] : memref<50000x9xi32, #tpu.memory_space<hbm>> -> memref<48x9xi32, #tpu.memory_space<hbm>>
    tpu.wait_dma2 semaphore(%arg20 : memref<!tpu.dma_semaphore, #tpu.memory_space<semaphore_mem>>) src(%dma_wait3A_31 : memref<48x9xi32, #tpu.memory_space<hbm>>) dst(%arg6 : memref<48x9xi32, #tpu.memory_space<vmem>>)
    %iota3A = tpu.iota {dimensions = array<i32: 0>} : vector<16xi32>
    %add3A_32 = arith.constant 0 : i32
    %add3A_33 = vector.broadcast %add3A_32 : i32 to vector<16xi32>
    %add3A_34 = arith.addi %iota3A, %add3A_33 : vector<16xi32>
    %mul3A_35 = arith.constant 5 : i32
    %mul3A_36 = vector.broadcast %mul3A_35 : i32 to vector<16xi32>
    %mul3A_37 = arith.muli %add3A_34, %mul3A_36 : vector<16xi32>
    %broadcast_in_dim3A = arith.constant 0 : i32
    %broadcast_in_dim3A_38 = vector.broadcast %broadcast_in_dim3A : i32 to vector<16xi32>
    %gather3A = tpu.vector_load_idx %arg6[%add3A_34, %broadcast_in_dim3A_38] : memref<48x9xi32, #tpu.memory_space<vmem>>[vector<16xi32>, vector<16xi32>], vector<16xi32>,
    %broadcast_in_dim3A_39 = arith.constant 1 : i32
    %broadcast_in_dim3A_40 = vector.broadcast %broadcast_in_dim3A_39 : i32 to vector<16xi32>
    %gather3A_41 = tpu.vector_load_idx %arg6[%add3A_34, %broadcast_in_dim3A_40] : memref<48x9xi32, #tpu.memory_space<vmem>>[vector<16xi32>, vector<16xi32>], vector<16xi32>,
    %add3A_42 = arith.constant 0 : i32
    %add3A_43 = vector.broadcast %add3A_42 : i32 to vector<16xi32>
    %add3A_44 = arith.addi %mul3A_37, %add3A_43 : vector<16xi32>
    %mul3A_45 = arith.constant 64 : i32
    %mul3A_46 = vector.broadcast %mul3A_45 : i32 to vector<16xi32>
    %mul3A_47 = arith.muli %gather3A, %mul3A_46 : vector<16xi32>
    %add3A_48 = arith.addi %mul3A_47, %gather3A_41 : vector<16xi32>
    %add3A_49 = arith.constant 0 : i32
    %add3A_50 = vector.broadcast %add3A_49 : i32 to vector<16xi32>
    %add3A_51 = arith.addi %add3A_48, %add3A_50 : vector<16xi32>
    tpu.vector_store_idx %arg8[%add3A_44], %add3A_51 : memref<240xi32, #tpu.memory_space<vmem>>[vector<16xi32>], vector<16xi32>,
    %broadcast_in_dim3A_52 = arith.constant 2 : i32
    %broadcast_in_dim3A_53 = vector.broadcast %broadcast_in_dim3A_52 : i32 to vector<16xi32>
    %gather3A_54 = tpu.vector_load_idx %arg6[%add3A_34, %broadcast_in_dim3A_53] : memref<48x9xi32, #tpu.memory_space<vmem>>[vector<16xi32>, vector<16xi32>], vector<16xi32>,
    %broadcast_in_dim3A_55 = arith.constant 3 : i32
    %broadcast_in_dim3A_56 = vector.broadcast %broadcast_in_dim3A_55 : i32 to vector<16xi32>
    %gather3A_57 = tpu.vector_load_idx %arg6[%add3A_34, %broadcast_in_dim3A_56] : memref<48x9xi32, #tpu.memory_space<vmem>>[vector<16xi32>, vector<16xi32>], vector<16xi32>,
    %add3A_58 = arith.constant 1 : i32
    %add3A_59 = vector.broadcast %add3A_58 : i32 to vector<16xi32>
    %add3A_60 = arith.addi %mul3A_37, %add3A_59 : vector<16xi32>
    %mul3A_61 = arith.constant 64 : i32
    %mul3A_62 = vector.broadcast %mul3A_61 : i32 to vector<16xi32>
    %mul3A_63 = arith.muli %gather3A_54, %mul3A_62 : vector<16xi32>
    %add3A_64 = arith.addi %mul3A_63, %gather3A_57 : vector<16xi32>
    %add3A_65 = arith.constant 4096 : i32
    %add3A_66 = vector.broadcast %add3A_65 : i32 to vector<16xi32>
    %add3A_67 = arith.addi %add3A_64, %add3A_66 : vector<16xi32>
    tpu.vector_store_idx %arg8[%add3A_60], %add3A_67 : memref<240xi32, #tpu.memory_space<vmem>>[vector<16xi32>], vector<16xi32>,
    %broadcast_in_dim3A_68 = arith.constant 4 : i32
    %broadcast_in_dim3A_69 = vector.broadcast %broadcast_in_dim3A_68 : i32 to vector<16xi32>
    %gather3A_70 = tpu.vector_load_idx %arg6[%add3A_34, %broadcast_in_dim3A_69] : memref<48x9xi32, #tpu.memory_space<vmem>>[vector<16xi32>, vector<16xi32>], vector<16xi32>,
    %broadcast_in_dim3A_71 = arith.constant 5 : i32
    %broadcast_in_dim3A_72 = vector.broadcast %broadcast_in_dim3A_71 : i32 to vector<16xi32>
    %gather3A_73 = tpu.vector_load_idx %arg6[%add3A_34, %broadcast_in_dim3A_72] : memref<48x9xi32, #tpu.memory_space<vmem>>[vector<16xi32>, vector<16xi32>], vector<16xi32>,
    %add3A_74 = arith.constant 2 : i32
    %add3A_75 = vector.broadcast %add3A_74 : i32 to vector<16xi32>
    %add3A_76 = arith.addi %mul3A_37, %add3A_75 : vector<16xi32>
    %mul3A_77 = arith.constant 64 : i32
    %mul3A_78 = vector.broadcast %mul3A_77 : i32 to vector<16xi32>
    %mul3A_79 = arith.muli %gather3A_70, %mul3A_78 : vector<16xi32>
    %add3A_80 = arith.addi %mul3A_79, %gather3A_73 : vector<16xi32>
    %add3A_81 = arith.constant 8192 : i32
    %add3A_82 = vector.broadcast %add3A_81 : i32 to vector<16xi32>
    %add3A_83 = arith.addi %add3A_80, %add3A_82 : vector<16xi32>
    tpu.vector_store_idx %arg8[%add3A_76], %add3A_83 : memref<240xi32, #tpu.memory_space<vmem>>[vector<16xi32>], vector<16xi32>,
    %broadcast_in_dim3A_84 = arith.constant 6 : i32
    %broadcast_in_dim3A_85 = vector.broadcast %broadcast_in_dim3A_84 : i32 to vector<16xi32>
    %gather3A_86 = tpu.vector_load_idx %arg6[%add3A_34, %broadcast_in_dim3A_85] : memref<48x9xi32, #tpu.memory_space<vmem>>[vector<16xi32>, vector<16xi32>], vector<16xi32>,
    %broadcast_in_dim3A_87 = arith.constant 7 : i32
    %broadcast_in_dim3A_88 = vector.broadcast %broadcast_in_dim3A_87 : i32 to vector<16xi32>
    %gather3A_89 = tpu.vector_load_idx %arg6[%add3A_34, %broadcast_in_dim3A_88] : memref<48x9xi32, #tpu.memory_space<vmem>>[vector<16xi32>, vector<16xi32>], vector<16xi32>,
    %add3A_90 = arith.constant 3 : i32
    %add3A_91 = vector.broadcast %add3A_90 : i32 to vector<16xi32>
    %add3A_92 = arith.addi %mul3A_37, %add3A_91 : vector<16xi32>
    %mul3A_93 = arith.constant 64 : i32
    %mul3A_94 = vector.broadcast %mul3A_93 : i32 to vector<16xi32>
    %mul3A_95 = arith.muli %gather3A_86, %mul3A_94 : vector<16xi32>
    %add3A_96 = arith.addi %mul3A_95, %gather3A_89 : vector<16xi32>
    %add3A_97 = arith.constant 12288 : i32
    %add3A_98 = vector.broadcast %add3A_97 : i32 to vector<16xi32>
    %add3A_99 = arith.addi %add3A_96, %add3A_98 : vector<16xi32>
    tpu.vector_store_idx %arg8[%add3A_92], %add3A_99 : memref<240xi32, #tpu.memory_space<vmem>>[vector<16xi32>], vector<16xi32>,
    %broadcast_in_dim3A_100 = arith.constant 8 : i32
    %broadcast_in_dim3A_101 = vector.broadcast %broadcast_in_dim3A_100 : i32 to vector<16xi32>
    %gather3A_102 = tpu.vector_load_idx %arg6[%add3A_34, %broadcast_in_dim3A_101] : memref<48x9xi32, #tpu.memory_space<vmem>>[vector<16xi32>, vector<16xi32>], vector<16xi32>,
    %add3A_103 = arith.constant 4 : i32
    %add3A_104 = vector.broadcast %add3A_103 : i32 to vector<16xi32>
    %add3A_105 = arith.addi %mul3A_37, %add3A_104 : vector<16xi32>
    %add3A_106 = arith.constant 16384 : i32
    %add3A_107 = vector.broadcast %add3A_106 : i32 to vector<16xi32>
    %add3A_108 = arith.addi %gather3A_102, %add3A_107 : vector<16xi32>
    tpu.vector_store_idx %arg8[%add3A_105], %add3A_108 : memref<240xi32, #tpu.memory_space<vmem>>[vector<16xi32>], vector<16xi32>,
    %iota3A_109 = tpu.iota {dimensions = array<i32: 0>} : vector<16xi32>
    %add3A_110 = arith.constant 16 : i32
    %add3A_111 = vector.broadcast %add3A_110 : i32 to vector<16xi32>
    %add3A_112 = arith.addi %iota3A_109, %add3A_111 : vector<16xi32>
    %mul3A_113 = arith.constant 5 : i32
    %mul3A_114 = vector.broadcast %mul3A_113 : i32 to vector<16xi32>
    %mul3A_115 = arith.muli %add3A_112, %mul3A_114 : vector<16xi32>
    %broadcast_in_dim3A_116 = arith.constant 0 : i32
    %broadcast_in_dim3A_117 = vector.broadcast %broadcast_in_dim3A_116 : i32 to vector<16xi32>
    %gather3A_118 = tpu.vector_load_idx %arg6[%add3A_112, %broadcast_in_dim3A_117] : memref<48x9xi32, #tpu.memory_space<vmem>>[vector<16xi32>, vector<16xi32>], vector<16xi32>,
    %broadcast_in_dim3A_119 = arith.constant 1 : i32
    %broadcast_in_dim3A_120 = vector.broadcast %broadcast_in_dim3A_119 : i32 to vector<16xi32>
    %gather3A_121 = tpu.vector_load_idx %arg6[%add3A_112, %broadcast_in_dim3A_120] : memref<48x9xi32, #tpu.memory_space<vmem>>[vector<16xi32>, vector<16xi32>], vector<16xi32>,
    %add3A_122 = arith.constant 0 : i32
    %add3A_123 = vector.broadcast %add3A_122 : i32 to vector<16xi32>
    %add3A_124 = arith.addi %mul3A_115, %add3A_123 : vector<16xi32>
    %mul3A_125 = arith.constant 64 : i32
    %mul3A_126 = vector.broadcast %mul3A_125 : i32 to vector<16xi32>
    %mul3A_127 = arith.muli %gather3A_118, %mul3A_126 : vector<16xi32>
    %add3A_128 = arith.addi %mul3A_127, %gather3A_121 : vector<16xi32>
    %add3A_129 = arith.constant 0 : i32
    %add3A_130 = vector.broadcast %add3A_129 : i32 to vector<16xi32>
    %add3A_131 = arith.addi %add3A_128, %add3A_130 : vector<16xi32>
    tpu.vector_store_idx %arg8[%add3A_124], %add3A_131 : memref<240xi32, #tpu.memory_space<vmem>>[vector<16xi32>], vector<16xi32>,
    %broadcast_in_dim3A_132 = arith.constant 2 : i32
    %broadcast_in_dim3A_133 = vector.broadcast %broadcast_in_dim3A_132 : i32 to vector<16xi32>
    %gather3A_134 = tpu.vector_load_idx %arg6[%add3A_112, %broadcast_in_dim3A_133] : memref<48x9xi32, #tpu.memory_space<vmem>>[vector<16xi32>, vector<16xi32>], vector<16xi32>,
    %broadcast_in_dim3A_135 = arith.constant 3 : i32
    %broadcast_in_dim3A_136 = vector.broadcast %broadcast_in_dim3A_135 : i32 to vector<16xi32>
    %gather3A_137 = tpu.vector_load_idx %arg6[%add3A_112, %broadcast_in_dim3A_136] : memref<48x9xi32, #tpu.memory_space<vmem>>[vector<16xi32>, vector<16xi32>], vector<16xi32>,
    %add3A_138 = arith.constant 1 : i32
    %add3A_139 = vector.broadcast %add3A_138 : i32 to vector<16xi32>
    %add3A_140 = arith.addi %mul3A_115, %add3A_139 : vector<16xi32>
    %mul3A_141 = arith.constant 64 : i32
    %mul3A_142 = vector.broadcast %mul3A_141 : i32 to vector<16xi32>
    %mul3A_143 = arith.muli %gather3A_134, %mul3A_142 : vector<16xi32>
    %add3A_144 = arith.addi %mul3A_143, %gather3A_137 : vector<16xi32>
    %add3A_145 = arith.constant 4096 : i32
    %add3A_146 = vector.broadcast %add3A_145 : i32 to vector<16xi32>
    %add3A_147 = arith.addi %add3A_144, %add3A_146 : vector<16xi32>
    tpu.vector_store_idx %arg8[%add3A_140], %add3A_147 : memref<240xi32, #tpu.memory_space<vmem>>[vector<16xi32>], vector<16xi32>,
    %broadcast_in_dim3A_148 = arith.constant 4 : i32
    %broadcast_in_dim3A_149 = vector.broadcast %broadcast_in_dim3A_148 : i32 to vector<16xi32>
    %gather3A_150 = tpu.vector_load_idx %arg6[%add3A_112, %broadcast_in_dim3A_149] : memref<48x9xi32, #tpu.memory_space<vmem>>[vector<16xi32>, vector<16xi32>], vector<16xi32>,
    %broadcast_in_dim3A_151 = arith.constant 5 : i32
    %broadcast_in_dim3A_152 = vector.broadcast %broadcast_in_dim3A_151 : i32 to vector<16xi32>
    %gather3A_153 = tpu.vector_load_idx %arg6[%add3A_112, %broadcast_in_dim3A_152] : memref<48x9xi32, #tpu.memory_space<vmem>>[vector<16xi32>, vector<16xi32>], vector<16xi32>,
    %add3A_154 = arith.constant 2 : i32
    %add3A_155 = vector.broadcast %add3A_154 : i32 to vector<16xi32>
    %add3A_156 = arith.addi %mul3A_115, %add3A_155 : vector<16xi32>
    %mul3A_157 = arith.constant 64 : i32
    %mul3A_158 = vector.broadcast %mul3A_157 : i32 to vector<16xi32>
    %mul3A_159 = arith.muli %gather3A_150, %mul3A_158 : vector<16xi32>
    %add3A_160 = arith.addi %mul3A_159, %gather3A_153 : vector<16xi32>
    %add3A_161 = arith.constant 8192 : i32
    %add3A_162 = vector.broadcast %add3A_161 : i32 to vector<16xi32>
    %add3A_163 = arith.addi %add3A_160, %add3A_162 : vector<16xi32>
    tpu.vector_store_idx %arg8[%add3A_156], %add3A_163 : memref<240xi32, #tpu.memory_space<vmem>>[vector<16xi32>], vector<16xi32>,
    %broadcast_in_dim3A_164 = arith.constant 6 : i32
    %broadcast_in_dim3A_165 = vector.broadcast %broadcast_in_dim3A_164 : i32 to vector<16xi32>
    %gather3A_166 = tpu.vector_load_idx %arg6[%add3A_112, %broadcast_in_dim3A_165] : memref<48x9xi32, #tpu.memory_space<vmem>>[vector<16xi32>, vector<16xi32>], vector<16xi32>,
    %broadcast_in_dim3A_167 = arith.constant 7 : i32
    %broadcast_in_dim3A_168 = vector.broadcast %broadcast_in_dim3A_167 : i32 to vector<16xi32>
    %gather3A_169 = tpu.vector_load_idx %arg6[%add3A_112, %broadcast_in_dim3A_168] : memref<48x9xi32, #tpu.memory_space<vmem>>[vector<16xi32>, vector<16xi32>], vector<16xi32>,
    %add3A_170 = arith.constant 3 : i32
    %add3A_171 = vector.broadcast %add3A_170 : i32 to vector<16xi32>
    %add3A_172 = arith.addi %mul3A_115, %add3A_171 : vector<16xi32>
    %mul3A_173 = arith.constant 64 : i32
    %mul3A_174 = vector.broadcast %mul3A_173 : i32 to vector<16xi32>
    %mul3A_175 = arith.muli %gather3A_166, %mul3A_174 : vector<16xi32>
    %add3A_176 = arith.addi %mul3A_175, %gather3A_169 : vector<16xi32>
    %add3A_177 = arith.constant 12288 : i32
    %add3A_178 = vector.broadcast %add3A_177 : i32 to vector<16xi32>
    %add3A_179 = arith.addi %add3A_176, %add3A_178 : vector<16xi32>
    tpu.vector_store_idx %arg8[%add3A_172], %add3A_179 : memref<240xi32, #tpu.memory_space<vmem>>[vector<16xi32>], vector<16xi32>,
    %broadcast_in_dim3A_180 = arith.constant 8 : i32
    %broadcast_in_dim3A_181 = vector.broadcast %broadcast_in_dim3A_180 : i32 to vector<16xi32>
    %gather3A_182 = tpu.vector_load_idx %arg6[%add3A_112, %broadcast_in_dim3A_181] : memref<48x9xi32, #tpu.memory_space<vmem>>[vector<16xi32>, vector<16xi32>], vector<16xi32>,
    %add3A_183 = arith.constant 4 : i32
    %add3A_184 = vector.broadcast %add3A_183 : i32 to vector<16xi32>
    %add3A_185 = arith.addi %mul3A_115, %add3A_184 : vector<16xi32>
    %add3A_186 = arith.constant 16384 : i32
    %add3A_187 = vector.broadcast %add3A_186 : i32 to vector<16xi32>
    %add3A_188 = arith.addi %gather3A_182, %add3A_187 : vector<16xi32>
    tpu.vector_store_idx %arg8[%add3A_185], %add3A_188 : memref<240xi32, #tpu.memory_space<vmem>>[vector<16xi32>], vector<16xi32>,
    %iota3A_189 = tpu.iota {dimensions = array<i32: 0>} : vector<16xi32>
    %add3A_190 = arith.constant 32 : i32
    %add3A_191 = vector.broadcast %add3A_190 : i32 to vector<16xi32>
    %add3A_192 = arith.addi %iota3A_189, %add3A_191 : vector<16xi32>
    %mul3A_193 = arith.constant 5 : i32
    %mul3A_194 = vector.broadcast %mul3A_193 : i32 to vector<16xi32>
    %mul3A_195 = arith.muli %add3A_192, %mul3A_194 : vector<16xi32>
    %broadcast_in_dim3A_196 = arith.constant 0 : i32
    %broadcast_in_dim3A_197 = vector.broadcast %broadcast_in_dim3A_196 : i32 to vector<16xi32>
    %gather3A_198 = tpu.vector_load_idx %arg6[%add3A_192, %broadcast_in_dim3A_197] : memref<48x9xi32, #tpu.memory_space<vmem>>[vector<16xi32>, vector<16xi32>], vector<16xi32>,
    %broadcast_in_dim3A_199 = arith.constant 1 : i32
    %broadcast_in_dim3A_200 = vector.broadcast %broadcast_in_dim3A_199 : i32 to vector<16xi32>
    %gather3A_201 = tpu.vector_load_idx %arg6[%add3A_192, %broadcast_in_dim3A_200] : memref<48x9xi32, #tpu.memory_space<vmem>>[vector<16xi32>, vector<16xi32>], vector<16xi32>,
    %add3A_202 = arith.constant 0 : i32
    %add3A_203 = vector.broadcast %add3A_202 : i32 to vector<16xi32>
    %add3A_204 = arith.addi %mul3A_195, %add3A_203 : vector<16xi32>
    %mul3A_205 = arith.constant 64 : i32
    %mul3A_206 = vector.broadcast %mul3A_205 : i32 to vector<16xi32>
    %mul3A_207 = arith.muli %gather3A_198, %mul3A_206 : vector<16xi32>
    %add3A_208 = arith.addi %mul3A_207, %gather3A_201 : vector<16xi32>
    %add3A_209 = arith.constant 0 : i32
    %add3A_210 = vector.broadcast %add3A_209 : i32 to vector<16xi32>
    %add3A_211 = arith.addi %add3A_208, %add3A_210 : vector<16xi32>
    tpu.vector_store_idx %arg8[%add3A_204], %add3A_211 : memref<240xi32, #tpu.memory_space<vmem>>[vector<16xi32>], vector<16xi32>,
    %broadcast_in_dim3A_212 = arith.constant 2 : i32
    %broadcast_in_dim3A_213 = vector.broadcast %broadcast_in_dim3A_212 : i32 to vector<16xi32>
    %gather3A_214 = tpu.vector_load_idx %arg6[%add3A_192, %broadcast_in_dim3A_213] : memref<48x9xi32, #tpu.memory_space<vmem>>[vector<16xi32>, vector<16xi32>], vector<16xi32>,
    %broadcast_in_dim3A_215 = arith.constant 3 : i32
    %broadcast_in_dim3A_216 = vector.broadcast %broadcast_in_dim3A_215 : i32 to vector<16xi32>
    %gather3A_217 = tpu.vector_load_idx %arg6[%add3A_192, %broadcast_in_dim3A_216] : memref<48x9xi32, #tpu.memory_space<vmem>>[vector<16xi32>, vector<16xi32>], vector<16xi32>,
    %add3A_218 = arith.constant 1 : i32
    %add3A_219 = vector.broadcast %add3A_218 : i32 to vector<16xi32>
    %add3A_220 = arith.addi %mul3A_195, %add3A_219 : vector<16xi32>
    %mul3A_221 = arith.constant 64 : i32
    %mul3A_222 = vector.broadcast %mul3A_221 : i32 to vector<16xi32>
    %mul3A_223 = arith.muli %gather3A_214, %mul3A_222 : vector<16xi32>
    %add3A_224 = arith.addi %mul3A_223, %gather3A_217 : vector<16xi32>
    %add3A_225 = arith.constant 4096 : i32
    %add3A_226 = vector.broadcast %add3A_225 : i32 to vector<16xi32>
    %add3A_227 = arith.addi %add3A_224, %add3A_226 : vector<16xi32>
    tpu.vector_store_idx %arg8[%add3A_220], %add3A_227 : memref<240xi32, #tpu.memory_space<vmem>>[vector<16xi32>], vector<16xi32>,
    %broadcast_in_dim3A_228 = arith.constant 4 : i32
    %broadcast_in_dim3A_229 = vector.broadcast %broadcast_in_dim3A_228 : i32 to vector<16xi32>
    %gather3A_230 = tpu.vector_load_idx %arg6[%add3A_192, %broadcast_in_dim3A_229] : memref<48x9xi32, #tpu.memory_space<vmem>>[vector<16xi32>, vector<16xi32>], vector<16xi32>,
    %broadcast_in_dim3A_231 = arith.constant 5 : i32
    %broadcast_in_dim3A_232 = vector.broadcast %broadcast_in_dim3A_231 : i32 to vector<16xi32>
    %gather3A_233 = tpu.vector_load_idx %arg6[%add3A_192, %broadcast_in_dim3A_232] : memref<48x9xi32, #tpu.memory_space<vmem>>[vector<16xi32>, vector<16xi32>], vector<16xi32>,
    %add3A_234 = arith.constant 2 : i32
    %add3A_235 = vector.broadcast %add3A_234 : i32 to vector<16xi32>
    %add3A_236 = arith.addi %mul3A_195, %add3A_235 : vector<16xi32>
    %mul3A_237 = arith.constant 64 : i32
    %mul3A_238 = vector.broadcast %mul3A_237 : i32 to vector<16xi32>
    %mul3A_239 = arith.muli %gather3A_230, %mul3A_238 : vector<16xi32>
    %add3A_240 = arith.addi %mul3A_239, %gather3A_233 : vector<16xi32>
    %add3A_241 = arith.constant 8192 : i32
    %add3A_242 = vector.broadcast %add3A_241 : i32 to vector<16xi32>
    %add3A_243 = arith.addi %add3A_240, %add3A_242 : vector<16xi32>
    tpu.vector_store_idx %arg8[%add3A_236], %add3A_243 : memref<240xi32, #tpu.memory_space<vmem>>[vector<16xi32>], vector<16xi32>,
    %broadcast_in_dim3A_244 = arith.constant 6 : i32
    %broadcast_in_dim3A_245 = vector.broadcast %broadcast_in_dim3A_244 : i32 to vector<16xi32>
    %gather3A_246 = tpu.vector_load_idx %arg6[%add3A_192, %broadcast_in_dim3A_245] : memref<48x9xi32, #tpu.memory_space<vmem>>[vector<16xi32>, vector<16xi32>], vector<16xi32>,
    %broadcast_in_dim3A_247 = arith.constant 7 : i32
    %broadcast_in_dim3A_248 = vector.broadcast %broadcast_in_dim3A_247 : i32 to vector<16xi32>
    %gather3A_249 = tpu.vector_load_idx %arg6[%add3A_192, %broadcast_in_dim3A_248] : memref<48x9xi32, #tpu.memory_space<vmem>>[vector<16xi32>, vector<16xi32>], vector<16xi32>,
    %add3A_250 = arith.constant 3 : i32
    %add3A_251 = vector.broadcast %add3A_250 : i32 to vector<16xi32>
    %add3A_252 = arith.addi %mul3A_195, %add3A_251 : vector<16xi32>
    %mul3A_253 = arith.constant 64 : i32
    %mul3A_254 = vector.broadcast %mul3A_253 : i32 to vector<16xi32>
    %mul3A_255 = arith.muli %gather3A_246, %mul3A_254 : vector<16xi32>
    %add3A_256 = arith.addi %mul3A_255, %gather3A_249 : vector<16xi32>
    %add3A_257 = arith.constant 12288 : i32
    %add3A_258 = vector.broadcast %add3A_257 : i32 to vector<16xi32>
    %add3A_259 = arith.addi %add3A_256, %add3A_258 : vector<16xi32>
    tpu.vector_store_idx %arg8[%add3A_252], %add3A_259 : memref<240xi32, #tpu.memory_space<vmem>>[vector<16xi32>], vector<16xi32>,
    %broadcast_in_dim3A_260 = arith.constant 8 : i32
    %broadcast_in_dim3A_261 = vector.broadcast %broadcast_in_dim3A_260 : i32 to vector<16xi32>
    %gather3A_262 = tpu.vector_load_idx %arg6[%add3A_192, %broadcast_in_dim3A_261] : memref<48x9xi32, #tpu.memory_space<vmem>>[vector<16xi32>, vector<16xi32>], vector<16xi32>,
    %add3A_263 = arith.constant 4 : i32
    %add3A_264 = vector.broadcast %add3A_263 : i32 to vector<16xi32>
    %add3A_265 = arith.addi %mul3A_195, %add3A_264 : vector<16xi32>
    %add3A_266 = arith.constant 16384 : i32
    %add3A_267 = vector.broadcast %add3A_266 : i32 to vector<16xi32>
    %add3A_268 = arith.addi %gather3A_262, %add3A_267 : vector<16xi32>
    tpu.vector_store_idx %arg8[%add3A_265], %add3A_268 : memref<240xi32, #tpu.memory_space<vmem>>[vector<16xi32>], vector<16xi32>,
    %dma_start3A_269 = arith.constant 0 : i32
    %dma_start3A_270 = arith.constant 0 : i32
    %dma_start3A_271 = tpu.memref_slice %arg3[%dma_start3A_269, %dma_start3A_270] : memref<20480x128xi32, #tpu.memory_space<hbm>> -> memref<20480x128xi32, #tpu.memory_space<hbm>>
    tpu.enqueue_indirect_dma source(%dma_start3A_271 : memref<20480x128xi32, #tpu.memory_space<hbm>>) target(%arg10 : memref<240x128xi32, #tpu.memory_space<vmem>>) offsets(%arg8 : memref<240xi32, #tpu.memory_space<vmem>>) semaphore(%arg16 : memref<!tpu.dma_semaphore, #tpu.memory_space<semaphore_mem>>)
    %scan3A = arith.constant 0 : i32
    %scan3A_272 = arith.constant 0 : i32
    %scan3A_273 = arith.constant 33 : i32
    %scan3A_274 = arith.addi %scan3A_272, %scan3A_273 : i32
    %scan3A_275 = arith.constant 1 : i32
    scf.for %scan3A_293 = %scan3A_272 to %scan3A_274 step %scan3A_275  : i32 {
      %jit3A = arith.constant 2 : i32
      %eq3A = arith.constant 0 : i32
      %eq3A_294 = arith.cmpi eq, %jit3A, %eq3A : i32
      %jit3A_295 = arith.constant 1 : i32
      %select_n3A = arith.select %eq3A_294, %jit3A_295, %jit3A : i32
      %rem3A = arith.remsi %scan3A_293, %select_n3A : i32
      %ne3A = arith.constant 0 : i32
      %ne3A_296 = arith.cmpi ne, %rem3A, %ne3A : i32
      %lt3A = arith.constant 0 : i32
      %lt3A_297 = arith.cmpi slt, %rem3A, %lt3A : i32
      %lt3A_298 = arith.constant 0 : i32
      %lt3A_299 = arith.cmpi slt, %select_n3A, %lt3A_298 : i32
      %ne3A_300 = arith.xori %lt3A_297, %lt3A_299 : i1
      %and3A = arith.andi %ne3A_300, %ne3A_296 : i1
      %add3A_301 = arith.addi %rem3A, %select_n3A : i32
      %select_n3A_302 = arith.select %and3A, %add3A_301, %rem3A : i32
      %eq3A_303 = arith.constant 0 : i32
      %eq3A_304 = arith.cmpi eq, %select_n3A_302, %eq3A_303 : i32
      %convert_element_type3A = arith.extui %eq3A_304 : i1 to i32
      %cond3A = arith.constant 0 : i32
      %cond3A_305 = arith.cmpi ne, %convert_element_type3A, %cond3A : i32
      scf.if %cond3A_305 {
        %add3A_327 = arith.constant 1 : i32
        %add3A_328 = arith.addi %scan3A_293, %add3A_327 : i32
        %lt3A_329 = arith.constant 33 : i32
        %lt3A_330 = arith.cmpi slt, %add3A_328, %lt3A_329 : i32
        %convert_element_type3A_331 = arith.extui %lt3A_330 : i1 to i32
        %cond3A_332 = arith.constant 0 : i32
        %cond3A_333 = arith.cmpi ne, %convert_element_type3A_331, %cond3A_332 : i32
        scf.if %cond3A_333 {
          %add3A_367 = arith.constant 1 : i32
          %add3A_368 = arith.addi %scan3A_293, %add3A_367 : i32
          %mul3A_369 = arith.constant 48 : i32
          %mul3A_370 = arith.muli %add3A_368, %mul3A_369 : i32
          %add3A_371 = arith.addi %mul3A_2, %mul3A_370 : i32
          %min3A_372 = arith.constant 49952 : i32
          %min3A_373 = arith.minsi %add3A_371, %min3A_372 : i32
          %dma_wait3A_374 = arith.constant 0 : i32
          %dma_wait3A_375 = tpu.memref_slice %arg2[%min3A_373, %dma_wait3A_374] : memref<50000x9xi32, #tpu.memory_space<hbm>> -> memref<48x9xi32, #tpu.memory_space<hbm>>
          %dma_wait3A_376 = arith.constant 0 : i32
          %dma_wait3A_377 = tpu.memref_slice %arg2[%min3A_373, %dma_wait3A_376] : memref<50000x9xi32, #tpu.memory_space<hbm>> -> memref<48x9xi32, #tpu.memory_space<hbm>>
          tpu.wait_dma2 semaphore(%arg21 : memref<!tpu.dma_semaphore, #tpu.memory_space<semaphore_mem>>) src(%dma_wait3A_377 : memref<48x9xi32, #tpu.memory_space<hbm>>) dst(%arg7 : memref<48x9xi32, #tpu.memory_space<vmem>>)
          %iota3A_378 = tpu.iota {dimensions = array<i32: 0>} : vector<16xi32>
          %add3A_379 = arith.constant 0 : i32
          %add3A_380 = vector.broadcast %add3A_379 : i32 to vector<16xi32>
          %add3A_381 = arith.addi %iota3A_378, %add3A_380 : vector<16xi32>
          %mul3A_382 = arith.constant 5 : i32
          %mul3A_383 = vector.broadcast %mul3A_382 : i32 to vector<16xi32>
          %mul3A_384 = arith.muli %add3A_381, %mul3A_383 : vector<16xi32>
          %broadcast_in_dim3A_385 = arith.constant 0 : i32
          %broadcast_in_dim3A_386 = vector.broadcast %broadcast_in_dim3A_385 : i32 to vector<16xi32>
          %gather3A_387 = tpu.vector_load_idx %arg7[%add3A_381, %broadcast_in_dim3A_386] : memref<48x9xi32, #tpu.memory_space<vmem>>[vector<16xi32>, vector<16xi32>], vector<16xi32>,
          %broadcast_in_dim3A_388 = arith.constant 1 : i32
          %broadcast_in_dim3A_389 = vector.broadcast %broadcast_in_dim3A_388 : i32 to vector<16xi32>
          %gather3A_390 = tpu.vector_load_idx %arg7[%add3A_381, %broadcast_in_dim3A_389] : memref<48x9xi32, #tpu.memory_space<vmem>>[vector<16xi32>, vector<16xi32>], vector<16xi32>,
          %add3A_391 = arith.constant 0 : i32
          %add3A_392 = vector.broadcast %add3A_391 : i32 to vector<16xi32>
          %add3A_393 = arith.addi %mul3A_384, %add3A_392 : vector<16xi32>
          %mul3A_394 = arith.constant 64 : i32
          %mul3A_395 = vector.broadcast %mul3A_394 : i32 to vector<16xi32>
          %mul3A_396 = arith.muli %gather3A_387, %mul3A_395 : vector<16xi32>
          %add3A_397 = arith.addi %mul3A_396, %gather3A_390 : vector<16xi32>
          %add3A_398 = arith.constant 0 : i32
          %add3A_399 = vector.broadcast %add3A_398 : i32 to vector<16xi32>
          %add3A_400 = arith.addi %add3A_397, %add3A_399 : vector<16xi32>
          tpu.vector_store_idx %arg9[%add3A_393], %add3A_400 : memref<240xi32, #tpu.memory_space<vmem>>[vector<16xi32>], vector<16xi32>,
          %broadcast_in_dim3A_401 = arith.constant 2 : i32
          %broadcast_in_dim3A_402 = vector.broadcast %broadcast_in_dim3A_401 : i32 to vector<16xi32>
          %gather3A_403 = tpu.vector_load_idx %arg7[%add3A_381, %broadcast_in_dim3A_402] : memref<48x9xi32, #tpu.memory_space<vmem>>[vector<16xi32>, vector<16xi32>], vector<16xi32>,
          %broadcast_in_dim3A_404 = arith.constant 3 : i32
          %broadcast_in_dim3A_405 = vector.broadcast %broadcast_in_dim3A_404 : i32 to vector<16xi32>
          %gather3A_406 = tpu.vector_load_idx %arg7[%add3A_381, %broadcast_in_dim3A_405] : memref<48x9xi32, #tpu.memory_space<vmem>>[vector<16xi32>, vector<16xi32>], vector<16xi32>,
          %add3A_407 = arith.constant 1 : i32
          %add3A_408 = vector.broadcast %add3A_407 : i32 to vector<16xi32>
          %add3A_409 = arith.addi %mul3A_384, %add3A_408 : vector<16xi32>
          %mul3A_410 = arith.constant 64 : i32
          %mul3A_411 = vector.broadcast %mul3A_410 : i32 to vector<16xi32>
          %mul3A_412 = arith.muli %gather3A_403, %mul3A_411 : vector<16xi32>
          %add3A_413 = arith.addi %mul3A_412, %gather3A_406 : vector<16xi32>
          %add3A_414 = arith.constant 4096 : i32
          %add3A_415 = vector.broadcast %add3A_414 : i32 to vector<16xi32>
          %add3A_416 = arith.addi %add3A_413, %add3A_415 : vector<16xi32>
          tpu.vector_store_idx %arg9[%add3A_409], %add3A_416 : memref<240xi32, #tpu.memory_space<vmem>>[vector<16xi32>], vector<16xi32>,
          %broadcast_in_dim3A_417 = arith.constant 4 : i32
          %broadcast_in_dim3A_418 = vector.broadcast %broadcast_in_dim3A_417 : i32 to vector<16xi32>
          %gather3A_419 = tpu.vector_load_idx %arg7[%add3A_381, %broadcast_in_dim3A_418] : memref<48x9xi32, #tpu.memory_space<vmem>>[vector<16xi32>, vector<16xi32>], vector<16xi32>,
          %broadcast_in_dim3A_420 = arith.constant 5 : i32
          %broadcast_in_dim3A_421 = vector.broadcast %broadcast_in_dim3A_420 : i32 to vector<16xi32>
          %gather3A_422 = tpu.vector_load_idx %arg7[%add3A_381, %broadcast_in_dim3A_421] : memref<48x9xi32, #tpu.memory_space<vmem>>[vector<16xi32>, vector<16xi32>], vector<16xi32>,
          %add3A_423 = arith.constant 2 : i32
          %add3A_424 = vector.broadcast %add3A_423 : i32 to vector<16xi32>
          %add3A_425 = arith.addi %mul3A_384, %add3A_424 : vector<16xi32>
          %mul3A_426 = arith.constant 64 : i32
          %mul3A_427 = vector.broadcast %mul3A_426 : i32 to vector<16xi32>
          %mul3A_428 = arith.muli %gather3A_419, %mul3A_427 : vector<16xi32>
          %add3A_429 = arith.addi %mul3A_428, %gather3A_422 : vector<16xi32>
          %add3A_430 = arith.constant 8192 : i32
          %add3A_431 = vector.broadcast %add3A_430 : i32 to vector<16xi32>
          %add3A_432 = arith.addi %add3A_429, %add3A_431 : vector<16xi32>
          tpu.vector_store_idx %arg9[%add3A_425], %add3A_432 : memref<240xi32, #tpu.memory_space<vmem>>[vector<16xi32>], vector<16xi32>,
          %broadcast_in_dim3A_433 = arith.constant 6 : i32
          %broadcast_in_dim3A_434 = vector.broadcast %broadcast_in_dim3A_433 : i32 to vector<16xi32>
          %gather3A_435 = tpu.vector_load_idx %arg7[%add3A_381, %broadcast_in_dim3A_434] : memref<48x9xi32, #tpu.memory_space<vmem>>[vector<16xi32>, vector<16xi32>], vector<16xi32>,
          %broadcast_in_dim3A_436 = arith.constant 7 : i32
          %broadcast_in_dim3A_437 = vector.broadcast %broadcast_in_dim3A_436 : i32 to vector<16xi32>
          %gather3A_438 = tpu.vector_load_idx %arg7[%add3A_381, %broadcast_in_dim3A_437] : memref<48x9xi32, #tpu.memory_space<vmem>>[vector<16xi32>, vector<16xi32>], vector<16xi32>,
          %add3A_439 = arith.constant 3 : i32
          %add3A_440 = vector.broadcast %add3A_439 : i32 to vector<16xi32>
          %add3A_441 = arith.addi %mul3A_384, %add3A_440 : vector<16xi32>
          %mul3A_442 = arith.constant 64 : i32
          %mul3A_443 = vector.broadcast %mul3A_442 : i32 to vector<16xi32>
          %mul3A_444 = arith.muli %gather3A_435, %mul3A_443 : vector<16xi32>
          %add3A_445 = arith.addi %mul3A_444, %gather3A_438 : vector<16xi32>
          %add3A_446 = arith.constant 12288 : i32
          %add3A_447 = vector.broadcast %add3A_446 : i32 to vector<16xi32>
          %add3A_448 = arith.addi %add3A_445, %add3A_447 : vector<16xi32>
          tpu.vector_store_idx %arg9[%add3A_441], %add3A_448 : memref<240xi32, #tpu.memory_space<vmem>>[vector<16xi32>], vector<16xi32>,
          %broadcast_in_dim3A_449 = arith.constant 8 : i32
          %broadcast_in_dim3A_450 = vector.broadcast %broadcast_in_dim3A_449 : i32 to vector<16xi32>
          %gather3A_451 = tpu.vector_load_idx %arg7[%add3A_381, %broadcast_in_dim3A_450] : memref<48x9xi32, #tpu.memory_space<vmem>>[vector<16xi32>, vector<16xi32>], vector<16xi32>,
          %add3A_452 = arith.constant 4 : i32
          %add3A_453 = vector.broadcast %add3A_452 : i32 to vector<16xi32>
          %add3A_454 = arith.addi %mul3A_384, %add3A_453 : vector<16xi32>
          %add3A_455 = arith.constant 16384 : i32
          %add3A_456 = vector.broadcast %add3A_455 : i32 to vector<16xi32>
          %add3A_457 = arith.addi %gather3A_451, %add3A_456 : vector<16xi32>
          tpu.vector_store_idx %arg9[%add3A_454], %add3A_457 : memref<240xi32, #tpu.memory_space<vmem>>[vector<16xi32>], vector<16xi32>,
          %iota3A_458 = tpu.iota {dimensions = array<i32: 0>} : vector<16xi32>
          %add3A_459 = arith.constant 16 : i32
          %add3A_460 = vector.broadcast %add3A_459 : i32 to vector<16xi32>
          %add3A_461 = arith.addi %iota3A_458, %add3A_460 : vector<16xi32>
          %mul3A_462 = arith.constant 5 : i32
          %mul3A_463 = vector.broadcast %mul3A_462 : i32 to vector<16xi32>
          %mul3A_464 = arith.muli %add3A_461, %mul3A_463 : vector<16xi32>
          %broadcast_in_dim3A_465 = arith.constant 0 : i32
          %broadcast_in_dim3A_466 = vector.broadcast %broadcast_in_dim3A_465 : i32 to vector<16xi32>
          %gather3A_467 = tpu.vector_load_idx %arg7[%add3A_461, %broadcast_in_dim3A_466] : memref<48x9xi32, #tpu.memory_space<vmem>>[vector<16xi32>, vector<16xi32>], vector<16xi32>,
          %broadcast_in_dim3A_468 = arith.constant 1 : i32
          %broadcast_in_dim3A_469 = vector.broadcast %broadcast_in_dim3A_468 : i32 to vector<16xi32>
          %gather3A_470 = tpu.vector_load_idx %arg7[%add3A_461, %broadcast_in_dim3A_469] : memref<48x9xi32, #tpu.memory_space<vmem>>[vector<16xi32>, vector<16xi32>], vector<16xi32>,
          %add3A_471 = arith.constant 0 : i32
          %add3A_472 = vector.broadcast %add3A_471 : i32 to vector<16xi32>
          %add3A_473 = arith.addi %mul3A_464, %add3A_472 : vector<16xi32>
          %mul3A_474 = arith.constant 64 : i32
          %mul3A_475 = vector.broadcast %mul3A_474 : i32 to vector<16xi32>
          %mul3A_476 = arith.muli %gather3A_467, %mul3A_475 : vector<16xi32>
          %add3A_477 = arith.addi %mul3A_476, %gather3A_470 : vector<16xi32>
          %add3A_478 = arith.constant 0 : i32
          %add3A_479 = vector.broadcast %add3A_478 : i32 to vector<16xi32>
          %add3A_480 = arith.addi %add3A_477, %add3A_479 : vector<16xi32>
          tpu.vector_store_idx %arg9[%add3A_473], %add3A_480 : memref<240xi32, #tpu.memory_space<vmem>>[vector<16xi32>], vector<16xi32>,
          %broadcast_in_dim3A_481 = arith.constant 2 : i32
          %broadcast_in_dim3A_482 = vector.broadcast %broadcast_in_dim3A_481 : i32 to vector<16xi32>
          %gather3A_483 = tpu.vector_load_idx %arg7[%add3A_461, %broadcast_in_dim3A_482] : memref<48x9xi32, #tpu.memory_space<vmem>>[vector<16xi32>, vector<16xi32>], vector<16xi32>,
          %broadcast_in_dim3A_484 = arith.constant 3 : i32
          %broadcast_in_dim3A_485 = vector.broadcast %broadcast_in_dim3A_484 : i32 to vector<16xi32>
          %gather3A_486 = tpu.vector_load_idx %arg7[%add3A_461, %broadcast_in_dim3A_485] : memref<48x9xi32, #tpu.memory_space<vmem>>[vector<16xi32>, vector<16xi32>], vector<16xi32>,
          %add3A_487 = arith.constant 1 : i32
          %add3A_488 = vector.broadcast %add3A_487 : i32 to vector<16xi32>
          %add3A_489 = arith.addi %mul3A_464, %add3A_488 : vector<16xi32>
          %mul3A_490 = arith.constant 64 : i32
          %mul3A_491 = vector.broadcast %mul3A_490 : i32 to vector<16xi32>
          %mul3A_492 = arith.muli %gather3A_483, %mul3A_491 : vector<16xi32>
          %add3A_493 = arith.addi %mul3A_492, %gather3A_486 : vector<16xi32>
          %add3A_494 = arith.constant 4096 : i32
          %add3A_495 = vector.broadcast %add3A_494 : i32 to vector<16xi32>
          %add3A_496 = arith.addi %add3A_493, %add3A_495 : vector<16xi32>
          tpu.vector_store_idx %arg9[%add3A_489], %add3A_496 : memref<240xi32, #tpu.memory_space<vmem>>[vector<16xi32>], vector<16xi32>,
          %broadcast_in_dim3A_497 = arith.constant 4 : i32
          %broadcast_in_dim3A_498 = vector.broadcast %broadcast_in_dim3A_497 : i32 to vector<16xi32>
          %gather3A_499 = tpu.vector_load_idx %arg7[%add3A_461, %broadcast_in_dim3A_498] : memref<48x9xi32, #tpu.memory_space<vmem>>[vector<16xi32>, vector<16xi32>], vector<16xi32>,
          %broadcast_in_dim3A_500 = arith.constant 5 : i32
          %broadcast_in_dim3A_501 = vector.broadcast %broadcast_in_dim3A_500 : i32 to vector<16xi32>
          %gather3A_502 = tpu.vector_load_idx %arg7[%add3A_461, %broadcast_in_dim3A_501] : memref<48x9xi32, #tpu.memory_space<vmem>>[vector<16xi32>, vector<16xi32>], vector<16xi32>,
          %add3A_503 = arith.constant 2 : i32
          %add3A_504 = vector.broadcast %add3A_503 : i32 to vector<16xi32>
          %add3A_505 = arith.addi %mul3A_464, %add3A_504 : vector<16xi32>
          %mul3A_506 = arith.constant 64 : i32
          %mul3A_507 = vector.broadcast %mul3A_506 : i32 to vector<16xi32>
          %mul3A_508 = arith.muli %gather3A_499, %mul3A_507 : vector<16xi32>
          %add3A_509 = arith.addi %mul3A_508, %gather3A_502 : vector<16xi32>
          %add3A_510 = arith.constant 8192 : i32
          %add3A_511 = vector.broadcast %add3A_510 : i32 to vector<16xi32>
          %add3A_512 = arith.addi %add3A_509, %add3A_511 : vector<16xi32>
          tpu.vector_store_idx %arg9[%add3A_505], %add3A_512 : memref<240xi32, #tpu.memory_space<vmem>>[vector<16xi32>], vector<16xi32>,
          %broadcast_in_dim3A_513 = arith.constant 6 : i32
          %broadcast_in_dim3A_514 = vector.broadcast %broadcast_in_dim3A_513 : i32 to vector<16xi32>
          %gather3A_515 = tpu.vector_load_idx %arg7[%add3A_461, %broadcast_in_dim3A_514] : memref<48x9xi32, #tpu.memory_space<vmem>>[vector<16xi32>, vector<16xi32>], vector<16xi32>,
          %broadcast_in_dim3A_516 = arith.constant 7 : i32
          %broadcast_in_dim3A_517 = vector.broadcast %broadcast_in_dim3A_516 : i32 to vector<16xi32>
          %gather3A_518 = tpu.vector_load_idx %arg7[%add3A_461, %broadcast_in_dim3A_517] : memref<48x9xi32, #tpu.memory_space<vmem>>[vector<16xi32>, vector<16xi32>], vector<16xi32>,
          %add3A_519 = arith.constant 3 : i32
          %add3A_520 = vector.broadcast %add3A_519 : i32 to vector<16xi32>
          %add3A_521 = arith.addi %mul3A_464, %add3A_520 : vector<16xi32>
          %mul3A_522 = arith.constant 64 : i32
          %mul3A_523 = vector.broadcast %mul3A_522 : i32 to vector<16xi32>
          %mul3A_524 = arith.muli %gather3A_515, %mul3A_523 : vector<16xi32>
          %add3A_525 = arith.addi %mul3A_524, %gather3A_518 : vector<16xi32>
          %add3A_526 = arith.constant 12288 : i32
          %add3A_527 = vector.broadcast %add3A_526 : i32 to vector<16xi32>
          %add3A_528 = arith.addi %add3A_525, %add3A_527 : vector<16xi32>
          tpu.vector_store_idx %arg9[%add3A_521], %add3A_528 : memref<240xi32, #tpu.memory_space<vmem>>[vector<16xi32>], vector<16xi32>,
          %broadcast_in_dim3A_529 = arith.constant 8 : i32
          %broadcast_in_dim3A_530 = vector.broadcast %broadcast_in_dim3A_529 : i32 to vector<16xi32>
          %gather3A_531 = tpu.vector_load_idx %arg7[%add3A_461, %broadcast_in_dim3A_530] : memref<48x9xi32, #tpu.memory_space<vmem>>[vector<16xi32>, vector<16xi32>], vector<16xi32>,
          %add3A_532 = arith.constant 4 : i32
          %add3A_533 = vector.broadcast %add3A_532 : i32 to vector<16xi32>
          %add3A_534 = arith.addi %mul3A_464, %add3A_533 : vector<16xi32>
          %add3A_535 = arith.constant 16384 : i32
          %add3A_536 = vector.broadcast %add3A_535 : i32 to vector<16xi32>
          %add3A_537 = arith.addi %gather3A_531, %add3A_536 : vector<16xi32>
          tpu.vector_store_idx %arg9[%add3A_534], %add3A_537 : memref<240xi32, #tpu.memory_space<vmem>>[vector<16xi32>], vector<16xi32>,
          %iota3A_538 = tpu.iota {dimensions = array<i32: 0>} : vector<16xi32>
          %add3A_539 = arith.constant 32 : i32
          %add3A_540 = vector.broadcast %add3A_539 : i32 to vector<16xi32>
          %add3A_541 = arith.addi %iota3A_538, %add3A_540 : vector<16xi32>
          %mul3A_542 = arith.constant 5 : i32
          %mul3A_543 = vector.broadcast %mul3A_542 : i32 to vector<16xi32>
          %mul3A_544 = arith.muli %add3A_541, %mul3A_543 : vector<16xi32>
          %broadcast_in_dim3A_545 = arith.constant 0 : i32
          %broadcast_in_dim3A_546 = vector.broadcast %broadcast_in_dim3A_545 : i32 to vector<16xi32>
          %gather3A_547 = tpu.vector_load_idx %arg7[%add3A_541, %broadcast_in_dim3A_546] : memref<48x9xi32, #tpu.memory_space<vmem>>[vector<16xi32>, vector<16xi32>], vector<16xi32>,
          %broadcast_in_dim3A_548 = arith.constant 1 : i32
          %broadcast_in_dim3A_549 = vector.broadcast %broadcast_in_dim3A_548 : i32 to vector<16xi32>
          %gather3A_550 = tpu.vector_load_idx %arg7[%add3A_541, %broadcast_in_dim3A_549] : memref<48x9xi32, #tpu.memory_space<vmem>>[vector<16xi32>, vector<16xi32>], vector<16xi32>,
          %add3A_551 = arith.constant 0 : i32
          %add3A_552 = vector.broadcast %add3A_551 : i32 to vector<16xi32>
          %add3A_553 = arith.addi %mul3A_544, %add3A_552 : vector<16xi32>
          %mul3A_554 = arith.constant 64 : i32
          %mul3A_555 = vector.broadcast %mul3A_554 : i32 to vector<16xi32>
          %mul3A_556 = arith.muli %gather3A_547, %mul3A_555 : vector<16xi32>
          %add3A_557 = arith.addi %mul3A_556, %gather3A_550 : vector<16xi32>
          %add3A_558 = arith.constant 0 : i32
          %add3A_559 = vector.broadcast %add3A_558 : i32 to vector<16xi32>
          %add3A_560 = arith.addi %add3A_557, %add3A_559 : vector<16xi32>
          tpu.vector_store_idx %arg9[%add3A_553], %add3A_560 : memref<240xi32, #tpu.memory_space<vmem>>[vector<16xi32>], vector<16xi32>,
          %broadcast_in_dim3A_561 = arith.constant 2 : i32
          %broadcast_in_dim3A_562 = vector.broadcast %broadcast_in_dim3A_561 : i32 to vector<16xi32>
          %gather3A_563 = tpu.vector_load_idx %arg7[%add3A_541, %broadcast_in_dim3A_562] : memref<48x9xi32, #tpu.memory_space<vmem>>[vector<16xi32>, vector<16xi32>], vector<16xi32>,
          %broadcast_in_dim3A_564 = arith.constant 3 : i32
          %broadcast_in_dim3A_565 = vector.broadcast %broadcast_in_dim3A_564 : i32 to vector<16xi32>
          %gather3A_566 = tpu.vector_load_idx %arg7[%add3A_541, %broadcast_in_dim3A_565] : memref<48x9xi32, #tpu.memory_space<vmem>>[vector<16xi32>, vector<16xi32>], vector<16xi32>,
          %add3A_567 = arith.constant 1 : i32
          %add3A_568 = vector.broadcast %add3A_567 : i32 to vector<16xi32>
          %add3A_569 = arith.addi %mul3A_544, %add3A_568 : vector<16xi32>
          %mul3A_570 = arith.constant 64 : i32
          %mul3A_571 = vector.broadcast %mul3A_570 : i32 to vector<16xi32>
          %mul3A_572 = arith.muli %gather3A_563, %mul3A_571 : vector<16xi32>
          %add3A_573 = arith.addi %mul3A_572, %gather3A_566 : vector<16xi32>
          %add3A_574 = arith.constant 4096 : i32
          %add3A_575 = vector.broadcast %add3A_574 : i32 to vector<16xi32>
          %add3A_576 = arith.addi %add3A_573, %add3A_575 : vector<16xi32>
          tpu.vector_store_idx %arg9[%add3A_569], %add3A_576 : memref<240xi32, #tpu.memory_space<vmem>>[vector<16xi32>], vector<16xi32>,
          %broadcast_in_dim3A_577 = arith.constant 4 : i32
          %broadcast_in_dim3A_578 = vector.broadcast %broadcast_in_dim3A_577 : i32 to vector<16xi32>
          %gather3A_579 = tpu.vector_load_idx %arg7[%add3A_541, %broadcast_in_dim3A_578] : memref<48x9xi32, #tpu.memory_space<vmem>>[vector<16xi32>, vector<16xi32>], vector<16xi32>,
          %broadcast_in_dim3A_580 = arith.constant 5 : i32
          %broadcast_in_dim3A_581 = vector.broadcast %broadcast_in_dim3A_580 : i32 to vector<16xi32>
          %gather3A_582 = tpu.vector_load_idx %arg7[%add3A_541, %broadcast_in_dim3A_581] : memref<48x9xi32, #tpu.memory_space<vmem>>[vector<16xi32>, vector<16xi32>], vector<16xi32>,
          %add3A_583 = arith.constant 2 : i32
          %add3A_584 = vector.broadcast %add3A_583 : i32 to vector<16xi32>
          %add3A_585 = arith.addi %mul3A_544, %add3A_584 : vector<16xi32>
          %mul3A_586 = arith.constant 64 : i32
          %mul3A_587 = vector.broadcast %mul3A_586 : i32 to vector<16xi32>
          %mul3A_588 = arith.muli %gather3A_579, %mul3A_587 : vector<16xi32>
          %add3A_589 = arith.addi %mul3A_588, %gather3A_582 : vector<16xi32>
          %add3A_590 = arith.constant 8192 : i32
          %add3A_591 = vector.broadcast %add3A_590 : i32 to vector<16xi32>
          %add3A_592 = arith.addi %add3A_589, %add3A_591 : vector<16xi32>
          tpu.vector_store_idx %arg9[%add3A_585], %add3A_592 : memref<240xi32, #tpu.memory_space<vmem>>[vector<16xi32>], vector<16xi32>,
          %broadcast_in_dim3A_593 = arith.constant 6 : i32
          %broadcast_in_dim3A_594 = vector.broadcast %broadcast_in_dim3A_593 : i32 to vector<16xi32>
          %gather3A_595 = tpu.vector_load_idx %arg7[%add3A_541, %broadcast_in_dim3A_594] : memref<48x9xi32, #tpu.memory_space<vmem>>[vector<16xi32>, vector<16xi32>], vector<16xi32>,
          %broadcast_in_dim3A_596 = arith.constant 7 : i32
          %broadcast_in_dim3A_597 = vector.broadcast %broadcast_in_dim3A_596 : i32 to vector<16xi32>
          %gather3A_598 = tpu.vector_load_idx %arg7[%add3A_541, %broadcast_in_dim3A_597] : memref<48x9xi32, #tpu.memory_space<vmem>>[vector<16xi32>, vector<16xi32>], vector<16xi32>,
          %add3A_599 = arith.constant 3 : i32
          %add3A_600 = vector.broadcast %add3A_599 : i32 to vector<16xi32>
          %add3A_601 = arith.addi %mul3A_544, %add3A_600 : vector<16xi32>
          %mul3A_602 = arith.constant 64 : i32
          %mul3A_603 = vector.broadcast %mul3A_602 : i32 to vector<16xi32>
          %mul3A_604 = arith.muli %gather3A_595, %mul3A_603 : vector<16xi32>
          %add3A_605 = arith.addi %mul3A_604, %gather3A_598 : vector<16xi32>
          %add3A_606 = arith.constant 12288 : i32
          %add3A_607 = vector.broadcast %add3A_606 : i32 to vector<16xi32>
          %add3A_608 = arith.addi %add3A_605, %add3A_607 : vector<16xi32>
          tpu.vector_store_idx %arg9[%add3A_601], %add3A_608 : memref<240xi32, #tpu.memory_space<vmem>>[vector<16xi32>], vector<16xi32>,
          %broadcast_in_dim3A_609 = arith.constant 8 : i32
          %broadcast_in_dim3A_610 = vector.broadcast %broadcast_in_dim3A_609 : i32 to vector<16xi32>
          %gather3A_611 = tpu.vector_load_idx %arg7[%add3A_541, %broadcast_in_dim3A_610] : memref<48x9xi32, #tpu.memory_space<vmem>>[vector<16xi32>, vector<16xi32>], vector<16xi32>,
          %add3A_612 = arith.constant 4 : i32
          %add3A_613 = vector.broadcast %add3A_612 : i32 to vector<16xi32>
          %add3A_614 = arith.addi %mul3A_544, %add3A_613 : vector<16xi32>
          %add3A_615 = arith.constant 16384 : i32
          %add3A_616 = vector.broadcast %add3A_615 : i32 to vector<16xi32>
          %add3A_617 = arith.addi %gather3A_611, %add3A_616 : vector<16xi32>
          tpu.vector_store_idx %arg9[%add3A_614], %add3A_617 : memref<240xi32, #tpu.memory_space<vmem>>[vector<16xi32>], vector<16xi32>,
          %dma_start3A_618 = arith.constant 0 : i32
          %dma_start3A_619 = arith.constant 0 : i32
          %dma_start3A_620 = tpu.memref_slice %arg3[%dma_start3A_618, %dma_start3A_619] : memref<20480x128xi32, #tpu.memory_space<hbm>> -> memref<20480x128xi32, #tpu.memory_space<hbm>>
          tpu.enqueue_indirect_dma source(%dma_start3A_620 : memref<20480x128xi32, #tpu.memory_space<hbm>>) target(%arg11 : memref<240x128xi32, #tpu.memory_space<vmem>>) offsets(%arg9 : memref<240xi32, #tpu.memory_space<vmem>>) semaphore(%arg17 : memref<!tpu.dma_semaphore, #tpu.memory_space<semaphore_mem>>)
        } else {
        }
        %mul3A_334 = arith.constant 48 : i32
        %mul3A_335 = arith.muli %scan3A_293, %mul3A_334 : i32
        %add3A_336 = arith.addi %mul3A_2, %mul3A_335 : i32
        %min3A_337 = arith.constant 49952 : i32
        %min3A_338 = arith.minsi %add3A_336, %min3A_337 : i32
        %ge3A = arith.constant 2 : i32
        %ge3A_339 = arith.cmpi sge, %scan3A_293, %ge3A : i32
        %convert_element_type3A_340 = arith.extui %ge3A_339 : i1 to i32
        %cond3A_341 = arith.constant 0 : i32
        %cond3A_342 = arith.cmpi ne, %convert_element_type3A_340, %cond3A_341 : i32
        scf.if %cond3A_342 {
          %sub3A = arith.constant 2 : i32
          %sub3A_367 = arith.subi %scan3A_293, %sub3A : i32
          %mul3A_368 = arith.constant 48 : i32
          %mul3A_369 = arith.muli %sub3A_367, %mul3A_368 : i32
          %add3A_370 = arith.addi %mul3A_2, %mul3A_369 : i32
          %min3A_371 = arith.constant 49952 : i32
          %min3A_372 = arith.minsi %add3A_370, %min3A_371 : i32
          %dma_wait3A_373 = arith.constant 0 : i32
          %dma_wait3A_374 = tpu.memref_slice %arg5[%min3A_372, %dma_wait3A_373] : memref<50000x256xf32, #tpu.memory_space<hbm>> -> memref<48x256xf32, #tpu.memory_space<hbm>>
          %dma_wait3A_375 = arith.constant 0 : i32
          %dma_wait3A_376 = tpu.memref_slice %arg5[%min3A_372, %dma_wait3A_375] : memref<50000x256xf32, #tpu.memory_space<hbm>> -> memref<48x256xf32, #tpu.memory_space<hbm>>
          tpu.wait_dma2 semaphore(%arg18 : memref<!tpu.dma_semaphore, #tpu.memory_space<semaphore_mem>>) src(%arg14 : memref<48x256xf32, #tpu.memory_space<vmem>>) dst(%dma_wait3A_376 : memref<48x256xf32, #tpu.memory_space<hbm>>)
        } else {
        }
        %dma_wait3A_343 = arith.constant 0 : i32
        %dma_wait3A_344 = arith.constant 0 : i32
        %dma_wait3A_345 = tpu.memref_slice %arg3[%dma_wait3A_343, %dma_wait3A_344] : memref<20480x128xi32, #tpu.memory_space<hbm>> -> memref<20480x128xi32, #tpu.memory_space<hbm>>
        tpu.wait_indirect_dma semaphore(%arg16 : memref<!tpu.dma_semaphore, #tpu.memory_space<semaphore_mem>>) src(%dma_wait3A_345 : memref<20480x128xi32, #tpu.memory_space<hbm>>) dst(%arg10 : memref<240x128xi32, #tpu.memory_space<vmem>>)
        %dma_wait3A_346 = arith.constant 0 : i32
        %dma_wait3A_347 = tpu.memref_slice %arg4[%min3A_338, %dma_wait3A_346] : memref<50000x32xf32, #tpu.memory_space<hbm>> -> memref<48x32xf32, #tpu.memory_space<hbm>>
        %dma_wait3A_348 = arith.constant 0 : i32
        %dma_wait3A_349 = tpu.memref_slice %arg4[%min3A_338, %dma_wait3A_348] : memref<50000x32xf32, #tpu.memory_space<hbm>> -> memref<48x32xf32, #tpu.memory_space<hbm>>
        tpu.wait_dma2 semaphore(%arg22 : memref<!tpu.dma_semaphore, #tpu.memory_space<semaphore_mem>>) src(%dma_wait3A_349 : memref<48x32xf32, #tpu.memory_space<hbm>>) dst(%arg12 : memref<48x32xf32, #tpu.memory_space<vmem>>)
        %scan3A_350 = arith.constant 0 : i32
        %scan3A_351 = arith.constant 0 : i32
        %scan3A_352 = arith.constant 48 : i32
        %scan3A_353 = arith.addi %scan3A_351, %scan3A_352 : i32
        %scan3A_354 = arith.constant 1 : i32
        scf.for %scan3A_367 = %scan3A_351 to %scan3A_353 step %scan3A_354  : i32 {
          %mul3A_368 = arith.constant 5 : i32
          %mul3A_369 = arith.muli %scan3A_367, %mul3A_368 : i32
          %add3A_370 = arith.constant 0 : i32
          %add3A_371 = arith.addi %mul3A_369, %add3A_370 : i32
          %get3A = arith.index_cast %add3A_371 : i32 to index
          %get3A_372 = arith.constant 0 : index
          %get3A_373 = tpu.vector_load %arg10[%get3A, %get3A_372] {strides = array<i32>} : memref<240x128xi32, #tpu.memory_space<vmem>>, vector<16xi32>,
          %bitcast3A = vector.bitcast %get3A_373 : vector<16xi32> to vector<32xbf16>
          %unpack3A = tpu.unpack_subelements %bitcast3A, 0 {pack_format = #tpu.pack_format<interleaved>} : vector<32xbf16> -> vector<16xf32>
          %unpack3A_374 = tpu.unpack_subelements %bitcast3A, 1 {pack_format = #tpu.pack_format<interleaved>} : vector<32xbf16> -> vector<16xf32>
          %add3A_375 = arith.constant 1 : i32
          %add3A_376 = arith.addi %mul3A_369, %add3A_375 : i32
          %get3A_377 = arith.index_cast %add3A_376 : i32 to index
          %get3A_378 = arith.constant 0 : index
          %get3A_379 = tpu.vector_load %arg10[%get3A_377, %get3A_378] {strides = array<i32>} : memref<240x128xi32, #tpu.memory_space<vmem>>, vector<16xi32>,
          %bitcast3A_380 = vector.bitcast %get3A_379 : vector<16xi32> to vector<32xbf16>
          %unpack3A_381 = tpu.unpack_subelements %bitcast3A_380, 0 {pack_format = #tpu.pack_format<interleaved>} : vector<32xbf16> -> vector<16xf32>
          %unpack3A_382 = tpu.unpack_subelements %bitcast3A_380, 1 {pack_format = #tpu.pack_format<interleaved>} : vector<32xbf16> -> vector<16xf32>
          %add3A_383 = arith.addf %unpack3A, %unpack3A_381 : vector<16xf32>
          %add3A_384 = arith.addf %unpack3A_374, %unpack3A_382 : vector<16xf32>
          %add3A_385 = arith.constant 2 : i32
          %add3A_386 = arith.addi %mul3A_369, %add3A_385 : i32
          %get3A_387 = arith.index_cast %add3A_386 : i32 to index
          %get3A_388 = arith.constant 0 : index
          %get3A_389 = tpu.vector_load %arg10[%get3A_387, %get3A_388] {strides = array<i32>} : memref<240x128xi32, #tpu.memory_space<vmem>>, vector<16xi32>,
          %bitcast3A_390 = vector.bitcast %get3A_389 : vector<16xi32> to vector<32xbf16>
          %unpack3A_391 = tpu.unpack_subelements %bitcast3A_390, 0 {pack_format = #tpu.pack_format<interleaved>} : vector<32xbf16> -> vector<16xf32>
          %unpack3A_392 = tpu.unpack_subelements %bitcast3A_390, 1 {pack_format = #tpu.pack_format<interleaved>} : vector<32xbf16> -> vector<16xf32>
          %add3A_393 = arith.addf %add3A_383, %unpack3A_391 : vector<16xf32>
          %add3A_394 = arith.addf %add3A_384, %unpack3A_392 : vector<16xf32>
          %add3A_395 = arith.constant 3 : i32
          %add3A_396 = arith.addi %mul3A_369, %add3A_395 : i32
          %get3A_397 = arith.index_cast %add3A_396 : i32 to index
          %get3A_398 = arith.constant 0 : index
          %get3A_399 = tpu.vector_load %arg10[%get3A_397, %get3A_398] {strides = array<i32>} : memref<240x128xi32, #tpu.memory_space<vmem>>, vector<16xi32>,
          %bitcast3A_400 = vector.bitcast %get3A_399 : vector<16xi32> to vector<32xbf16>
          %unpack3A_401 = tpu.unpack_subelements %bitcast3A_400, 0 {pack_format = #tpu.pack_format<interleaved>} : vector<32xbf16> -> vector<16xf32>
          %unpack3A_402 = tpu.unpack_subelements %bitcast3A_400, 1 {pack_format = #tpu.pack_format<interleaved>} : vector<32xbf16> -> vector<16xf32>
          %add3A_403 = arith.addf %add3A_393, %unpack3A_401 : vector<16xf32>
          %add3A_404 = arith.addf %add3A_394, %unpack3A_402 : vector<16xf32>
          %add3A_405 = arith.constant 4 : i32
          %add3A_406 = arith.addi %mul3A_369, %add3A_405 : i32
          %get3A_407 = arith.index_cast %add3A_406 : i32 to index
          %get3A_408 = arith.constant 0 : index
          %get3A_409 = tpu.vector_load %arg10[%get3A_407, %get3A_408] {strides = array<i32>} : memref<240x128xi32, #tpu.memory_space<vmem>>, vector<16xi32>,
          %bitcast3A_410 = vector.bitcast %get3A_409 : vector<16xi32> to vector<32xbf16>
          %unpack3A_411 = tpu.unpack_subelements %bitcast3A_410, 0 {pack_format = #tpu.pack_format<interleaved>} : vector<32xbf16> -> vector<16xf32>
          %unpack3A_412 = tpu.unpack_subelements %bitcast3A_410, 1 {pack_format = #tpu.pack_format<interleaved>} : vector<32xbf16> -> vector<16xf32>
          %add3A_413 = arith.addf %add3A_403, %unpack3A_411 : vector<16xf32>
          %add3A_414 = arith.addf %add3A_404, %unpack3A_412 : vector<16xf32>
          %swap3A = arith.index_cast %scan3A_367 : i32 to index
          %swap3A_415 = arith.constant 0 : index
          %swap3A_416 = tpu.vector_load %arg14[%swap3A, %swap3A_415] {strides = array<i32>} : memref<48x256xf32, #tpu.memory_space<vmem>>, vector<16xf32>,
          tpu.vector_store %arg14[%swap3A, %swap3A_415], %add3A_413 {strides = array<i32>} : memref<48x256xf32, #tpu.memory_space<vmem>>, vector<16xf32>,
          %swap3A_417 = arith.index_cast %scan3A_367 : i32 to index
          %swap3A_418 = arith.constant 128 : index
          %swap3A_419 = tpu.vector_load %arg14[%swap3A_417, %swap3A_418] {strides = array<i32>} : memref<48x256xf32, #tpu.memory_space<vmem>>, vector<16xf32>,
          tpu.vector_store %arg14[%swap3A_417, %swap3A_418], %add3A_414 {strides = array<i32>} : memref<48x256xf32, #tpu.memory_space<vmem>>, vector<16xf32>,
          %add3A_420 = arith.constant 0 : i32
          %add3A_421 = arith.addi %mul3A_369, %add3A_420 : i32
          %get3A_422 = arith.index_cast %add3A_421 : i32 to index
          %get3A_423 = arith.constant 16 : index
          %get3A_424 = tpu.vector_load %arg10[%get3A_422, %get3A_423] {strides = array<i32>} : memref<240x128xi32, #tpu.memory_space<vmem>>, vector<16xi32>,
          %bitcast3A_425 = vector.bitcast %get3A_424 : vector<16xi32> to vector<32xbf16>
          %unpack3A_426 = tpu.unpack_subelements %bitcast3A_425, 0 {pack_format = #tpu.pack_format<interleaved>} : vector<32xbf16> -> vector<16xf32>
          %unpack3A_427 = tpu.unpack_subelements %bitcast3A_425, 1 {pack_format = #tpu.pack_format<interleaved>} : vector<32xbf16> -> vector<16xf32>
          %add3A_428 = arith.constant 1 : i32
          %add3A_429 = arith.addi %mul3A_369, %add3A_428 : i32
          %get3A_430 = arith.index_cast %add3A_429 : i32 to index
          %get3A_431 = arith.constant 16 : index
          %get3A_432 = tpu.vector_load %arg10[%get3A_430, %get3A_431] {strides = array<i32>} : memref<240x128xi32, #tpu.memory_space<vmem>>, vector<16xi32>,
          %bitcast3A_433 = vector.bitcast %get3A_432 : vector<16xi32> to vector<32xbf16>
          %unpack3A_434 = tpu.unpack_subelements %bitcast3A_433, 0 {pack_format = #tpu.pack_format<interleaved>} : vector<32xbf16> -> vector<16xf32>
          %unpack3A_435 = tpu.unpack_subelements %bitcast3A_433, 1 {pack_format = #tpu.pack_format<interleaved>} : vector<32xbf16> -> vector<16xf32>
          %add3A_436 = arith.addf %unpack3A_426, %unpack3A_434 : vector<16xf32>
          %add3A_437 = arith.addf %unpack3A_427, %unpack3A_435 : vector<16xf32>
          %add3A_438 = arith.constant 2 : i32
          %add3A_439 = arith.addi %mul3A_369, %add3A_438 : i32
          %get3A_440 = arith.index_cast %add3A_439 : i32 to index
          %get3A_441 = arith.constant 16 : index
          %get3A_442 = tpu.vector_load %arg10[%get3A_440, %get3A_441] {strides = array<i32>} : memref<240x128xi32, #tpu.memory_space<vmem>>, vector<16xi32>,
          %bitcast3A_443 = vector.bitcast %get3A_442 : vector<16xi32> to vector<32xbf16>
          %unpack3A_444 = tpu.unpack_subelements %bitcast3A_443, 0 {pack_format = #tpu.pack_format<interleaved>} : vector<32xbf16> -> vector<16xf32>
          %unpack3A_445 = tpu.unpack_subelements %bitcast3A_443, 1 {pack_format = #tpu.pack_format<interleaved>} : vector<32xbf16> -> vector<16xf32>
          %add3A_446 = arith.addf %add3A_436, %unpack3A_444 : vector<16xf32>
          %add3A_447 = arith.addf %add3A_437, %unpack3A_445 : vector<16xf32>
          %add3A_448 = arith.constant 3 : i32
          %add3A_449 = arith.addi %mul3A_369, %add3A_448 : i32
          %get3A_450 = arith.index_cast %add3A_449 : i32 to index
          %get3A_451 = arith.constant 16 : index
          %get3A_452 = tpu.vector_load %arg10[%get3A_450, %get3A_451] {strides = array<i32>} : memref<240x128xi32, #tpu.memory_space<vmem>>, vector<16xi32>,
          %bitcast3A_453 = vector.bitcast %get3A_452 : vector<16xi32> to vector<32xbf16>
          %unpack3A_454 = tpu.unpack_subelements %bitcast3A_453, 0 {pack_format = #tpu.pack_format<interleaved>} : vector<32xbf16> -> vector<16xf32>
          %unpack3A_455 = tpu.unpack_subelements %bitcast3A_453, 1 {pack_format = #tpu.pack_format<interleaved>} : vector<32xbf16> -> vector<16xf32>
          %add3A_456 = arith.addf %add3A_446, %unpack3A_454 : vector<16xf32>
          %add3A_457 = arith.addf %add3A_447, %unpack3A_455 : vector<16xf32>
          %add3A_458 = arith.constant 4 : i32
          %add3A_459 = arith.addi %mul3A_369, %add3A_458 : i32
          %get3A_460 = arith.index_cast %add3A_459 : i32 to index
          %get3A_461 = arith.constant 16 : index
          %get3A_462 = tpu.vector_load %arg10[%get3A_460, %get3A_461] {strides = array<i32>} : memref<240x128xi32, #tpu.memory_space<vmem>>, vector<16xi32>,
          %bitcast3A_463 = vector.bitcast %get3A_462 : vector<16xi32> to vector<32xbf16>
          %unpack3A_464 = tpu.unpack_subelements %bitcast3A_463, 0 {pack_format = #tpu.pack_format<interleaved>} : vector<32xbf16> -> vector<16xf32>
          %unpack3A_465 = tpu.unpack_subelements %bitcast3A_463, 1 {pack_format = #tpu.pack_format<interleaved>} : vector<32xbf16> -> vector<16xf32>
          %add3A_466 = arith.addf %add3A_456, %unpack3A_464 : vector<16xf32>
          %add3A_467 = arith.addf %add3A_457, %unpack3A_465 : vector<16xf32>
          %swap3A_468 = arith.index_cast %scan3A_367 : i32 to index
          %swap3A_469 = arith.constant 16 : index
          %swap3A_470 = tpu.vector_load %arg14[%swap3A_468, %swap3A_469] {strides = array<i32>} : memref<48x256xf32, #tpu.memory_space<vmem>>, vector<16xf32>,
          tpu.vector_store %arg14[%swap3A_468, %swap3A_469], %add3A_466 {strides = array<i32>} : memref<48x256xf32, #tpu.memory_space<vmem>>, vector<16xf32>,
          %swap3A_471 = arith.index_cast %scan3A_367 : i32 to index
          %swap3A_472 = arith.constant 144 : index
          %swap3A_473 = tpu.vector_load %arg14[%swap3A_471, %swap3A_472] {strides = array<i32>} : memref<48x256xf32, #tpu.memory_space<vmem>>, vector<16xf32>,
          tpu.vector_store %arg14[%swap3A_471, %swap3A_472], %add3A_467 {strides = array<i32>} : memref<48x256xf32, #tpu.memory_space<vmem>>, vector<16xf32>,
          %add3A_474 = arith.constant 0 : i32
          %add3A_475 = arith.addi %mul3A_369, %add3A_474 : i32
          %get3A_476 = arith.index_cast %add3A_475 : i32 to index
          %get3A_477 = arith.constant 32 : index
          %get3A_478 = tpu.vector_load %arg10[%get3A_476, %get3A_477] {strides = array<i32>} : memref<240x128xi32, #tpu.memory_space<vmem>>, vector<16xi32>,
          %bitcast3A_479 = vector.bitcast %get3A_478 : vector<16xi32> to vector<32xbf16>
          %unpack3A_480 = tpu.unpack_subelements %bitcast3A_479, 0 {pack_format = #tpu.pack_format<interleaved>} : vector<32xbf16> -> vector<16xf32>
          %unpack3A_481 = tpu.unpack_subelements %bitcast3A_479, 1 {pack_format = #tpu.pack_format<interleaved>} : vector<32xbf16> -> vector<16xf32>
          %add3A_482 = arith.constant 1 : i32
          %add3A_483 = arith.addi %mul3A_369, %add3A_482 : i32
          %get3A_484 = arith.index_cast %add3A_483 : i32 to index
          %get3A_485 = arith.constant 32 : index
          %get3A_486 = tpu.vector_load %arg10[%get3A_484, %get3A_485] {strides = array<i32>} : memref<240x128xi32, #tpu.memory_space<vmem>>, vector<16xi32>,
          %bitcast3A_487 = vector.bitcast %get3A_486 : vector<16xi32> to vector<32xbf16>
          %unpack3A_488 = tpu.unpack_subelements %bitcast3A_487, 0 {pack_format = #tpu.pack_format<interleaved>} : vector<32xbf16> -> vector<16xf32>
          %unpack3A_489 = tpu.unpack_subelements %bitcast3A_487, 1 {pack_format = #tpu.pack_format<interleaved>} : vector<32xbf16> -> vector<16xf32>
          %add3A_490 = arith.addf %unpack3A_480, %unpack3A_488 : vector<16xf32>
          %add3A_491 = arith.addf %unpack3A_481, %unpack3A_489 : vector<16xf32>
          %add3A_492 = arith.constant 2 : i32
          %add3A_493 = arith.addi %mul3A_369, %add3A_492 : i32
          %get3A_494 = arith.index_cast %add3A_493 : i32 to index
          %get3A_495 = arith.constant 32 : index
          %get3A_496 = tpu.vector_load %arg10[%get3A_494, %get3A_495] {strides = array<i32>} : memref<240x128xi32, #tpu.memory_space<vmem>>, vector<16xi32>,
          %bitcast3A_497 = vector.bitcast %get3A_496 : vector<16xi32> to vector<32xbf16>
          %unpack3A_498 = tpu.unpack_subelements %bitcast3A_497, 0 {pack_format = #tpu.pack_format<interleaved>} : vector<32xbf16> -> vector<16xf32>
          %unpack3A_499 = tpu.unpack_subelements %bitcast3A_497, 1 {pack_format = #tpu.pack_format<interleaved>} : vector<32xbf16> -> vector<16xf32>
          %add3A_500 = arith.addf %add3A_490, %unpack3A_498 : vector<16xf32>
          %add3A_501 = arith.addf %add3A_491, %unpack3A_499 : vector<16xf32>
          %add3A_502 = arith.constant 3 : i32
          %add3A_503 = arith.addi %mul3A_369, %add3A_502 : i32
          %get3A_504 = arith.index_cast %add3A_503 : i32 to index
          %get3A_505 = arith.constant 32 : index
          %get3A_506 = tpu.vector_load %arg10[%get3A_504, %get3A_505] {strides = array<i32>} : memref<240x128xi32, #tpu.memory_space<vmem>>, vector<16xi32>,
          %bitcast3A_507 = vector.bitcast %get3A_506 : vector<16xi32> to vector<32xbf16>
          %unpack3A_508 = tpu.unpack_subelements %bitcast3A_507, 0 {pack_format = #tpu.pack_format<interleaved>} : vector<32xbf16> -> vector<16xf32>
          %unpack3A_509 = tpu.unpack_subelements %bitcast3A_507, 1 {pack_format = #tpu.pack_format<interleaved>} : vector<32xbf16> -> vector<16xf32>
          %add3A_510 = arith.addf %add3A_500, %unpack3A_508 : vector<16xf32>
          %add3A_511 = arith.addf %add3A_501, %unpack3A_509 : vector<16xf32>
          %add3A_512 = arith.constant 4 : i32
          %add3A_513 = arith.addi %mul3A_369, %add3A_512 : i32
          %get3A_514 = arith.index_cast %add3A_513 : i32 to index
          %get3A_515 = arith.constant 32 : index
          %get3A_516 = tpu.vector_load %arg10[%get3A_514, %get3A_515] {strides = array<i32>} : memref<240x128xi32, #tpu.memory_space<vmem>>, vector<16xi32>,
          %bitcast3A_517 = vector.bitcast %get3A_516 : vector<16xi32> to vector<32xbf16>
          %unpack3A_518 = tpu.unpack_subelements %bitcast3A_517, 0 {pack_format = #tpu.pack_format<interleaved>} : vector<32xbf16> -> vector<16xf32>
          %unpack3A_519 = tpu.unpack_subelements %bitcast3A_517, 1 {pack_format = #tpu.pack_format<interleaved>} : vector<32xbf16> -> vector<16xf32>
          %add3A_520 = arith.addf %add3A_510, %unpack3A_518 : vector<16xf32>
          %add3A_521 = arith.addf %add3A_511, %unpack3A_519 : vector<16xf32>
          %swap3A_522 = arith.index_cast %scan3A_367 : i32 to index
          %swap3A_523 = arith.constant 32 : index
          %swap3A_524 = tpu.vector_load %arg14[%swap3A_522, %swap3A_523] {strides = array<i32>} : memref<48x256xf32, #tpu.memory_space<vmem>>, vector<16xf32>,
          tpu.vector_store %arg14[%swap3A_522, %swap3A_523], %add3A_520 {strides = array<i32>} : memref<48x256xf32, #tpu.memory_space<vmem>>, vector<16xf32>,
          %swap3A_525 = arith.index_cast %scan3A_367 : i32 to index
          %swap3A_526 = arith.constant 160 : index
          %swap3A_527 = tpu.vector_load %arg14[%swap3A_525, %swap3A_526] {strides = array<i32>} : memref<48x256xf32, #tpu.memory_space<vmem>>, vector<16xf32>,
          tpu.vector_store %arg14[%swap3A_525, %swap3A_526], %add3A_521 {strides = array<i32>} : memref<48x256xf32, #tpu.memory_space<vmem>>, vector<16xf32>,
          %add3A_528 = arith.constant 0 : i32
          %add3A_529 = arith.addi %mul3A_369, %add3A_528 : i32
          %get3A_530 = arith.index_cast %add3A_529 : i32 to index
          %get3A_531 = arith.constant 48 : index
          %get3A_532 = tpu.vector_load %arg10[%get3A_530, %get3A_531] {strides = array<i32>} : memref<240x128xi32, #tpu.memory_space<vmem>>, vector<16xi32>,
          %bitcast3A_533 = vector.bitcast %get3A_532 : vector<16xi32> to vector<32xbf16>
          %unpack3A_534 = tpu.unpack_subelements %bitcast3A_533, 0 {pack_format = #tpu.pack_format<interleaved>} : vector<32xbf16> -> vector<16xf32>
          %unpack3A_535 = tpu.unpack_subelements %bitcast3A_533, 1 {pack_format = #tpu.pack_format<interleaved>} : vector<32xbf16> -> vector<16xf32>
          %add3A_536 = arith.constant 1 : i32
          %add3A_537 = arith.addi %mul3A_369, %add3A_536 : i32
          %get3A_538 = arith.index_cast %add3A_537 : i32 to index
          %get3A_539 = arith.constant 48 : index
          %get3A_540 = tpu.vector_load %arg10[%get3A_538, %get3A_539] {strides = array<i32>} : memref<240x128xi32, #tpu.memory_space<vmem>>, vector<16xi32>,
          %bitcast3A_541 = vector.bitcast %get3A_540 : vector<16xi32> to vector<32xbf16>
          %unpack3A_542 = tpu.unpack_subelements %bitcast3A_541, 0 {pack_format = #tpu.pack_format<interleaved>} : vector<32xbf16> -> vector<16xf32>
          %unpack3A_543 = tpu.unpack_subelements %bitcast3A_541, 1 {pack_format = #tpu.pack_format<interleaved>} : vector<32xbf16> -> vector<16xf32>
          %add3A_544 = arith.addf %unpack3A_534, %unpack3A_542 : vector<16xf32>
          %add3A_545 = arith.addf %unpack3A_535, %unpack3A_543 : vector<16xf32>
          %add3A_546 = arith.constant 2 : i32
          %add3A_547 = arith.addi %mul3A_369, %add3A_546 : i32
          %get3A_548 = arith.index_cast %add3A_547 : i32 to index
          %get3A_549 = arith.constant 48 : index
          %get3A_550 = tpu.vector_load %arg10[%get3A_548, %get3A_549] {strides = array<i32>} : memref<240x128xi32, #tpu.memory_space<vmem>>, vector<16xi32>,
          %bitcast3A_551 = vector.bitcast %get3A_550 : vector<16xi32> to vector<32xbf16>
          %unpack3A_552 = tpu.unpack_subelements %bitcast3A_551, 0 {pack_format = #tpu.pack_format<interleaved>} : vector<32xbf16> -> vector<16xf32>
          %unpack3A_553 = tpu.unpack_subelements %bitcast3A_551, 1 {pack_format = #tpu.pack_format<interleaved>} : vector<32xbf16> -> vector<16xf32>
          %add3A_554 = arith.addf %add3A_544, %unpack3A_552 : vector<16xf32>
          %add3A_555 = arith.addf %add3A_545, %unpack3A_553 : vector<16xf32>
          %add3A_556 = arith.constant 3 : i32
          %add3A_557 = arith.addi %mul3A_369, %add3A_556 : i32
          %get3A_558 = arith.index_cast %add3A_557 : i32 to index
          %get3A_559 = arith.constant 48 : index
          %get3A_560 = tpu.vector_load %arg10[%get3A_558, %get3A_559] {strides = array<i32>} : memref<240x128xi32, #tpu.memory_space<vmem>>, vector<16xi32>,
          %bitcast3A_561 = vector.bitcast %get3A_560 : vector<16xi32> to vector<32xbf16>
          %unpack3A_562 = tpu.unpack_subelements %bitcast3A_561, 0 {pack_format = #tpu.pack_format<interleaved>} : vector<32xbf16> -> vector<16xf32>
          %unpack3A_563 = tpu.unpack_subelements %bitcast3A_561, 1 {pack_format = #tpu.pack_format<interleaved>} : vector<32xbf16> -> vector<16xf32>
          %add3A_564 = arith.addf %add3A_554, %unpack3A_562 : vector<16xf32>
          %add3A_565 = arith.addf %add3A_555, %unpack3A_563 : vector<16xf32>
          %add3A_566 = arith.constant 4 : i32
          %add3A_567 = arith.addi %mul3A_369, %add3A_566 : i32
          %get3A_568 = arith.index_cast %add3A_567 : i32 to index
          %get3A_569 = arith.constant 48 : index
          %get3A_570 = tpu.vector_load %arg10[%get3A_568, %get3A_569] {strides = array<i32>} : memref<240x128xi32, #tpu.memory_space<vmem>>, vector<16xi32>,
          %bitcast3A_571 = vector.bitcast %get3A_570 : vector<16xi32> to vector<32xbf16>
          %unpack3A_572 = tpu.unpack_subelements %bitcast3A_571, 0 {pack_format = #tpu.pack_format<interleaved>} : vector<32xbf16> -> vector<16xf32>
          %unpack3A_573 = tpu.unpack_subelements %bitcast3A_571, 1 {pack_format = #tpu.pack_format<interleaved>} : vector<32xbf16> -> vector<16xf32>
          %add3A_574 = arith.addf %add3A_564, %unpack3A_572 : vector<16xf32>
          %add3A_575 = arith.addf %add3A_565, %unpack3A_573 : vector<16xf32>
          %swap3A_576 = arith.index_cast %scan3A_367 : i32 to index
          %swap3A_577 = arith.constant 48 : index
          %swap3A_578 = tpu.vector_load %arg14[%swap3A_576, %swap3A_577] {strides = array<i32>} : memref<48x256xf32, #tpu.memory_space<vmem>>, vector<16xf32>,
          tpu.vector_store %arg14[%swap3A_576, %swap3A_577], %add3A_574 {strides = array<i32>} : memref<48x256xf32, #tpu.memory_space<vmem>>, vector<16xf32>,
          %swap3A_579 = arith.index_cast %scan3A_367 : i32 to index
          %swap3A_580 = arith.constant 176 : index
          %swap3A_581 = tpu.vector_load %arg14[%swap3A_579, %swap3A_580] {strides = array<i32>} : memref<48x256xf32, #tpu.memory_space<vmem>>, vector<16xf32>,
          tpu.vector_store %arg14[%swap3A_579, %swap3A_580], %add3A_575 {strides = array<i32>} : memref<48x256xf32, #tpu.memory_space<vmem>>, vector<16xf32>,
          %add3A_582 = arith.constant 0 : i32
          %add3A_583 = arith.addi %mul3A_369, %add3A_582 : i32
          %get3A_584 = arith.index_cast %add3A_583 : i32 to index
          %get3A_585 = arith.constant 64 : index
          %get3A_586 = tpu.vector_load %arg10[%get3A_584, %get3A_585] {strides = array<i32>} : memref<240x128xi32, #tpu.memory_space<vmem>>, vector<16xi32>,
          %bitcast3A_587 = vector.bitcast %get3A_586 : vector<16xi32> to vector<32xbf16>
          %unpack3A_588 = tpu.unpack_subelements %bitcast3A_587, 0 {pack_format = #tpu.pack_format<interleaved>} : vector<32xbf16> -> vector<16xf32>
          %unpack3A_589 = tpu.unpack_subelements %bitcast3A_587, 1 {pack_format = #tpu.pack_format<interleaved>} : vector<32xbf16> -> vector<16xf32>
          %add3A_590 = arith.constant 1 : i32
          %add3A_591 = arith.addi %mul3A_369, %add3A_590 : i32
          %get3A_592 = arith.index_cast %add3A_591 : i32 to index
          %get3A_593 = arith.constant 64 : index
          %get3A_594 = tpu.vector_load %arg10[%get3A_592, %get3A_593] {strides = array<i32>} : memref<240x128xi32, #tpu.memory_space<vmem>>, vector<16xi32>,
          %bitcast3A_595 = vector.bitcast %get3A_594 : vector<16xi32> to vector<32xbf16>
          %unpack3A_596 = tpu.unpack_subelements %bitcast3A_595, 0 {pack_format = #tpu.pack_format<interleaved>} : vector<32xbf16> -> vector<16xf32>
          %unpack3A_597 = tpu.unpack_subelements %bitcast3A_595, 1 {pack_format = #tpu.pack_format<interleaved>} : vector<32xbf16> -> vector<16xf32>
          %add3A_598 = arith.addf %unpack3A_588, %unpack3A_596 : vector<16xf32>
          %add3A_599 = arith.addf %unpack3A_589, %unpack3A_597 : vector<16xf32>
          %add3A_600 = arith.constant 2 : i32
          %add3A_601 = arith.addi %mul3A_369, %add3A_600 : i32
          %get3A_602 = arith.index_cast %add3A_601 : i32 to index
          %get3A_603 = arith.constant 64 : index
          %get3A_604 = tpu.vector_load %arg10[%get3A_602, %get3A_603] {strides = array<i32>} : memref<240x128xi32, #tpu.memory_space<vmem>>, vector<16xi32>,
          %bitcast3A_605 = vector.bitcast %get3A_604 : vector<16xi32> to vector<32xbf16>
          %unpack3A_606 = tpu.unpack_subelements %bitcast3A_605, 0 {pack_format = #tpu.pack_format<interleaved>} : vector<32xbf16> -> vector<16xf32>
          %unpack3A_607 = tpu.unpack_subelements %bitcast3A_605, 1 {pack_format = #tpu.pack_format<interleaved>} : vector<32xbf16> -> vector<16xf32>
          %add3A_608 = arith.addf %add3A_598, %unpack3A_606 : vector<16xf32>
          %add3A_609 = arith.addf %add3A_599, %unpack3A_607 : vector<16xf32>
          %add3A_610 = arith.constant 3 : i32
          %add3A_611 = arith.addi %mul3A_369, %add3A_610 : i32
          %get3A_612 = arith.index_cast %add3A_611 : i32 to index
          %get3A_613 = arith.constant 64 : index
          %get3A_614 = tpu.vector_load %arg10[%get3A_612, %get3A_613] {strides = array<i32>} : memref<240x128xi32, #tpu.memory_space<vmem>>, vector<16xi32>,
          %bitcast3A_615 = vector.bitcast %get3A_614 : vector<16xi32> to vector<32xbf16>
          %unpack3A_616 = tpu.unpack_subelements %bitcast3A_615, 0 {pack_format = #tpu.pack_format<interleaved>} : vector<32xbf16> -> vector<16xf32>
          %unpack3A_617 = tpu.unpack_subelements %bitcast3A_615, 1 {pack_format = #tpu.pack_format<interleaved>} : vector<32xbf16> -> vector<16xf32>
          %add3A_618 = arith.addf %add3A_608, %unpack3A_616 : vector<16xf32>
          %add3A_619 = arith.addf %add3A_609, %unpack3A_617 : vector<16xf32>
          %add3A_620 = arith.constant 4 : i32
          %add3A_621 = arith.addi %mul3A_369, %add3A_620 : i32
          %get3A_622 = arith.index_cast %add3A_621 : i32 to index
          %get3A_623 = arith.constant 64 : index
          %get3A_624 = tpu.vector_load %arg10[%get3A_622, %get3A_623] {strides = array<i32>} : memref<240x128xi32, #tpu.memory_space<vmem>>, vector<16xi32>,
          %bitcast3A_625 = vector.bitcast %get3A_624 : vector<16xi32> to vector<32xbf16>
          %unpack3A_626 = tpu.unpack_subelements %bitcast3A_625, 0 {pack_format = #tpu.pack_format<interleaved>} : vector<32xbf16> -> vector<16xf32>
          %unpack3A_627 = tpu.unpack_subelements %bitcast3A_625, 1 {pack_format = #tpu.pack_format<interleaved>} : vector<32xbf16> -> vector<16xf32>
          %add3A_628 = arith.addf %add3A_618, %unpack3A_626 : vector<16xf32>
          %add3A_629 = arith.addf %add3A_619, %unpack3A_627 : vector<16xf32>
          %swap3A_630 = arith.index_cast %scan3A_367 : i32 to index
          %swap3A_631 = arith.constant 64 : index
          %swap3A_632 = tpu.vector_load %arg14[%swap3A_630, %swap3A_631] {strides = array<i32>} : memref<48x256xf32, #tpu.memory_space<vmem>>, vector<16xf32>,
          tpu.vector_store %arg14[%swap3A_630, %swap3A_631], %add3A_628 {strides = array<i32>} : memref<48x256xf32, #tpu.memory_space<vmem>>, vector<16xf32>,
          %swap3A_633 = arith.index_cast %scan3A_367 : i32 to index
          %swap3A_634 = arith.constant 192 : index
          %swap3A_635 = tpu.vector_load %arg14[%swap3A_633, %swap3A_634] {strides = array<i32>} : memref<48x256xf32, #tpu.memory_space<vmem>>, vector<16xf32>,
          tpu.vector_store %arg14[%swap3A_633, %swap3A_634], %add3A_629 {strides = array<i32>} : memref<48x256xf32, #tpu.memory_space<vmem>>, vector<16xf32>,
          %add3A_636 = arith.constant 0 : i32
          %add3A_637 = arith.addi %mul3A_369, %add3A_636 : i32
          %get3A_638 = arith.index_cast %add3A_637 : i32 to index
          %get3A_639 = arith.constant 80 : index
          %get3A_640 = tpu.vector_load %arg10[%get3A_638, %get3A_639] {strides = array<i32>} : memref<240x128xi32, #tpu.memory_space<vmem>>, vector<16xi32>,
          %bitcast3A_641 = vector.bitcast %get3A_640 : vector<16xi32> to vector<32xbf16>
          %unpack3A_642 = tpu.unpack_subelements %bitcast3A_641, 0 {pack_format = #tpu.pack_format<interleaved>} : vector<32xbf16> -> vector<16xf32>
          %unpack3A_643 = tpu.unpack_subelements %bitcast3A_641, 1 {pack_format = #tpu.pack_format<interleaved>} : vector<32xbf16> -> vector<16xf32>
          %add3A_644 = arith.constant 1 : i32
          %add3A_645 = arith.addi %mul3A_369, %add3A_644 : i32
          %get3A_646 = arith.index_cast %add3A_645 : i32 to index
          %get3A_647 = arith.constant 80 : index
          %get3A_648 = tpu.vector_load %arg10[%get3A_646, %get3A_647] {strides = array<i32>} : memref<240x128xi32, #tpu.memory_space<vmem>>, vector<16xi32>,
          %bitcast3A_649 = vector.bitcast %get3A_648 : vector<16xi32> to vector<32xbf16>
          %unpack3A_650 = tpu.unpack_subelements %bitcast3A_649, 0 {pack_format = #tpu.pack_format<interleaved>} : vector<32xbf16> -> vector<16xf32>
          %unpack3A_651 = tpu.unpack_subelements %bitcast3A_649, 1 {pack_format = #tpu.pack_format<interleaved>} : vector<32xbf16> -> vector<16xf32>
          %add3A_652 = arith.addf %unpack3A_642, %unpack3A_650 : vector<16xf32>
          %add3A_653 = arith.addf %unpack3A_643, %unpack3A_651 : vector<16xf32>
          %add3A_654 = arith.constant 2 : i32
          %add3A_655 = arith.addi %mul3A_369, %add3A_654 : i32
          %get3A_656 = arith.index_cast %add3A_655 : i32 to index
          %get3A_657 = arith.constant 80 : index
          %get3A_658 = tpu.vector_load %arg10[%get3A_656, %get3A_657] {strides = array<i32>} : memref<240x128xi32, #tpu.memory_space<vmem>>, vector<16xi32>,
          %bitcast3A_659 = vector.bitcast %get3A_658 : vector<16xi32> to vector<32xbf16>
          %unpack3A_660 = tpu.unpack_subelements %bitcast3A_659, 0 {pack_format = #tpu.pack_format<interleaved>} : vector<32xbf16> -> vector<16xf32>
          %unpack3A_661 = tpu.unpack_subelements %bitcast3A_659, 1 {pack_format = #tpu.pack_format<interleaved>} : vector<32xbf16> -> vector<16xf32>
          %add3A_662 = arith.addf %add3A_652, %unpack3A_660 : vector<16xf32>
          %add3A_663 = arith.addf %add3A_653, %unpack3A_661 : vector<16xf32>
          %add3A_664 = arith.constant 3 : i32
          %add3A_665 = arith.addi %mul3A_369, %add3A_664 : i32
          %get3A_666 = arith.index_cast %add3A_665 : i32 to index
          %get3A_667 = arith.constant 80 : index
          %get3A_668 = tpu.vector_load %arg10[%get3A_666, %get3A_667] {strides = array<i32>} : memref<240x128xi32, #tpu.memory_space<vmem>>, vector<16xi32>,
          %bitcast3A_669 = vector.bitcast %get3A_668 : vector<16xi32> to vector<32xbf16>
          %unpack3A_670 = tpu.unpack_subelements %bitcast3A_669, 0 {pack_format = #tpu.pack_format<interleaved>} : vector<32xbf16> -> vector<16xf32>
          %unpack3A_671 = tpu.unpack_subelements %bitcast3A_669, 1 {pack_format = #tpu.pack_format<interleaved>} : vector<32xbf16> -> vector<16xf32>
          %add3A_672 = arith.addf %add3A_662, %unpack3A_670 : vector<16xf32>
          %add3A_673 = arith.addf %add3A_663, %unpack3A_671 : vector<16xf32>
          %add3A_674 = arith.constant 4 : i32
          %add3A_675 = arith.addi %mul3A_369, %add3A_674 : i32
          %get3A_676 = arith.index_cast %add3A_675 : i32 to index
          %get3A_677 = arith.constant 80 : index
          %get3A_678 = tpu.vector_load %arg10[%get3A_676, %get3A_677] {strides = array<i32>} : memref<240x128xi32, #tpu.memory_space<vmem>>, vector<16xi32>,
          %bitcast3A_679 = vector.bitcast %get3A_678 : vector<16xi32> to vector<32xbf16>
          %unpack3A_680 = tpu.unpack_subelements %bitcast3A_679, 0 {pack_format = #tpu.pack_format<interleaved>} : vector<32xbf16> -> vector<16xf32>
          %unpack3A_681 = tpu.unpack_subelements %bitcast3A_679, 1 {pack_format = #tpu.pack_format<interleaved>} : vector<32xbf16> -> vector<16xf32>
          %add3A_682 = arith.addf %add3A_672, %unpack3A_680 : vector<16xf32>
          %add3A_683 = arith.addf %add3A_673, %unpack3A_681 : vector<16xf32>
          %swap3A_684 = arith.index_cast %scan3A_367 : i32 to index
          %swap3A_685 = arith.constant 80 : index
          %swap3A_686 = tpu.vector_load %arg14[%swap3A_684, %swap3A_685] {strides = array<i32>} : memref<48x256xf32, #tpu.memory_space<vmem>>, vector<16xf32>,
          tpu.vector_store %arg14[%swap3A_684, %swap3A_685], %add3A_682 {strides = array<i32>} : memref<48x256xf32, #tpu.memory_space<vmem>>, vector<16xf32>,
          %swap3A_687 = arith.index_cast %scan3A_367 : i32 to index
          %swap3A_688 = arith.constant 208 : index
          %swap3A_689 = tpu.vector_load %arg14[%swap3A_687, %swap3A_688] {strides = array<i32>} : memref<48x256xf32, #tpu.memory_space<vmem>>, vector<16xf32>,
          tpu.vector_store %arg14[%swap3A_687, %swap3A_688], %add3A_683 {strides = array<i32>} : memref<48x256xf32, #tpu.memory_space<vmem>>, vector<16xf32>,
          %add3A_690 = arith.constant 0 : i32
          %add3A_691 = arith.addi %mul3A_369, %add3A_690 : i32
          %get3A_692 = arith.index_cast %add3A_691 : i32 to index
          %get3A_693 = arith.constant 96 : index
          %get3A_694 = tpu.vector_load %arg10[%get3A_692, %get3A_693] {strides = array<i32>} : memref<240x128xi32, #tpu.memory_space<vmem>>, vector<16xi32>,
          %bitcast3A_695 = vector.bitcast %get3A_694 : vector<16xi32> to vector<32xbf16>
          %unpack3A_696 = tpu.unpack_subelements %bitcast3A_695, 0 {pack_format = #tpu.pack_format<interleaved>} : vector<32xbf16> -> vector<16xf32>
          %unpack3A_697 = tpu.unpack_subelements %bitcast3A_695, 1 {pack_format = #tpu.pack_format<interleaved>} : vector<32xbf16> -> vector<16xf32>
          %add3A_698 = arith.constant 1 : i32
          %add3A_699 = arith.addi %mul3A_369, %add3A_698 : i32
          %get3A_700 = arith.index_cast %add3A_699 : i32 to index
          %get3A_701 = arith.constant 96 : index
          %get3A_702 = tpu.vector_load %arg10[%get3A_700, %get3A_701] {strides = array<i32>} : memref<240x128xi32, #tpu.memory_space<vmem>>, vector<16xi32>,
          %bitcast3A_703 = vector.bitcast %get3A_702 : vector<16xi32> to vector<32xbf16>
          %unpack3A_704 = tpu.unpack_subelements %bitcast3A_703, 0 {pack_format = #tpu.pack_format<interleaved>} : vector<32xbf16> -> vector<16xf32>
          %unpack3A_705 = tpu.unpack_subelements %bitcast3A_703, 1 {pack_format = #tpu.pack_format<interleaved>} : vector<32xbf16> -> vector<16xf32>
          %add3A_706 = arith.addf %unpack3A_696, %unpack3A_704 : vector<16xf32>
          %add3A_707 = arith.addf %unpack3A_697, %unpack3A_705 : vector<16xf32>
          %add3A_708 = arith.constant 2 : i32
          %add3A_709 = arith.addi %mul3A_369, %add3A_708 : i32
          %get3A_710 = arith.index_cast %add3A_709 : i32 to index
          %get3A_711 = arith.constant 96 : index
          %get3A_712 = tpu.vector_load %arg10[%get3A_710, %get3A_711] {strides = array<i32>} : memref<240x128xi32, #tpu.memory_space<vmem>>, vector<16xi32>,
          %bitcast3A_713 = vector.bitcast %get3A_712 : vector<16xi32> to vector<32xbf16>
          %unpack3A_714 = tpu.unpack_subelements %bitcast3A_713, 0 {pack_format = #tpu.pack_format<interleaved>} : vector<32xbf16> -> vector<16xf32>
          %unpack3A_715 = tpu.unpack_subelements %bitcast3A_713, 1 {pack_format = #tpu.pack_format<interleaved>} : vector<32xbf16> -> vector<16xf32>
          %add3A_716 = arith.addf %add3A_706, %unpack3A_714 : vector<16xf32>
          %add3A_717 = arith.addf %add3A_707, %unpack3A_715 : vector<16xf32>
          %add3A_718 = arith.constant 3 : i32
          %add3A_719 = arith.addi %mul3A_369, %add3A_718 : i32
          %get3A_720 = arith.index_cast %add3A_719 : i32 to index
          %get3A_721 = arith.constant 96 : index
          %get3A_722 = tpu.vector_load %arg10[%get3A_720, %get3A_721] {strides = array<i32>} : memref<240x128xi32, #tpu.memory_space<vmem>>, vector<16xi32>,
          %bitcast3A_723 = vector.bitcast %get3A_722 : vector<16xi32> to vector<32xbf16>
          %unpack3A_724 = tpu.unpack_subelements %bitcast3A_723, 0 {pack_format = #tpu.pack_format<interleaved>} : vector<32xbf16> -> vector<16xf32>
          %unpack3A_725 = tpu.unpack_subelements %bitcast3A_723, 1 {pack_format = #tpu.pack_format<interleaved>} : vector<32xbf16> -> vector<16xf32>
          %add3A_726 = arith.addf %add3A_716, %unpack3A_724 : vector<16xf32>
          %add3A_727 = arith.addf %add3A_717, %unpack3A_725 : vector<16xf32>
          %add3A_728 = arith.constant 4 : i32
          %add3A_729 = arith.addi %mul3A_369, %add3A_728 : i32
          %get3A_730 = arith.index_cast %add3A_729 : i32 to index
          %get3A_731 = arith.constant 96 : index
          %get3A_732 = tpu.vector_load %arg10[%get3A_730, %get3A_731] {strides = array<i32>} : memref<240x128xi32, #tpu.memory_space<vmem>>, vector<16xi32>,
          %bitcast3A_733 = vector.bitcast %get3A_732 : vector<16xi32> to vector<32xbf16>
          %unpack3A_734 = tpu.unpack_subelements %bitcast3A_733, 0 {pack_format = #tpu.pack_format<interleaved>} : vector<32xbf16> -> vector<16xf32>
          %unpack3A_735 = tpu.unpack_subelements %bitcast3A_733, 1 {pack_format = #tpu.pack_format<interleaved>} : vector<32xbf16> -> vector<16xf32>
          %add3A_736 = arith.addf %add3A_726, %unpack3A_734 : vector<16xf32>
          %add3A_737 = arith.addf %add3A_727, %unpack3A_735 : vector<16xf32>
          %swap3A_738 = arith.index_cast %scan3A_367 : i32 to index
          %swap3A_739 = arith.constant 96 : index
          %swap3A_740 = tpu.vector_load %arg14[%swap3A_738, %swap3A_739] {strides = array<i32>} : memref<48x256xf32, #tpu.memory_space<vmem>>, vector<16xf32>,
          tpu.vector_store %arg14[%swap3A_738, %swap3A_739], %add3A_736 {strides = array<i32>} : memref<48x256xf32, #tpu.memory_space<vmem>>, vector<16xf32>,
          %swap3A_741 = arith.index_cast %scan3A_367 : i32 to index
          %swap3A_742 = arith.constant 224 : index
          %swap3A_743 = tpu.vector_load %arg14[%swap3A_741, %swap3A_742] {strides = array<i32>} : memref<48x256xf32, #tpu.memory_space<vmem>>, vector<16xf32>,
          tpu.vector_store %arg14[%swap3A_741, %swap3A_742], %add3A_737 {strides = array<i32>} : memref<48x256xf32, #tpu.memory_space<vmem>>, vector<16xf32>,
          %add3A_744 = arith.constant 0 : i32
          %add3A_745 = arith.addi %mul3A_369, %add3A_744 : i32
          %get3A_746 = arith.index_cast %add3A_745 : i32 to index
          %get3A_747 = arith.constant 112 : index
          %get3A_748 = tpu.vector_load %arg10[%get3A_746, %get3A_747] {strides = array<i32>} : memref<240x128xi32, #tpu.memory_space<vmem>>, vector<16xi32>,
          %bitcast3A_749 = vector.bitcast %get3A_748 : vector<16xi32> to vector<32xbf16>
          %unpack3A_750 = tpu.unpack_subelements %bitcast3A_749, 0 {pack_format = #tpu.pack_format<interleaved>} : vector<32xbf16> -> vector<16xf32>
          %unpack3A_751 = tpu.unpack_subelements %bitcast3A_749, 1 {pack_format = #tpu.pack_format<interleaved>} : vector<32xbf16> -> vector<16xf32>
          %add3A_752 = arith.constant 1 : i32
          %add3A_753 = arith.addi %mul3A_369, %add3A_752 : i32
          %get3A_754 = arith.index_cast %add3A_753 : i32 to index
          %get3A_755 = arith.constant 112 : index
          %get3A_756 = tpu.vector_load %arg10[%get3A_754, %get3A_755] {strides = array<i32>} : memref<240x128xi32, #tpu.memory_space<vmem>>, vector<16xi32>,
          %bitcast3A_757 = vector.bitcast %get3A_756 : vector<16xi32> to vector<32xbf16>
          %unpack3A_758 = tpu.unpack_subelements %bitcast3A_757, 0 {pack_format = #tpu.pack_format<interleaved>} : vector<32xbf16> -> vector<16xf32>
          %unpack3A_759 = tpu.unpack_subelements %bitcast3A_757, 1 {pack_format = #tpu.pack_format<interleaved>} : vector<32xbf16> -> vector<16xf32>
          %add3A_760 = arith.addf %unpack3A_750, %unpack3A_758 : vector<16xf32>
          %add3A_761 = arith.addf %unpack3A_751, %unpack3A_759 : vector<16xf32>
          %add3A_762 = arith.constant 2 : i32
          %add3A_763 = arith.addi %mul3A_369, %add3A_762 : i32
          %get3A_764 = arith.index_cast %add3A_763 : i32 to index
          %get3A_765 = arith.constant 112 : index
          %get3A_766 = tpu.vector_load %arg10[%get3A_764, %get3A_765] {strides = array<i32>} : memref<240x128xi32, #tpu.memory_space<vmem>>, vector<16xi32>,
          %bitcast3A_767 = vector.bitcast %get3A_766 : vector<16xi32> to vector<32xbf16>
          %unpack3A_768 = tpu.unpack_subelements %bitcast3A_767, 0 {pack_format = #tpu.pack_format<interleaved>} : vector<32xbf16> -> vector<16xf32>
          %unpack3A_769 = tpu.unpack_subelements %bitcast3A_767, 1 {pack_format = #tpu.pack_format<interleaved>} : vector<32xbf16> -> vector<16xf32>
          %add3A_770 = arith.addf %add3A_760, %unpack3A_768 : vector<16xf32>
          %add3A_771 = arith.addf %add3A_761, %unpack3A_769 : vector<16xf32>
          %add3A_772 = arith.constant 3 : i32
          %add3A_773 = arith.addi %mul3A_369, %add3A_772 : i32
          %get3A_774 = arith.index_cast %add3A_773 : i32 to index
          %get3A_775 = arith.constant 112 : index
          %get3A_776 = tpu.vector_load %arg10[%get3A_774, %get3A_775] {strides = array<i32>} : memref<240x128xi32, #tpu.memory_space<vmem>>, vector<16xi32>,
          %bitcast3A_777 = vector.bitcast %get3A_776 : vector<16xi32> to vector<32xbf16>
          %unpack3A_778 = tpu.unpack_subelements %bitcast3A_777, 0 {pack_format = #tpu.pack_format<interleaved>} : vector<32xbf16> -> vector<16xf32>
          %unpack3A_779 = tpu.unpack_subelements %bitcast3A_777, 1 {pack_format = #tpu.pack_format<interleaved>} : vector<32xbf16> -> vector<16xf32>
          %add3A_780 = arith.addf %add3A_770, %unpack3A_778 : vector<16xf32>
          %add3A_781 = arith.addf %add3A_771, %unpack3A_779 : vector<16xf32>
          %add3A_782 = arith.constant 4 : i32
          %add3A_783 = arith.addi %mul3A_369, %add3A_782 : i32
          %get3A_784 = arith.index_cast %add3A_783 : i32 to index
          %get3A_785 = arith.constant 112 : index
          %get3A_786 = tpu.vector_load %arg10[%get3A_784, %get3A_785] {strides = array<i32>} : memref<240x128xi32, #tpu.memory_space<vmem>>, vector<16xi32>,
          %bitcast3A_787 = vector.bitcast %get3A_786 : vector<16xi32> to vector<32xbf16>
          %unpack3A_788 = tpu.unpack_subelements %bitcast3A_787, 0 {pack_format = #tpu.pack_format<interleaved>} : vector<32xbf16> -> vector<16xf32>
          %unpack3A_789 = tpu.unpack_subelements %bitcast3A_787, 1 {pack_format = #tpu.pack_format<interleaved>} : vector<32xbf16> -> vector<16xf32>
          %add3A_790 = arith.addf %add3A_780, %unpack3A_788 : vector<16xf32>
          %add3A_791 = arith.addf %add3A_781, %unpack3A_789 : vector<16xf32>
          %swap3A_792 = arith.index_cast %scan3A_367 : i32 to index
          %swap3A_793 = arith.constant 112 : index
          %swap3A_794 = tpu.vector_load %arg14[%swap3A_792, %swap3A_793] {strides = array<i32>} : memref<48x256xf32, #tpu.memory_space<vmem>>, vector<16xf32>,
          tpu.vector_store %arg14[%swap3A_792, %swap3A_793], %add3A_790 {strides = array<i32>} : memref<48x256xf32, #tpu.memory_space<vmem>>, vector<16xf32>,
          %swap3A_795 = arith.index_cast %scan3A_367 : i32 to index
          %swap3A_796 = arith.constant 240 : index
          %swap3A_797 = tpu.vector_load %arg14[%swap3A_795, %swap3A_796] {strides = array<i32>} : memref<48x256xf32, #tpu.memory_space<vmem>>, vector<16xf32>,
          tpu.vector_store %arg14[%swap3A_795, %swap3A_796], %add3A_791 {strides = array<i32>} : memref<48x256xf32, #tpu.memory_space<vmem>>, vector<16xf32>,
          %get3A_798 = arith.index_cast %scan3A_367 : i32 to index
          %get3A_799 = arith.constant 0 : index
          %get3A_800 = tpu.vector_load %arg12[%get3A_798, %get3A_799] {strides = array<i32>} : memref<48x32xf32, #tpu.memory_space<vmem>>, vector<16xf32>,
          %swap3A_801 = arith.index_cast %scan3A_367 : i32 to index
          %swap3A_802 = arith.constant 224 : index
          %swap3A_803 = tpu.vector_load %arg14[%swap3A_801, %swap3A_802] {strides = array<i32>} : memref<48x256xf32, #tpu.memory_space<vmem>>, vector<16xf32>,
          tpu.vector_store %arg14[%swap3A_801, %swap3A_802], %get3A_800 {strides = array<i32>} : memref<48x256xf32, #tpu.memory_space<vmem>>, vector<16xf32>,
          %get3A_804 = arith.index_cast %scan3A_367 : i32 to index
          %get3A_805 = arith.constant 16 : index
          %get3A_806 = tpu.vector_load %arg12[%get3A_804, %get3A_805] {strides = array<i32>} : memref<48x32xf32, #tpu.memory_space<vmem>>, vector<16xf32>,
          %swap3A_807 = arith.index_cast %scan3A_367 : i32 to index
          %swap3A_808 = arith.constant 240 : index
          %swap3A_809 = tpu.vector_load %arg14[%swap3A_807, %swap3A_808] {strides = array<i32>} : memref<48x256xf32, #tpu.memory_space<vmem>>, vector<16xf32>,
          tpu.vector_store %arg14[%swap3A_807, %swap3A_808], %get3A_806 {strides = array<i32>} : memref<48x256xf32, #tpu.memory_space<vmem>>, vector<16xf32>,
        }
        %scan3A_355 = arith.constant 48 : i32
        %dma_start3A_356 = arith.constant 0 : i32
        %dma_start3A_357 = tpu.memref_slice %arg5[%min3A_338, %dma_start3A_356] : memref<50000x256xf32, #tpu.memory_space<hbm>> -> memref<48x256xf32, #tpu.memory_space<hbm>>
        %dma_start3A_358 = arith.constant 0 : i32
        %dma_start3A_359 = tpu.memref_slice %arg5[%min3A_338, %dma_start3A_358] : memref<50000x256xf32, #tpu.memory_space<hbm>> -> memref<48x256xf32, #tpu.memory_space<hbm>>
        tpu.enqueue_dma source(%arg14 : memref<48x256xf32, #tpu.memory_space<vmem>>) target(%dma_start3A_359 : memref<48x256xf32, #tpu.memory_space<hbm>>) target_semaphore(%arg18 : memref<!tpu.dma_semaphore, #tpu.memory_space<semaphore_mem>>)
        %add3A_360 = arith.constant 2 : i32
        %add3A_361 = arith.addi %scan3A_293, %add3A_360 : i32
        %lt3A_362 = arith.constant 33 : i32
        %lt3A_363 = arith.cmpi slt, %add3A_361, %lt3A_362 : i32
        %convert_element_type3A_364 = arith.extui %lt3A_363 : i1 to i32
        %cond3A_365 = arith.constant 0 : i32
        %cond3A_366 = arith.cmpi ne, %convert_element_type3A_364, %cond3A_365 : i32
        scf.if %cond3A_366 {
          %add3A_367 = arith.constant 2 : i32
          %add3A_368 = arith.addi %scan3A_293, %add3A_367 : i32
          %mul3A_369 = arith.constant 48 : i32
          %mul3A_370 = arith.muli %add3A_368, %mul3A_369 : i32
          %add3A_371 = arith.addi %mul3A_2, %mul3A_370 : i32
          %min3A_372 = arith.constant 49952 : i32
          %min3A_373 = arith.minsi %add3A_371, %min3A_372 : i32
          %dma_start3A_374 = arith.constant 0 : i32
          %dma_start3A_375 = tpu.memref_slice %arg2[%min3A_373, %dma_start3A_374] : memref<50000x9xi32, #tpu.memory_space<hbm>> -> memref<48x9xi32, #tpu.memory_space<hbm>>
          %dma_start3A_376 = arith.constant 0 : i32
          %dma_start3A_377 = tpu.memref_slice %arg2[%min3A_373, %dma_start3A_376] : memref<50000x9xi32, #tpu.memory_space<hbm>> -> memref<48x9xi32, #tpu.memory_space<hbm>>
          tpu.enqueue_dma source(%dma_start3A_377 : memref<48x9xi32, #tpu.memory_space<hbm>>) target(%arg6 : memref<48x9xi32, #tpu.memory_space<vmem>>) target_semaphore(%arg20 : memref<!tpu.dma_semaphore, #tpu.memory_space<semaphore_mem>>)
          %dma_start3A_378 = arith.constant 0 : i32
          %dma_start3A_379 = tpu.memref_slice %arg4[%min3A_373, %dma_start3A_378] : memref<50000x32xf32, #tpu.memory_space<hbm>> -> memref<48x32xf32, #tpu.memory_space<hbm>>
          %dma_start3A_380 = arith.constant 0 : i32
          %dma_start3A_381 = tpu.memref_slice %arg4[%min3A_373, %dma_start3A_380] : memref<50000x32xf32, #tpu.memory_space<hbm>> -> memref<48x32xf32, #tpu.memory_space<hbm>>
          tpu.enqueue_dma source(%dma_start3A_381 : memref<48x32xf32, #tpu.memory_space<hbm>>) target(%arg12 : memref<48x32xf32, #tpu.memory_space<vmem>>) target_semaphore(%arg22 : memref<!tpu.dma_semaphore, #tpu.memory_space<semaphore_mem>>)
        } else {
        }
      } else {
      }
      %jit3A_306 = arith.constant 2 : i32
      %eq3A_307 = arith.constant 0 : i32
      %eq3A_308 = arith.cmpi eq, %jit3A_306, %eq3A_307 : i32
      %jit3A_309 = arith.constant 1 : i32
      %select_n3A_310 = arith.select %eq3A_308, %jit3A_309, %jit3A_306 : i32
      %rem3A_311 = arith.remsi %scan3A_293, %select_n3A_310 : i32
      %ne3A_312 = arith.constant 0 : i32
      %ne3A_313 = arith.cmpi ne, %rem3A_311, %ne3A_312 : i32
      %lt3A_314 = arith.constant 0 : i32
      %lt3A_315 = arith.cmpi slt, %rem3A_311, %lt3A_314 : i32
      %lt3A_316 = arith.constant 0 : i32
      %lt3A_317 = arith.cmpi slt, %select_n3A_310, %lt3A_316 : i32
      %ne3A_318 = arith.xori %lt3A_315, %lt3A_317 : i1
      %and3A_319 = arith.andi %ne3A_318, %ne3A_313 : i1
      %add3A_320 = arith.addi %rem3A_311, %select_n3A_310 : i32
      %select_n3A_321 = arith.select %and3A_319, %add3A_320, %rem3A_311 : i32
      %eq3A_322 = arith.constant 1 : i32
      %eq3A_323 = arith.cmpi eq, %select_n3A_321, %eq3A_322 : i32
      %convert_element_type3A_324 = arith.extui %eq3A_323 : i1 to i32
      %cond3A_325 = arith.constant 0 : i32
      %cond3A_326 = arith.cmpi ne, %convert_element_type3A_324, %cond3A_325 : i32
      scf.if %cond3A_326 {
        %add3A_327 = arith.constant 1 : i32
        %add3A_328 = arith.addi %scan3A_293, %add3A_327 : i32
        %lt3A_329 = arith.constant 33 : i32
        %lt3A_330 = arith.cmpi slt, %add3A_328, %lt3A_329 : i32
        %convert_element_type3A_331 = arith.extui %lt3A_330 : i1 to i32
        %cond3A_332 = arith.constant 0 : i32
        %cond3A_333 = arith.cmpi ne, %convert_element_type3A_331, %cond3A_332 : i32
        scf.if %cond3A_333 {
          %add3A_367 = arith.constant 1 : i32
          %add3A_368 = arith.addi %scan3A_293, %add3A_367 : i32
          %mul3A_369 = arith.constant 48 : i32
          %mul3A_370 = arith.muli %add3A_368, %mul3A_369 : i32
          %add3A_371 = arith.addi %mul3A_2, %mul3A_370 : i32
          %min3A_372 = arith.constant 49952 : i32
          %min3A_373 = arith.minsi %add3A_371, %min3A_372 : i32
          %dma_wait3A_374 = arith.constant 0 : i32
          %dma_wait3A_375 = tpu.memref_slice %arg2[%min3A_373, %dma_wait3A_374] : memref<50000x9xi32, #tpu.memory_space<hbm>> -> memref<48x9xi32, #tpu.memory_space<hbm>>
          %dma_wait3A_376 = arith.constant 0 : i32
          %dma_wait3A_377 = tpu.memref_slice %arg2[%min3A_373, %dma_wait3A_376] : memref<50000x9xi32, #tpu.memory_space<hbm>> -> memref<48x9xi32, #tpu.memory_space<hbm>>
          tpu.wait_dma2 semaphore(%arg20 : memref<!tpu.dma_semaphore, #tpu.memory_space<semaphore_mem>>) src(%dma_wait3A_377 : memref<48x9xi32, #tpu.memory_space<hbm>>) dst(%arg6 : memref<48x9xi32, #tpu.memory_space<vmem>>)
          %iota3A_378 = tpu.iota {dimensions = array<i32: 0>} : vector<16xi32>
          %add3A_379 = arith.constant 0 : i32
          %add3A_380 = vector.broadcast %add3A_379 : i32 to vector<16xi32>
          %add3A_381 = arith.addi %iota3A_378, %add3A_380 : vector<16xi32>
          %mul3A_382 = arith.constant 5 : i32
          %mul3A_383 = vector.broadcast %mul3A_382 : i32 to vector<16xi32>
          %mul3A_384 = arith.muli %add3A_381, %mul3A_383 : vector<16xi32>
          %broadcast_in_dim3A_385 = arith.constant 0 : i32
          %broadcast_in_dim3A_386 = vector.broadcast %broadcast_in_dim3A_385 : i32 to vector<16xi32>
          %gather3A_387 = tpu.vector_load_idx %arg6[%add3A_381, %broadcast_in_dim3A_386] : memref<48x9xi32, #tpu.memory_space<vmem>>[vector<16xi32>, vector<16xi32>], vector<16xi32>,
          %broadcast_in_dim3A_388 = arith.constant 1 : i32
          %broadcast_in_dim3A_389 = vector.broadcast %broadcast_in_dim3A_388 : i32 to vector<16xi32>
          %gather3A_390 = tpu.vector_load_idx %arg6[%add3A_381, %broadcast_in_dim3A_389] : memref<48x9xi32, #tpu.memory_space<vmem>>[vector<16xi32>, vector<16xi32>], vector<16xi32>,
          %add3A_391 = arith.constant 0 : i32
          %add3A_392 = vector.broadcast %add3A_391 : i32 to vector<16xi32>
          %add3A_393 = arith.addi %mul3A_384, %add3A_392 : vector<16xi32>
          %mul3A_394 = arith.constant 64 : i32
          %mul3A_395 = vector.broadcast %mul3A_394 : i32 to vector<16xi32>
          %mul3A_396 = arith.muli %gather3A_387, %mul3A_395 : vector<16xi32>
          %add3A_397 = arith.addi %mul3A_396, %gather3A_390 : vector<16xi32>
          %add3A_398 = arith.constant 0 : i32
          %add3A_399 = vector.broadcast %add3A_398 : i32 to vector<16xi32>
          %add3A_400 = arith.addi %add3A_397, %add3A_399 : vector<16xi32>
          tpu.vector_store_idx %arg8[%add3A_393], %add3A_400 : memref<240xi32, #tpu.memory_space<vmem>>[vector<16xi32>], vector<16xi32>,
          %broadcast_in_dim3A_401 = arith.constant 2 : i32
          %broadcast_in_dim3A_402 = vector.broadcast %broadcast_in_dim3A_401 : i32 to vector<16xi32>
          %gather3A_403 = tpu.vector_load_idx %arg6[%add3A_381, %broadcast_in_dim3A_402] : memref<48x9xi32, #tpu.memory_space<vmem>>[vector<16xi32>, vector<16xi32>], vector<16xi32>,
          %broadcast_in_dim3A_404 = arith.constant 3 : i32
          %broadcast_in_dim3A_405 = vector.broadcast %broadcast_in_dim3A_404 : i32 to vector<16xi32>
          %gather3A_406 = tpu.vector_load_idx %arg6[%add3A_381, %broadcast_in_dim3A_405] : memref<48x9xi32, #tpu.memory_space<vmem>>[vector<16xi32>, vector<16xi32>], vector<16xi32>,
          %add3A_407 = arith.constant 1 : i32
          %add3A_408 = vector.broadcast %add3A_407 : i32 to vector<16xi32>
          %add3A_409 = arith.addi %mul3A_384, %add3A_408 : vector<16xi32>
          %mul3A_410 = arith.constant 64 : i32
          %mul3A_411 = vector.broadcast %mul3A_410 : i32 to vector<16xi32>
          %mul3A_412 = arith.muli %gather3A_403, %mul3A_411 : vector<16xi32>
          %add3A_413 = arith.addi %mul3A_412, %gather3A_406 : vector<16xi32>
          %add3A_414 = arith.constant 4096 : i32
          %add3A_415 = vector.broadcast %add3A_414 : i32 to vector<16xi32>
          %add3A_416 = arith.addi %add3A_413, %add3A_415 : vector<16xi32>
          tpu.vector_store_idx %arg8[%add3A_409], %add3A_416 : memref<240xi32, #tpu.memory_space<vmem>>[vector<16xi32>], vector<16xi32>,
          %broadcast_in_dim3A_417 = arith.constant 4 : i32
          %broadcast_in_dim3A_418 = vector.broadcast %broadcast_in_dim3A_417 : i32 to vector<16xi32>
          %gather3A_419 = tpu.vector_load_idx %arg6[%add3A_381, %broadcast_in_dim3A_418] : memref<48x9xi32, #tpu.memory_space<vmem>>[vector<16xi32>, vector<16xi32>], vector<16xi32>,
          %broadcast_in_dim3A_420 = arith.constant 5 : i32
          %broadcast_in_dim3A_421 = vector.broadcast %broadcast_in_dim3A_420 : i32 to vector<16xi32>
          %gather3A_422 = tpu.vector_load_idx %arg6[%add3A_381, %broadcast_in_dim3A_421] : memref<48x9xi32, #tpu.memory_space<vmem>>[vector<16xi32>, vector<16xi32>], vector<16xi32>,
          %add3A_423 = arith.constant 2 : i32
          %add3A_424 = vector.broadcast %add3A_423 : i32 to vector<16xi32>
          %add3A_425 = arith.addi %mul3A_384, %add3A_424 : vector<16xi32>
          %mul3A_426 = arith.constant 64 : i32
          %mul3A_427 = vector.broadcast %mul3A_426 : i32 to vector<16xi32>
          %mul3A_428 = arith.muli %gather3A_419, %mul3A_427 : vector<16xi32>
          %add3A_429 = arith.addi %mul3A_428, %gather3A_422 : vector<16xi32>
          %add3A_430 = arith.constant 8192 : i32
          %add3A_431 = vector.broadcast %add3A_430 : i32 to vector<16xi32>
          %add3A_432 = arith.addi %add3A_429, %add3A_431 : vector<16xi32>
          tpu.vector_store_idx %arg8[%add3A_425], %add3A_432 : memref<240xi32, #tpu.memory_space<vmem>>[vector<16xi32>], vector<16xi32>,
          %broadcast_in_dim3A_433 = arith.constant 6 : i32
          %broadcast_in_dim3A_434 = vector.broadcast %broadcast_in_dim3A_433 : i32 to vector<16xi32>
          %gather3A_435 = tpu.vector_load_idx %arg6[%add3A_381, %broadcast_in_dim3A_434] : memref<48x9xi32, #tpu.memory_space<vmem>>[vector<16xi32>, vector<16xi32>], vector<16xi32>,
          %broadcast_in_dim3A_436 = arith.constant 7 : i32
          %broadcast_in_dim3A_437 = vector.broadcast %broadcast_in_dim3A_436 : i32 to vector<16xi32>
          %gather3A_438 = tpu.vector_load_idx %arg6[%add3A_381, %broadcast_in_dim3A_437] : memref<48x9xi32, #tpu.memory_space<vmem>>[vector<16xi32>, vector<16xi32>], vector<16xi32>,
          %add3A_439 = arith.constant 3 : i32
          %add3A_440 = vector.broadcast %add3A_439 : i32 to vector<16xi32>
          %add3A_441 = arith.addi %mul3A_384, %add3A_440 : vector<16xi32>
          %mul3A_442 = arith.constant 64 : i32
          %mul3A_443 = vector.broadcast %mul3A_442 : i32 to vector<16xi32>
          %mul3A_444 = arith.muli %gather3A_435, %mul3A_443 : vector<16xi32>
          %add3A_445 = arith.addi %mul3A_444, %gather3A_438 : vector<16xi32>
          %add3A_446 = arith.constant 12288 : i32
          %add3A_447 = vector.broadcast %add3A_446 : i32 to vector<16xi32>
          %add3A_448 = arith.addi %add3A_445, %add3A_447 : vector<16xi32>
          tpu.vector_store_idx %arg8[%add3A_441], %add3A_448 : memref<240xi32, #tpu.memory_space<vmem>>[vector<16xi32>], vector<16xi32>,
          %broadcast_in_dim3A_449 = arith.constant 8 : i32
          %broadcast_in_dim3A_450 = vector.broadcast %broadcast_in_dim3A_449 : i32 to vector<16xi32>
          %gather3A_451 = tpu.vector_load_idx %arg6[%add3A_381, %broadcast_in_dim3A_450] : memref<48x9xi32, #tpu.memory_space<vmem>>[vector<16xi32>, vector<16xi32>], vector<16xi32>,
          %add3A_452 = arith.constant 4 : i32
          %add3A_453 = vector.broadcast %add3A_452 : i32 to vector<16xi32>
          %add3A_454 = arith.addi %mul3A_384, %add3A_453 : vector<16xi32>
          %add3A_455 = arith.constant 16384 : i32
          %add3A_456 = vector.broadcast %add3A_455 : i32 to vector<16xi32>
          %add3A_457 = arith.addi %gather3A_451, %add3A_456 : vector<16xi32>
          tpu.vector_store_idx %arg8[%add3A_454], %add3A_457 : memref<240xi32, #tpu.memory_space<vmem>>[vector<16xi32>], vector<16xi32>,
          %iota3A_458 = tpu.iota {dimensions = array<i32: 0>} : vector<16xi32>
          %add3A_459 = arith.constant 16 : i32
          %add3A_460 = vector.broadcast %add3A_459 : i32 to vector<16xi32>
          %add3A_461 = arith.addi %iota3A_458, %add3A_460 : vector<16xi32>
          %mul3A_462 = arith.constant 5 : i32
          %mul3A_463 = vector.broadcast %mul3A_462 : i32 to vector<16xi32>
          %mul3A_464 = arith.muli %add3A_461, %mul3A_463 : vector<16xi32>
          %broadcast_in_dim3A_465 = arith.constant 0 : i32
          %broadcast_in_dim3A_466 = vector.broadcast %broadcast_in_dim3A_465 : i32 to vector<16xi32>
          %gather3A_467 = tpu.vector_load_idx %arg6[%add3A_461, %broadcast_in_dim3A_466] : memref<48x9xi32, #tpu.memory_space<vmem>>[vector<16xi32>, vector<16xi32>], vector<16xi32>,
          %broadcast_in_dim3A_468 = arith.constant 1 : i32
          %broadcast_in_dim3A_469 = vector.broadcast %broadcast_in_dim3A_468 : i32 to vector<16xi32>
          %gather3A_470 = tpu.vector_load_idx %arg6[%add3A_461, %broadcast_in_dim3A_469] : memref<48x9xi32, #tpu.memory_space<vmem>>[vector<16xi32>, vector<16xi32>], vector<16xi32>,
          %add3A_471 = arith.constant 0 : i32
          %add3A_472 = vector.broadcast %add3A_471 : i32 to vector<16xi32>
          %add3A_473 = arith.addi %mul3A_464, %add3A_472 : vector<16xi32>
          %mul3A_474 = arith.constant 64 : i32
          %mul3A_475 = vector.broadcast %mul3A_474 : i32 to vector<16xi32>
          %mul3A_476 = arith.muli %gather3A_467, %mul3A_475 : vector<16xi32>
          %add3A_477 = arith.addi %mul3A_476, %gather3A_470 : vector<16xi32>
          %add3A_478 = arith.constant 0 : i32
          %add3A_479 = vector.broadcast %add3A_478 : i32 to vector<16xi32>
          %add3A_480 = arith.addi %add3A_477, %add3A_479 : vector<16xi32>
          tpu.vector_store_idx %arg8[%add3A_473], %add3A_480 : memref<240xi32, #tpu.memory_space<vmem>>[vector<16xi32>], vector<16xi32>,
          %broadcast_in_dim3A_481 = arith.constant 2 : i32
          %broadcast_in_dim3A_482 = vector.broadcast %broadcast_in_dim3A_481 : i32 to vector<16xi32>
          %gather3A_483 = tpu.vector_load_idx %arg6[%add3A_461, %broadcast_in_dim3A_482] : memref<48x9xi32, #tpu.memory_space<vmem>>[vector<16xi32>, vector<16xi32>], vector<16xi32>,
          %broadcast_in_dim3A_484 = arith.constant 3 : i32
          %broadcast_in_dim3A_485 = vector.broadcast %broadcast_in_dim3A_484 : i32 to vector<16xi32>
          %gather3A_486 = tpu.vector_load_idx %arg6[%add3A_461, %broadcast_in_dim3A_485] : memref<48x9xi32, #tpu.memory_space<vmem>>[vector<16xi32>, vector<16xi32>], vector<16xi32>,
          %add3A_487 = arith.constant 1 : i32
          %add3A_488 = vector.broadcast %add3A_487 : i32 to vector<16xi32>
          %add3A_489 = arith.addi %mul3A_464, %add3A_488 : vector<16xi32>
          %mul3A_490 = arith.constant 64 : i32
          %mul3A_491 = vector.broadcast %mul3A_490 : i32 to vector<16xi32>
          %mul3A_492 = arith.muli %gather3A_483, %mul3A_491 : vector<16xi32>
          %add3A_493 = arith.addi %mul3A_492, %gather3A_486 : vector<16xi32>
          %add3A_494 = arith.constant 4096 : i32
          %add3A_495 = vector.broadcast %add3A_494 : i32 to vector<16xi32>
          %add3A_496 = arith.addi %add3A_493, %add3A_495 : vector<16xi32>
          tpu.vector_store_idx %arg8[%add3A_489], %add3A_496 : memref<240xi32, #tpu.memory_space<vmem>>[vector<16xi32>], vector<16xi32>,
          %broadcast_in_dim3A_497 = arith.constant 4 : i32
          %broadcast_in_dim3A_498 = vector.broadcast %broadcast_in_dim3A_497 : i32 to vector<16xi32>
          %gather3A_499 = tpu.vector_load_idx %arg6[%add3A_461, %broadcast_in_dim3A_498] : memref<48x9xi32, #tpu.memory_space<vmem>>[vector<16xi32>, vector<16xi32>], vector<16xi32>,
          %broadcast_in_dim3A_500 = arith.constant 5 : i32
          %broadcast_in_dim3A_501 = vector.broadcast %broadcast_in_dim3A_500 : i32 to vector<16xi32>
          %gather3A_502 = tpu.vector_load_idx %arg6[%add3A_461, %broadcast_in_dim3A_501] : memref<48x9xi32, #tpu.memory_space<vmem>>[vector<16xi32>, vector<16xi32>], vector<16xi32>,
          %add3A_503 = arith.constant 2 : i32
          %add3A_504 = vector.broadcast %add3A_503 : i32 to vector<16xi32>
          %add3A_505 = arith.addi %mul3A_464, %add3A_504 : vector<16xi32>
          %mul3A_506 = arith.constant 64 : i32
          %mul3A_507 = vector.broadcast %mul3A_506 : i32 to vector<16xi32>
          %mul3A_508 = arith.muli %gather3A_499, %mul3A_507 : vector<16xi32>
          %add3A_509 = arith.addi %mul3A_508, %gather3A_502 : vector<16xi32>
          %add3A_510 = arith.constant 8192 : i32
          %add3A_511 = vector.broadcast %add3A_510 : i32 to vector<16xi32>
          %add3A_512 = arith.addi %add3A_509, %add3A_511 : vector<16xi32>
          tpu.vector_store_idx %arg8[%add3A_505], %add3A_512 : memref<240xi32, #tpu.memory_space<vmem>>[vector<16xi32>], vector<16xi32>,
          %broadcast_in_dim3A_513 = arith.constant 6 : i32
          %broadcast_in_dim3A_514 = vector.broadcast %broadcast_in_dim3A_513 : i32 to vector<16xi32>
          %gather3A_515 = tpu.vector_load_idx %arg6[%add3A_461, %broadcast_in_dim3A_514] : memref<48x9xi32, #tpu.memory_space<vmem>>[vector<16xi32>, vector<16xi32>], vector<16xi32>,
          %broadcast_in_dim3A_516 = arith.constant 7 : i32
          %broadcast_in_dim3A_517 = vector.broadcast %broadcast_in_dim3A_516 : i32 to vector<16xi32>
          %gather3A_518 = tpu.vector_load_idx %arg6[%add3A_461, %broadcast_in_dim3A_517] : memref<48x9xi32, #tpu.memory_space<vmem>>[vector<16xi32>, vector<16xi32>], vector<16xi32>,
          %add3A_519 = arith.constant 3 : i32
          %add3A_520 = vector.broadcast %add3A_519 : i32 to vector<16xi32>
          %add3A_521 = arith.addi %mul3A_464, %add3A_520 : vector<16xi32>
          %mul3A_522 = arith.constant 64 : i32
          %mul3A_523 = vector.broadcast %mul3A_522 : i32 to vector<16xi32>
          %mul3A_524 = arith.muli %gather3A_515, %mul3A_523 : vector<16xi32>
          %add3A_525 = arith.addi %mul3A_524, %gather3A_518 : vector<16xi32>
          %add3A_526 = arith.constant 12288 : i32
          %add3A_527 = vector.broadcast %add3A_526 : i32 to vector<16xi32>
          %add3A_528 = arith.addi %add3A_525, %add3A_527 : vector<16xi32>
          tpu.vector_store_idx %arg8[%add3A_521], %add3A_528 : memref<240xi32, #tpu.memory_space<vmem>>[vector<16xi32>], vector<16xi32>,
          %broadcast_in_dim3A_529 = arith.constant 8 : i32
          %broadcast_in_dim3A_530 = vector.broadcast %broadcast_in_dim3A_529 : i32 to vector<16xi32>
          %gather3A_531 = tpu.vector_load_idx %arg6[%add3A_461, %broadcast_in_dim3A_530] : memref<48x9xi32, #tpu.memory_space<vmem>>[vector<16xi32>, vector<16xi32>], vector<16xi32>,
          %add3A_532 = arith.constant 4 : i32
          %add3A_533 = vector.broadcast %add3A_532 : i32 to vector<16xi32>
          %add3A_534 = arith.addi %mul3A_464, %add3A_533 : vector<16xi32>
          %add3A_535 = arith.constant 16384 : i32
          %add3A_536 = vector.broadcast %add3A_535 : i32 to vector<16xi32>
          %add3A_537 = arith.addi %gather3A_531, %add3A_536 : vector<16xi32>
          tpu.vector_store_idx %arg8[%add3A_534], %add3A_537 : memref<240xi32, #tpu.memory_space<vmem>>[vector<16xi32>], vector<16xi32>,
          %iota3A_538 = tpu.iota {dimensions = array<i32: 0>} : vector<16xi32>
          %add3A_539 = arith.constant 32 : i32
          %add3A_540 = vector.broadcast %add3A_539 : i32 to vector<16xi32>
          %add3A_541 = arith.addi %iota3A_538, %add3A_540 : vector<16xi32>
          %mul3A_542 = arith.constant 5 : i32
          %mul3A_543 = vector.broadcast %mul3A_542 : i32 to vector<16xi32>
          %mul3A_544 = arith.muli %add3A_541, %mul3A_543 : vector<16xi32>
          %broadcast_in_dim3A_545 = arith.constant 0 : i32
          %broadcast_in_dim3A_546 = vector.broadcast %broadcast_in_dim3A_545 : i32 to vector<16xi32>
          %gather3A_547 = tpu.vector_load_idx %arg6[%add3A_541, %broadcast_in_dim3A_546] : memref<48x9xi32, #tpu.memory_space<vmem>>[vector<16xi32>, vector<16xi32>], vector<16xi32>,
          %broadcast_in_dim3A_548 = arith.constant 1 : i32
          %broadcast_in_dim3A_549 = vector.broadcast %broadcast_in_dim3A_548 : i32 to vector<16xi32>
          %gather3A_550 = tpu.vector_load_idx %arg6[%add3A_541, %broadcast_in_dim3A_549] : memref<48x9xi32, #tpu.memory_space<vmem>>[vector<16xi32>, vector<16xi32>], vector<16xi32>,
          %add3A_551 = arith.constant 0 : i32
          %add3A_552 = vector.broadcast %add3A_551 : i32 to vector<16xi32>
          %add3A_553 = arith.addi %mul3A_544, %add3A_552 : vector<16xi32>
          %mul3A_554 = arith.constant 64 : i32
          %mul3A_555 = vector.broadcast %mul3A_554 : i32 to vector<16xi32>
          %mul3A_556 = arith.muli %gather3A_547, %mul3A_555 : vector<16xi32>
          %add3A_557 = arith.addi %mul3A_556, %gather3A_550 : vector<16xi32>
          %add3A_558 = arith.constant 0 : i32
          %add3A_559 = vector.broadcast %add3A_558 : i32 to vector<16xi32>
          %add3A_560 = arith.addi %add3A_557, %add3A_559 : vector<16xi32>
          tpu.vector_store_idx %arg8[%add3A_553], %add3A_560 : memref<240xi32, #tpu.memory_space<vmem>>[vector<16xi32>], vector<16xi32>,
          %broadcast_in_dim3A_561 = arith.constant 2 : i32
          %broadcast_in_dim3A_562 = vector.broadcast %broadcast_in_dim3A_561 : i32 to vector<16xi32>
          %gather3A_563 = tpu.vector_load_idx %arg6[%add3A_541, %broadcast_in_dim3A_562] : memref<48x9xi32, #tpu.memory_space<vmem>>[vector<16xi32>, vector<16xi32>], vector<16xi32>,
          %broadcast_in_dim3A_564 = arith.constant 3 : i32
          %broadcast_in_dim3A_565 = vector.broadcast %broadcast_in_dim3A_564 : i32 to vector<16xi32>
          %gather3A_566 = tpu.vector_load_idx %arg6[%add3A_541, %broadcast_in_dim3A_565] : memref<48x9xi32, #tpu.memory_space<vmem>>[vector<16xi32>, vector<16xi32>], vector<16xi32>,
          %add3A_567 = arith.constant 1 : i32
          %add3A_568 = vector.broadcast %add3A_567 : i32 to vector<16xi32>
          %add3A_569 = arith.addi %mul3A_544, %add3A_568 : vector<16xi32>
          %mul3A_570 = arith.constant 64 : i32
          %mul3A_571 = vector.broadcast %mul3A_570 : i32 to vector<16xi32>
          %mul3A_572 = arith.muli %gather3A_563, %mul3A_571 : vector<16xi32>
          %add3A_573 = arith.addi %mul3A_572, %gather3A_566 : vector<16xi32>
          %add3A_574 = arith.constant 4096 : i32
          %add3A_575 = vector.broadcast %add3A_574 : i32 to vector<16xi32>
          %add3A_576 = arith.addi %add3A_573, %add3A_575 : vector<16xi32>
          tpu.vector_store_idx %arg8[%add3A_569], %add3A_576 : memref<240xi32, #tpu.memory_space<vmem>>[vector<16xi32>], vector<16xi32>,
          %broadcast_in_dim3A_577 = arith.constant 4 : i32
          %broadcast_in_dim3A_578 = vector.broadcast %broadcast_in_dim3A_577 : i32 to vector<16xi32>
          %gather3A_579 = tpu.vector_load_idx %arg6[%add3A_541, %broadcast_in_dim3A_578] : memref<48x9xi32, #tpu.memory_space<vmem>>[vector<16xi32>, vector<16xi32>], vector<16xi32>,
          %broadcast_in_dim3A_580 = arith.constant 5 : i32
          %broadcast_in_dim3A_581 = vector.broadcast %broadcast_in_dim3A_580 : i32 to vector<16xi32>
          %gather3A_582 = tpu.vector_load_idx %arg6[%add3A_541, %broadcast_in_dim3A_581] : memref<48x9xi32, #tpu.memory_space<vmem>>[vector<16xi32>, vector<16xi32>], vector<16xi32>,
          %add3A_583 = arith.constant 2 : i32
          %add3A_584 = vector.broadcast %add3A_583 : i32 to vector<16xi32>
          %add3A_585 = arith.addi %mul3A_544, %add3A_584 : vector<16xi32>
          %mul3A_586 = arith.constant 64 : i32
          %mul3A_587 = vector.broadcast %mul3A_586 : i32 to vector<16xi32>
          %mul3A_588 = arith.muli %gather3A_579, %mul3A_587 : vector<16xi32>
          %add3A_589 = arith.addi %mul3A_588, %gather3A_582 : vector<16xi32>
          %add3A_590 = arith.constant 8192 : i32
          %add3A_591 = vector.broadcast %add3A_590 : i32 to vector<16xi32>
          %add3A_592 = arith.addi %add3A_589, %add3A_591 : vector<16xi32>
          tpu.vector_store_idx %arg8[%add3A_585], %add3A_592 : memref<240xi32, #tpu.memory_space<vmem>>[vector<16xi32>], vector<16xi32>,
          %broadcast_in_dim3A_593 = arith.constant 6 : i32
          %broadcast_in_dim3A_594 = vector.broadcast %broadcast_in_dim3A_593 : i32 to vector<16xi32>
          %gather3A_595 = tpu.vector_load_idx %arg6[%add3A_541, %broadcast_in_dim3A_594] : memref<48x9xi32, #tpu.memory_space<vmem>>[vector<16xi32>, vector<16xi32>], vector<16xi32>,
          %broadcast_in_dim3A_596 = arith.constant 7 : i32
          %broadcast_in_dim3A_597 = vector.broadcast %broadcast_in_dim3A_596 : i32 to vector<16xi32>
          %gather3A_598 = tpu.vector_load_idx %arg6[%add3A_541, %broadcast_in_dim3A_597] : memref<48x9xi32, #tpu.memory_space<vmem>>[vector<16xi32>, vector<16xi32>], vector<16xi32>,
          %add3A_599 = arith.constant 3 : i32
          %add3A_600 = vector.broadcast %add3A_599 : i32 to vector<16xi32>
          %add3A_601 = arith.addi %mul3A_544, %add3A_600 : vector<16xi32>
          %mul3A_602 = arith.constant 64 : i32
          %mul3A_603 = vector.broadcast %mul3A_602 : i32 to vector<16xi32>
          %mul3A_604 = arith.muli %gather3A_595, %mul3A_603 : vector<16xi32>
          %add3A_605 = arith.addi %mul3A_604, %gather3A_598 : vector<16xi32>
          %add3A_606 = arith.constant 12288 : i32
          %add3A_607 = vector.broadcast %add3A_606 : i32 to vector<16xi32>
          %add3A_608 = arith.addi %add3A_605, %add3A_607 : vector<16xi32>
          tpu.vector_store_idx %arg8[%add3A_601], %add3A_608 : memref<240xi32, #tpu.memory_space<vmem>>[vector<16xi32>], vector<16xi32>,
          %broadcast_in_dim3A_609 = arith.constant 8 : i32
          %broadcast_in_dim3A_610 = vector.broadcast %broadcast_in_dim3A_609 : i32 to vector<16xi32>
          %gather3A_611 = tpu.vector_load_idx %arg6[%add3A_541, %broadcast_in_dim3A_610] : memref<48x9xi32, #tpu.memory_space<vmem>>[vector<16xi32>, vector<16xi32>], vector<16xi32>,
          %add3A_612 = arith.constant 4 : i32
          %add3A_613 = vector.broadcast %add3A_612 : i32 to vector<16xi32>
          %add3A_614 = arith.addi %mul3A_544, %add3A_613 : vector<16xi32>
          %add3A_615 = arith.constant 16384 : i32
          %add3A_616 = vector.broadcast %add3A_615 : i32 to vector<16xi32>
          %add3A_617 = arith.addi %gather3A_611, %add3A_616 : vector<16xi32>
          tpu.vector_store_idx %arg8[%add3A_614], %add3A_617 : memref<240xi32, #tpu.memory_space<vmem>>[vector<16xi32>], vector<16xi32>,
          %dma_start3A_618 = arith.constant 0 : i32
          %dma_start3A_619 = arith.constant 0 : i32
          %dma_start3A_620 = tpu.memref_slice %arg3[%dma_start3A_618, %dma_start3A_619] : memref<20480x128xi32, #tpu.memory_space<hbm>> -> memref<20480x128xi32, #tpu.memory_space<hbm>>
          tpu.enqueue_indirect_dma source(%dma_start3A_620 : memref<20480x128xi32, #tpu.memory_space<hbm>>) target(%arg10 : memref<240x128xi32, #tpu.memory_space<vmem>>) offsets(%arg8 : memref<240xi32, #tpu.memory_space<vmem>>) semaphore(%arg16 : memref<!tpu.dma_semaphore, #tpu.memory_space<semaphore_mem>>)
        } else {
        }
        %mul3A_334 = arith.constant 48 : i32
        %mul3A_335 = arith.muli %scan3A_293, %mul3A_334 : i32
        %add3A_336 = arith.addi %mul3A_2, %mul3A_335 : i32
        %min3A_337 = arith.constant 49952 : i32
        %min3A_338 = arith.minsi %add3A_336, %min3A_337 : i32
        %ge3A = arith.constant 2 : i32
        %ge3A_339 = arith.cmpi sge, %scan3A_293, %ge3A : i32
        %convert_element_type3A_340 = arith.extui %ge3A_339 : i1 to i32
        %cond3A_341 = arith.constant 0 : i32
        %cond3A_342 = arith.cmpi ne, %convert_element_type3A_340, %cond3A_341 : i32
        scf.if %cond3A_342 {
          %sub3A = arith.constant 2 : i32
          %sub3A_367 = arith.subi %scan3A_293, %sub3A : i32
          %mul3A_368 = arith.constant 48 : i32
          %mul3A_369 = arith.muli %sub3A_367, %mul3A_368 : i32
          %add3A_370 = arith.addi %mul3A_2, %mul3A_369 : i32
          %min3A_371 = arith.constant 49952 : i32
          %min3A_372 = arith.minsi %add3A_370, %min3A_371 : i32
          %dma_wait3A_373 = arith.constant 0 : i32
          %dma_wait3A_374 = tpu.memref_slice %arg5[%min3A_372, %dma_wait3A_373] : memref<50000x256xf32, #tpu.memory_space<hbm>> -> memref<48x256xf32, #tpu.memory_space<hbm>>
          %dma_wait3A_375 = arith.constant 0 : i32
          %dma_wait3A_376 = tpu.memref_slice %arg5[%min3A_372, %dma_wait3A_375] : memref<50000x256xf32, #tpu.memory_space<hbm>> -> memref<48x256xf32, #tpu.memory_space<hbm>>
          tpu.wait_dma2 semaphore(%arg19 : memref<!tpu.dma_semaphore, #tpu.memory_space<semaphore_mem>>) src(%arg15 : memref<48x256xf32, #tpu.memory_space<vmem>>) dst(%dma_wait3A_376 : memref<48x256xf32, #tpu.memory_space<hbm>>)
        } else {
        }
        %dma_wait3A_343 = arith.constant 0 : i32
        %dma_wait3A_344 = arith.constant 0 : i32
        %dma_wait3A_345 = tpu.memref_slice %arg3[%dma_wait3A_343, %dma_wait3A_344] : memref<20480x128xi32, #tpu.memory_space<hbm>> -> memref<20480x128xi32, #tpu.memory_space<hbm>>
        tpu.wait_indirect_dma semaphore(%arg17 : memref<!tpu.dma_semaphore, #tpu.memory_space<semaphore_mem>>) src(%dma_wait3A_345 : memref<20480x128xi32, #tpu.memory_space<hbm>>) dst(%arg11 : memref<240x128xi32, #tpu.memory_space<vmem>>)
        %dma_wait3A_346 = arith.constant 0 : i32
        %dma_wait3A_347 = tpu.memref_slice %arg4[%min3A_338, %dma_wait3A_346] : memref<50000x32xf32, #tpu.memory_space<hbm>> -> memref<48x32xf32, #tpu.memory_space<hbm>>
        %dma_wait3A_348 = arith.constant 0 : i32
        %dma_wait3A_349 = tpu.memref_slice %arg4[%min3A_338, %dma_wait3A_348] : memref<50000x32xf32, #tpu.memory_space<hbm>> -> memref<48x32xf32, #tpu.memory_space<hbm>>
        tpu.wait_dma2 semaphore(%arg23 : memref<!tpu.dma_semaphore, #tpu.memory_space<semaphore_mem>>) src(%dma_wait3A_349 : memref<48x32xf32, #tpu.memory_space<hbm>>) dst(%arg13 : memref<48x32xf32, #tpu.memory_space<vmem>>)
        %scan3A_350 = arith.constant 0 : i32
        %scan3A_351 = arith.constant 0 : i32
        %scan3A_352 = arith.constant 48 : i32
        %scan3A_353 = arith.addi %scan3A_351, %scan3A_352 : i32
        %scan3A_354 = arith.constant 1 : i32
        scf.for %scan3A_367 = %scan3A_351 to %scan3A_353 step %scan3A_354  : i32 {
          %mul3A_368 = arith.constant 5 : i32
          %mul3A_369 = arith.muli %scan3A_367, %mul3A_368 : i32
          %add3A_370 = arith.constant 0 : i32
          %add3A_371 = arith.addi %mul3A_369, %add3A_370 : i32
          %get3A = arith.index_cast %add3A_371 : i32 to index
          %get3A_372 = arith.constant 0 : index
          %get3A_373 = tpu.vector_load %arg11[%get3A, %get3A_372] {strides = array<i32>} : memref<240x128xi32, #tpu.memory_space<vmem>>, vector<16xi32>,
          %bitcast3A = vector.bitcast %get3A_373 : vector<16xi32> to vector<32xbf16>
          %unpack3A = tpu.unpack_subelements %bitcast3A, 0 {pack_format = #tpu.pack_format<interleaved>} : vector<32xbf16> -> vector<16xf32>
          %unpack3A_374 = tpu.unpack_subelements %bitcast3A, 1 {pack_format = #tpu.pack_format<interleaved>} : vector<32xbf16> -> vector<16xf32>
          %add3A_375 = arith.constant 1 : i32
          %add3A_376 = arith.addi %mul3A_369, %add3A_375 : i32
          %get3A_377 = arith.index_cast %add3A_376 : i32 to index
          %get3A_378 = arith.constant 0 : index
          %get3A_379 = tpu.vector_load %arg11[%get3A_377, %get3A_378] {strides = array<i32>} : memref<240x128xi32, #tpu.memory_space<vmem>>, vector<16xi32>,
          %bitcast3A_380 = vector.bitcast %get3A_379 : vector<16xi32> to vector<32xbf16>
          %unpack3A_381 = tpu.unpack_subelements %bitcast3A_380, 0 {pack_format = #tpu.pack_format<interleaved>} : vector<32xbf16> -> vector<16xf32>
          %unpack3A_382 = tpu.unpack_subelements %bitcast3A_380, 1 {pack_format = #tpu.pack_format<interleaved>} : vector<32xbf16> -> vector<16xf32>
          %add3A_383 = arith.addf %unpack3A, %unpack3A_381 : vector<16xf32>
          %add3A_384 = arith.addf %unpack3A_374, %unpack3A_382 : vector<16xf32>
          %add3A_385 = arith.constant 2 : i32
          %add3A_386 = arith.addi %mul3A_369, %add3A_385 : i32
          %get3A_387 = arith.index_cast %add3A_386 : i32 to index
          %get3A_388 = arith.constant 0 : index
          %get3A_389 = tpu.vector_load %arg11[%get3A_387, %get3A_388] {strides = array<i32>} : memref<240x128xi32, #tpu.memory_space<vmem>>, vector<16xi32>,
          %bitcast3A_390 = vector.bitcast %get3A_389 : vector<16xi32> to vector<32xbf16>
          %unpack3A_391 = tpu.unpack_subelements %bitcast3A_390, 0 {pack_format = #tpu.pack_format<interleaved>} : vector<32xbf16> -> vector<16xf32>
          %unpack3A_392 = tpu.unpack_subelements %bitcast3A_390, 1 {pack_format = #tpu.pack_format<interleaved>} : vector<32xbf16> -> vector<16xf32>
          %add3A_393 = arith.addf %add3A_383, %unpack3A_391 : vector<16xf32>
          %add3A_394 = arith.addf %add3A_384, %unpack3A_392 : vector<16xf32>
          %add3A_395 = arith.constant 3 : i32
          %add3A_396 = arith.addi %mul3A_369, %add3A_395 : i32
          %get3A_397 = arith.index_cast %add3A_396 : i32 to index
          %get3A_398 = arith.constant 0 : index
          %get3A_399 = tpu.vector_load %arg11[%get3A_397, %get3A_398] {strides = array<i32>} : memref<240x128xi32, #tpu.memory_space<vmem>>, vector<16xi32>,
          %bitcast3A_400 = vector.bitcast %get3A_399 : vector<16xi32> to vector<32xbf16>
          %unpack3A_401 = tpu.unpack_subelements %bitcast3A_400, 0 {pack_format = #tpu.pack_format<interleaved>} : vector<32xbf16> -> vector<16xf32>
          %unpack3A_402 = tpu.unpack_subelements %bitcast3A_400, 1 {pack_format = #tpu.pack_format<interleaved>} : vector<32xbf16> -> vector<16xf32>
          %add3A_403 = arith.addf %add3A_393, %unpack3A_401 : vector<16xf32>
          %add3A_404 = arith.addf %add3A_394, %unpack3A_402 : vector<16xf32>
          %add3A_405 = arith.constant 4 : i32
          %add3A_406 = arith.addi %mul3A_369, %add3A_405 : i32
          %get3A_407 = arith.index_cast %add3A_406 : i32 to index
          %get3A_408 = arith.constant 0 : index
          %get3A_409 = tpu.vector_load %arg11[%get3A_407, %get3A_408] {strides = array<i32>} : memref<240x128xi32, #tpu.memory_space<vmem>>, vector<16xi32>,
          %bitcast3A_410 = vector.bitcast %get3A_409 : vector<16xi32> to vector<32xbf16>
          %unpack3A_411 = tpu.unpack_subelements %bitcast3A_410, 0 {pack_format = #tpu.pack_format<interleaved>} : vector<32xbf16> -> vector<16xf32>
          %unpack3A_412 = tpu.unpack_subelements %bitcast3A_410, 1 {pack_format = #tpu.pack_format<interleaved>} : vector<32xbf16> -> vector<16xf32>
          %add3A_413 = arith.addf %add3A_403, %unpack3A_411 : vector<16xf32>
          %add3A_414 = arith.addf %add3A_404, %unpack3A_412 : vector<16xf32>
          %swap3A = arith.index_cast %scan3A_367 : i32 to index
          %swap3A_415 = arith.constant 0 : index
          %swap3A_416 = tpu.vector_load %arg15[%swap3A, %swap3A_415] {strides = array<i32>} : memref<48x256xf32, #tpu.memory_space<vmem>>, vector<16xf32>,
          tpu.vector_store %arg15[%swap3A, %swap3A_415], %add3A_413 {strides = array<i32>} : memref<48x256xf32, #tpu.memory_space<vmem>>, vector<16xf32>,
          %swap3A_417 = arith.index_cast %scan3A_367 : i32 to index
          %swap3A_418 = arith.constant 128 : index
          %swap3A_419 = tpu.vector_load %arg15[%swap3A_417, %swap3A_418] {strides = array<i32>} : memref<48x256xf32, #tpu.memory_space<vmem>>, vector<16xf32>,
          tpu.vector_store %arg15[%swap3A_417, %swap3A_418], %add3A_414 {strides = array<i32>} : memref<48x256xf32, #tpu.memory_space<vmem>>, vector<16xf32>,
          %add3A_420 = arith.constant 0 : i32
          %add3A_421 = arith.addi %mul3A_369, %add3A_420 : i32
          %get3A_422 = arith.index_cast %add3A_421 : i32 to index
          %get3A_423 = arith.constant 16 : index
          %get3A_424 = tpu.vector_load %arg11[%get3A_422, %get3A_423] {strides = array<i32>} : memref<240x128xi32, #tpu.memory_space<vmem>>, vector<16xi32>,
          %bitcast3A_425 = vector.bitcast %get3A_424 : vector<16xi32> to vector<32xbf16>
          %unpack3A_426 = tpu.unpack_subelements %bitcast3A_425, 0 {pack_format = #tpu.pack_format<interleaved>} : vector<32xbf16> -> vector<16xf32>
          %unpack3A_427 = tpu.unpack_subelements %bitcast3A_425, 1 {pack_format = #tpu.pack_format<interleaved>} : vector<32xbf16> -> vector<16xf32>
          %add3A_428 = arith.constant 1 : i32
          %add3A_429 = arith.addi %mul3A_369, %add3A_428 : i32
          %get3A_430 = arith.index_cast %add3A_429 : i32 to index
          %get3A_431 = arith.constant 16 : index
          %get3A_432 = tpu.vector_load %arg11[%get3A_430, %get3A_431] {strides = array<i32>} : memref<240x128xi32, #tpu.memory_space<vmem>>, vector<16xi32>,
          %bitcast3A_433 = vector.bitcast %get3A_432 : vector<16xi32> to vector<32xbf16>
          %unpack3A_434 = tpu.unpack_subelements %bitcast3A_433, 0 {pack_format = #tpu.pack_format<interleaved>} : vector<32xbf16> -> vector<16xf32>
          %unpack3A_435 = tpu.unpack_subelements %bitcast3A_433, 1 {pack_format = #tpu.pack_format<interleaved>} : vector<32xbf16> -> vector<16xf32>
          %add3A_436 = arith.addf %unpack3A_426, %unpack3A_434 : vector<16xf32>
          %add3A_437 = arith.addf %unpack3A_427, %unpack3A_435 : vector<16xf32>
          %add3A_438 = arith.constant 2 : i32
          %add3A_439 = arith.addi %mul3A_369, %add3A_438 : i32
          %get3A_440 = arith.index_cast %add3A_439 : i32 to index
          %get3A_441 = arith.constant 16 : index
          %get3A_442 = tpu.vector_load %arg11[%get3A_440, %get3A_441] {strides = array<i32>} : memref<240x128xi32, #tpu.memory_space<vmem>>, vector<16xi32>,
          %bitcast3A_443 = vector.bitcast %get3A_442 : vector<16xi32> to vector<32xbf16>
          %unpack3A_444 = tpu.unpack_subelements %bitcast3A_443, 0 {pack_format = #tpu.pack_format<interleaved>} : vector<32xbf16> -> vector<16xf32>
          %unpack3A_445 = tpu.unpack_subelements %bitcast3A_443, 1 {pack_format = #tpu.pack_format<interleaved>} : vector<32xbf16> -> vector<16xf32>
          %add3A_446 = arith.addf %add3A_436, %unpack3A_444 : vector<16xf32>
          %add3A_447 = arith.addf %add3A_437, %unpack3A_445 : vector<16xf32>
          %add3A_448 = arith.constant 3 : i32
          %add3A_449 = arith.addi %mul3A_369, %add3A_448 : i32
          %get3A_450 = arith.index_cast %add3A_449 : i32 to index
          %get3A_451 = arith.constant 16 : index
          %get3A_452 = tpu.vector_load %arg11[%get3A_450, %get3A_451] {strides = array<i32>} : memref<240x128xi32, #tpu.memory_space<vmem>>, vector<16xi32>,
          %bitcast3A_453 = vector.bitcast %get3A_452 : vector<16xi32> to vector<32xbf16>
          %unpack3A_454 = tpu.unpack_subelements %bitcast3A_453, 0 {pack_format = #tpu.pack_format<interleaved>} : vector<32xbf16> -> vector<16xf32>
          %unpack3A_455 = tpu.unpack_subelements %bitcast3A_453, 1 {pack_format = #tpu.pack_format<interleaved>} : vector<32xbf16> -> vector<16xf32>
          %add3A_456 = arith.addf %add3A_446, %unpack3A_454 : vector<16xf32>
          %add3A_457 = arith.addf %add3A_447, %unpack3A_455 : vector<16xf32>
          %add3A_458 = arith.constant 4 : i32
          %add3A_459 = arith.addi %mul3A_369, %add3A_458 : i32
          %get3A_460 = arith.index_cast %add3A_459 : i32 to index
          %get3A_461 = arith.constant 16 : index
          %get3A_462 = tpu.vector_load %arg11[%get3A_460, %get3A_461] {strides = array<i32>} : memref<240x128xi32, #tpu.memory_space<vmem>>, vector<16xi32>,
          %bitcast3A_463 = vector.bitcast %get3A_462 : vector<16xi32> to vector<32xbf16>
          %unpack3A_464 = tpu.unpack_subelements %bitcast3A_463, 0 {pack_format = #tpu.pack_format<interleaved>} : vector<32xbf16> -> vector<16xf32>
          %unpack3A_465 = tpu.unpack_subelements %bitcast3A_463, 1 {pack_format = #tpu.pack_format<interleaved>} : vector<32xbf16> -> vector<16xf32>
          %add3A_466 = arith.addf %add3A_456, %unpack3A_464 : vector<16xf32>
          %add3A_467 = arith.addf %add3A_457, %unpack3A_465 : vector<16xf32>
          %swap3A_468 = arith.index_cast %scan3A_367 : i32 to index
          %swap3A_469 = arith.constant 16 : index
          %swap3A_470 = tpu.vector_load %arg15[%swap3A_468, %swap3A_469] {strides = array<i32>} : memref<48x256xf32, #tpu.memory_space<vmem>>, vector<16xf32>,
          tpu.vector_store %arg15[%swap3A_468, %swap3A_469], %add3A_466 {strides = array<i32>} : memref<48x256xf32, #tpu.memory_space<vmem>>, vector<16xf32>,
          %swap3A_471 = arith.index_cast %scan3A_367 : i32 to index
          %swap3A_472 = arith.constant 144 : index
          %swap3A_473 = tpu.vector_load %arg15[%swap3A_471, %swap3A_472] {strides = array<i32>} : memref<48x256xf32, #tpu.memory_space<vmem>>, vector<16xf32>,
          tpu.vector_store %arg15[%swap3A_471, %swap3A_472], %add3A_467 {strides = array<i32>} : memref<48x256xf32, #tpu.memory_space<vmem>>, vector<16xf32>,
          %add3A_474 = arith.constant 0 : i32
          %add3A_475 = arith.addi %mul3A_369, %add3A_474 : i32
          %get3A_476 = arith.index_cast %add3A_475 : i32 to index
          %get3A_477 = arith.constant 32 : index
          %get3A_478 = tpu.vector_load %arg11[%get3A_476, %get3A_477] {strides = array<i32>} : memref<240x128xi32, #tpu.memory_space<vmem>>, vector<16xi32>,
          %bitcast3A_479 = vector.bitcast %get3A_478 : vector<16xi32> to vector<32xbf16>
          %unpack3A_480 = tpu.unpack_subelements %bitcast3A_479, 0 {pack_format = #tpu.pack_format<interleaved>} : vector<32xbf16> -> vector<16xf32>
          %unpack3A_481 = tpu.unpack_subelements %bitcast3A_479, 1 {pack_format = #tpu.pack_format<interleaved>} : vector<32xbf16> -> vector<16xf32>
          %add3A_482 = arith.constant 1 : i32
          %add3A_483 = arith.addi %mul3A_369, %add3A_482 : i32
          %get3A_484 = arith.index_cast %add3A_483 : i32 to index
          %get3A_485 = arith.constant 32 : index
          %get3A_486 = tpu.vector_load %arg11[%get3A_484, %get3A_485] {strides = array<i32>} : memref<240x128xi32, #tpu.memory_space<vmem>>, vector<16xi32>,
          %bitcast3A_487 = vector.bitcast %get3A_486 : vector<16xi32> to vector<32xbf16>
          %unpack3A_488 = tpu.unpack_subelements %bitcast3A_487, 0 {pack_format = #tpu.pack_format<interleaved>} : vector<32xbf16> -> vector<16xf32>
          %unpack3A_489 = tpu.unpack_subelements %bitcast3A_487, 1 {pack_format = #tpu.pack_format<interleaved>} : vector<32xbf16> -> vector<16xf32>
          %add3A_490 = arith.addf %unpack3A_480, %unpack3A_488 : vector<16xf32>
          %add3A_491 = arith.addf %unpack3A_481, %unpack3A_489 : vector<16xf32>
          %add3A_492 = arith.constant 2 : i32
          %add3A_493 = arith.addi %mul3A_369, %add3A_492 : i32
          %get3A_494 = arith.index_cast %add3A_493 : i32 to index
          %get3A_495 = arith.constant 32 : index
          %get3A_496 = tpu.vector_load %arg11[%get3A_494, %get3A_495] {strides = array<i32>} : memref<240x128xi32, #tpu.memory_space<vmem>>, vector<16xi32>,
          %bitcast3A_497 = vector.bitcast %get3A_496 : vector<16xi32> to vector<32xbf16>
          %unpack3A_498 = tpu.unpack_subelements %bitcast3A_497, 0 {pack_format = #tpu.pack_format<interleaved>} : vector<32xbf16> -> vector<16xf32>
          %unpack3A_499 = tpu.unpack_subelements %bitcast3A_497, 1 {pack_format = #tpu.pack_format<interleaved>} : vector<32xbf16> -> vector<16xf32>
          %add3A_500 = arith.addf %add3A_490, %unpack3A_498 : vector<16xf32>
          %add3A_501 = arith.addf %add3A_491, %unpack3A_499 : vector<16xf32>
          %add3A_502 = arith.constant 3 : i32
          %add3A_503 = arith.addi %mul3A_369, %add3A_502 : i32
          %get3A_504 = arith.index_cast %add3A_503 : i32 to index
          %get3A_505 = arith.constant 32 : index
          %get3A_506 = tpu.vector_load %arg11[%get3A_504, %get3A_505] {strides = array<i32>} : memref<240x128xi32, #tpu.memory_space<vmem>>, vector<16xi32>,
          %bitcast3A_507 = vector.bitcast %get3A_506 : vector<16xi32> to vector<32xbf16>
          %unpack3A_508 = tpu.unpack_subelements %bitcast3A_507, 0 {pack_format = #tpu.pack_format<interleaved>} : vector<32xbf16> -> vector<16xf32>
          %unpack3A_509 = tpu.unpack_subelements %bitcast3A_507, 1 {pack_format = #tpu.pack_format<interleaved>} : vector<32xbf16> -> vector<16xf32>
          %add3A_510 = arith.addf %add3A_500, %unpack3A_508 : vector<16xf32>
          %add3A_511 = arith.addf %add3A_501, %unpack3A_509 : vector<16xf32>
          %add3A_512 = arith.constant 4 : i32
          %add3A_513 = arith.addi %mul3A_369, %add3A_512 : i32
          %get3A_514 = arith.index_cast %add3A_513 : i32 to index
          %get3A_515 = arith.constant 32 : index
          %get3A_516 = tpu.vector_load %arg11[%get3A_514, %get3A_515] {strides = array<i32>} : memref<240x128xi32, #tpu.memory_space<vmem>>, vector<16xi32>,
          %bitcast3A_517 = vector.bitcast %get3A_516 : vector<16xi32> to vector<32xbf16>
          %unpack3A_518 = tpu.unpack_subelements %bitcast3A_517, 0 {pack_format = #tpu.pack_format<interleaved>} : vector<32xbf16> -> vector<16xf32>
          %unpack3A_519 = tpu.unpack_subelements %bitcast3A_517, 1 {pack_format = #tpu.pack_format<interleaved>} : vector<32xbf16> -> vector<16xf32>
          %add3A_520 = arith.addf %add3A_510, %unpack3A_518 : vector<16xf32>
          %add3A_521 = arith.addf %add3A_511, %unpack3A_519 : vector<16xf32>
          %swap3A_522 = arith.index_cast %scan3A_367 : i32 to index
          %swap3A_523 = arith.constant 32 : index
          %swap3A_524 = tpu.vector_load %arg15[%swap3A_522, %swap3A_523] {strides = array<i32>} : memref<48x256xf32, #tpu.memory_space<vmem>>, vector<16xf32>,
          tpu.vector_store %arg15[%swap3A_522, %swap3A_523], %add3A_520 {strides = array<i32>} : memref<48x256xf32, #tpu.memory_space<vmem>>, vector<16xf32>,
          %swap3A_525 = arith.index_cast %scan3A_367 : i32 to index
          %swap3A_526 = arith.constant 160 : index
          %swap3A_527 = tpu.vector_load %arg15[%swap3A_525, %swap3A_526] {strides = array<i32>} : memref<48x256xf32, #tpu.memory_space<vmem>>, vector<16xf32>,
          tpu.vector_store %arg15[%swap3A_525, %swap3A_526], %add3A_521 {strides = array<i32>} : memref<48x256xf32, #tpu.memory_space<vmem>>, vector<16xf32>,
          %add3A_528 = arith.constant 0 : i32
          %add3A_529 = arith.addi %mul3A_369, %add3A_528 : i32
          %get3A_530 = arith.index_cast %add3A_529 : i32 to index
          %get3A_531 = arith.constant 48 : index
          %get3A_532 = tpu.vector_load %arg11[%get3A_530, %get3A_531] {strides = array<i32>} : memref<240x128xi32, #tpu.memory_space<vmem>>, vector<16xi32>,
          %bitcast3A_533 = vector.bitcast %get3A_532 : vector<16xi32> to vector<32xbf16>
          %unpack3A_534 = tpu.unpack_subelements %bitcast3A_533, 0 {pack_format = #tpu.pack_format<interleaved>} : vector<32xbf16> -> vector<16xf32>
          %unpack3A_535 = tpu.unpack_subelements %bitcast3A_533, 1 {pack_format = #tpu.pack_format<interleaved>} : vector<32xbf16> -> vector<16xf32>
          %add3A_536 = arith.constant 1 : i32
          %add3A_537 = arith.addi %mul3A_369, %add3A_536 : i32
          %get3A_538 = arith.index_cast %add3A_537 : i32 to index
          %get3A_539 = arith.constant 48 : index
          %get3A_540 = tpu.vector_load %arg11[%get3A_538, %get3A_539] {strides = array<i32>} : memref<240x128xi32, #tpu.memory_space<vmem>>, vector<16xi32>,
          %bitcast3A_541 = vector.bitcast %get3A_540 : vector<16xi32> to vector<32xbf16>
          %unpack3A_542 = tpu.unpack_subelements %bitcast3A_541, 0 {pack_format = #tpu.pack_format<interleaved>} : vector<32xbf16> -> vector<16xf32>
          %unpack3A_543 = tpu.unpack_subelements %bitcast3A_541, 1 {pack_format = #tpu.pack_format<interleaved>} : vector<32xbf16> -> vector<16xf32>
          %add3A_544 = arith.addf %unpack3A_534, %unpack3A_542 : vector<16xf32>
          %add3A_545 = arith.addf %unpack3A_535, %unpack3A_543 : vector<16xf32>
          %add3A_546 = arith.constant 2 : i32
          %add3A_547 = arith.addi %mul3A_369, %add3A_546 : i32
          %get3A_548 = arith.index_cast %add3A_547 : i32 to index
          %get3A_549 = arith.constant 48 : index
          %get3A_550 = tpu.vector_load %arg11[%get3A_548, %get3A_549] {strides = array<i32>} : memref<240x128xi32, #tpu.memory_space<vmem>>, vector<16xi32>,
          %bitcast3A_551 = vector.bitcast %get3A_550 : vector<16xi32> to vector<32xbf16>
          %unpack3A_552 = tpu.unpack_subelements %bitcast3A_551, 0 {pack_format = #tpu.pack_format<interleaved>} : vector<32xbf16> -> vector<16xf32>
          %unpack3A_553 = tpu.unpack_subelements %bitcast3A_551, 1 {pack_format = #tpu.pack_format<interleaved>} : vector<32xbf16> -> vector<16xf32>
          %add3A_554 = arith.addf %add3A_544, %unpack3A_552 : vector<16xf32>
          %add3A_555 = arith.addf %add3A_545, %unpack3A_553 : vector<16xf32>
          %add3A_556 = arith.constant 3 : i32
          %add3A_557 = arith.addi %mul3A_369, %add3A_556 : i32
          %get3A_558 = arith.index_cast %add3A_557 : i32 to index
          %get3A_559 = arith.constant 48 : index
          %get3A_560 = tpu.vector_load %arg11[%get3A_558, %get3A_559] {strides = array<i32>} : memref<240x128xi32, #tpu.memory_space<vmem>>, vector<16xi32>,
          %bitcast3A_561 = vector.bitcast %get3A_560 : vector<16xi32> to vector<32xbf16>
          %unpack3A_562 = tpu.unpack_subelements %bitcast3A_561, 0 {pack_format = #tpu.pack_format<interleaved>} : vector<32xbf16> -> vector<16xf32>
          %unpack3A_563 = tpu.unpack_subelements %bitcast3A_561, 1 {pack_format = #tpu.pack_format<interleaved>} : vector<32xbf16> -> vector<16xf32>
          %add3A_564 = arith.addf %add3A_554, %unpack3A_562 : vector<16xf32>
          %add3A_565 = arith.addf %add3A_555, %unpack3A_563 : vector<16xf32>
          %add3A_566 = arith.constant 4 : i32
          %add3A_567 = arith.addi %mul3A_369, %add3A_566 : i32
          %get3A_568 = arith.index_cast %add3A_567 : i32 to index
          %get3A_569 = arith.constant 48 : index
          %get3A_570 = tpu.vector_load %arg11[%get3A_568, %get3A_569] {strides = array<i32>} : memref<240x128xi32, #tpu.memory_space<vmem>>, vector<16xi32>,
          %bitcast3A_571 = vector.bitcast %get3A_570 : vector<16xi32> to vector<32xbf16>
          %unpack3A_572 = tpu.unpack_subelements %bitcast3A_571, 0 {pack_format = #tpu.pack_format<interleaved>} : vector<32xbf16> -> vector<16xf32>
          %unpack3A_573 = tpu.unpack_subelements %bitcast3A_571, 1 {pack_format = #tpu.pack_format<interleaved>} : vector<32xbf16> -> vector<16xf32>
          %add3A_574 = arith.addf %add3A_564, %unpack3A_572 : vector<16xf32>
          %add3A_575 = arith.addf %add3A_565, %unpack3A_573 : vector<16xf32>
          %swap3A_576 = arith.index_cast %scan3A_367 : i32 to index
          %swap3A_577 = arith.constant 48 : index
          %swap3A_578 = tpu.vector_load %arg15[%swap3A_576, %swap3A_577] {strides = array<i32>} : memref<48x256xf32, #tpu.memory_space<vmem>>, vector<16xf32>,
          tpu.vector_store %arg15[%swap3A_576, %swap3A_577], %add3A_574 {strides = array<i32>} : memref<48x256xf32, #tpu.memory_space<vmem>>, vector<16xf32>,
          %swap3A_579 = arith.index_cast %scan3A_367 : i32 to index
          %swap3A_580 = arith.constant 176 : index
          %swap3A_581 = tpu.vector_load %arg15[%swap3A_579, %swap3A_580] {strides = array<i32>} : memref<48x256xf32, #tpu.memory_space<vmem>>, vector<16xf32>,
          tpu.vector_store %arg15[%swap3A_579, %swap3A_580], %add3A_575 {strides = array<i32>} : memref<48x256xf32, #tpu.memory_space<vmem>>, vector<16xf32>,
          %add3A_582 = arith.constant 0 : i32
          %add3A_583 = arith.addi %mul3A_369, %add3A_582 : i32
          %get3A_584 = arith.index_cast %add3A_583 : i32 to index
          %get3A_585 = arith.constant 64 : index
          %get3A_586 = tpu.vector_load %arg11[%get3A_584, %get3A_585] {strides = array<i32>} : memref<240x128xi32, #tpu.memory_space<vmem>>, vector<16xi32>,
          %bitcast3A_587 = vector.bitcast %get3A_586 : vector<16xi32> to vector<32xbf16>
          %unpack3A_588 = tpu.unpack_subelements %bitcast3A_587, 0 {pack_format = #tpu.pack_format<interleaved>} : vector<32xbf16> -> vector<16xf32>
          %unpack3A_589 = tpu.unpack_subelements %bitcast3A_587, 1 {pack_format = #tpu.pack_format<interleaved>} : vector<32xbf16> -> vector<16xf32>
          %add3A_590 = arith.constant 1 : i32
          %add3A_591 = arith.addi %mul3A_369, %add3A_590 : i32
          %get3A_592 = arith.index_cast %add3A_591 : i32 to index
          %get3A_593 = arith.constant 64 : index
          %get3A_594 = tpu.vector_load %arg11[%get3A_592, %get3A_593] {strides = array<i32>} : memref<240x128xi32, #tpu.memory_space<vmem>>, vector<16xi32>,
          %bitcast3A_595 = vector.bitcast %get3A_594 : vector<16xi32> to vector<32xbf16>
          %unpack3A_596 = tpu.unpack_subelements %bitcast3A_595, 0 {pack_format = #tpu.pack_format<interleaved>} : vector<32xbf16> -> vector<16xf32>
          %unpack3A_597 = tpu.unpack_subelements %bitcast3A_595, 1 {pack_format = #tpu.pack_format<interleaved>} : vector<32xbf16> -> vector<16xf32>
          %add3A_598 = arith.addf %unpack3A_588, %unpack3A_596 : vector<16xf32>
          %add3A_599 = arith.addf %unpack3A_589, %unpack3A_597 : vector<16xf32>
          %add3A_600 = arith.constant 2 : i32
          %add3A_601 = arith.addi %mul3A_369, %add3A_600 : i32
          %get3A_602 = arith.index_cast %add3A_601 : i32 to index
          %get3A_603 = arith.constant 64 : index
          %get3A_604 = tpu.vector_load %arg11[%get3A_602, %get3A_603] {strides = array<i32>} : memref<240x128xi32, #tpu.memory_space<vmem>>, vector<16xi32>,
          %bitcast3A_605 = vector.bitcast %get3A_604 : vector<16xi32> to vector<32xbf16>
          %unpack3A_606 = tpu.unpack_subelements %bitcast3A_605, 0 {pack_format = #tpu.pack_format<interleaved>} : vector<32xbf16> -> vector<16xf32>
          %unpack3A_607 = tpu.unpack_subelements %bitcast3A_605, 1 {pack_format = #tpu.pack_format<interleaved>} : vector<32xbf16> -> vector<16xf32>
          %add3A_608 = arith.addf %add3A_598, %unpack3A_606 : vector<16xf32>
          %add3A_609 = arith.addf %add3A_599, %unpack3A_607 : vector<16xf32>
          %add3A_610 = arith.constant 3 : i32
          %add3A_611 = arith.addi %mul3A_369, %add3A_610 : i32
          %get3A_612 = arith.index_cast %add3A_611 : i32 to index
          %get3A_613 = arith.constant 64 : index
          %get3A_614 = tpu.vector_load %arg11[%get3A_612, %get3A_613] {strides = array<i32>} : memref<240x128xi32, #tpu.memory_space<vmem>>, vector<16xi32>,
          %bitcast3A_615 = vector.bitcast %get3A_614 : vector<16xi32> to vector<32xbf16>
          %unpack3A_616 = tpu.unpack_subelements %bitcast3A_615, 0 {pack_format = #tpu.pack_format<interleaved>} : vector<32xbf16> -> vector<16xf32>
          %unpack3A_617 = tpu.unpack_subelements %bitcast3A_615, 1 {pack_format = #tpu.pack_format<interleaved>} : vector<32xbf16> -> vector<16xf32>
          %add3A_618 = arith.addf %add3A_608, %unpack3A_616 : vector<16xf32>
          %add3A_619 = arith.addf %add3A_609, %unpack3A_617 : vector<16xf32>
          %add3A_620 = arith.constant 4 : i32
          %add3A_621 = arith.addi %mul3A_369, %add3A_620 : i32
          %get3A_622 = arith.index_cast %add3A_621 : i32 to index
          %get3A_623 = arith.constant 64 : index
          %get3A_624 = tpu.vector_load %arg11[%get3A_622, %get3A_623] {strides = array<i32>} : memref<240x128xi32, #tpu.memory_space<vmem>>, vector<16xi32>,
          %bitcast3A_625 = vector.bitcast %get3A_624 : vector<16xi32> to vector<32xbf16>
          %unpack3A_626 = tpu.unpack_subelements %bitcast3A_625, 0 {pack_format = #tpu.pack_format<interleaved>} : vector<32xbf16> -> vector<16xf32>
          %unpack3A_627 = tpu.unpack_subelements %bitcast3A_625, 1 {pack_format = #tpu.pack_format<interleaved>} : vector<32xbf16> -> vector<16xf32>
          %add3A_628 = arith.addf %add3A_618, %unpack3A_626 : vector<16xf32>
          %add3A_629 = arith.addf %add3A_619, %unpack3A_627 : vector<16xf32>
          %swap3A_630 = arith.index_cast %scan3A_367 : i32 to index
          %swap3A_631 = arith.constant 64 : index
          %swap3A_632 = tpu.vector_load %arg15[%swap3A_630, %swap3A_631] {strides = array<i32>} : memref<48x256xf32, #tpu.memory_space<vmem>>, vector<16xf32>,
          tpu.vector_store %arg15[%swap3A_630, %swap3A_631], %add3A_628 {strides = array<i32>} : memref<48x256xf32, #tpu.memory_space<vmem>>, vector<16xf32>,
          %swap3A_633 = arith.index_cast %scan3A_367 : i32 to index
          %swap3A_634 = arith.constant 192 : index
          %swap3A_635 = tpu.vector_load %arg15[%swap3A_633, %swap3A_634] {strides = array<i32>} : memref<48x256xf32, #tpu.memory_space<vmem>>, vector<16xf32>,
          tpu.vector_store %arg15[%swap3A_633, %swap3A_634], %add3A_629 {strides = array<i32>} : memref<48x256xf32, #tpu.memory_space<vmem>>, vector<16xf32>,
          %add3A_636 = arith.constant 0 : i32
          %add3A_637 = arith.addi %mul3A_369, %add3A_636 : i32
          %get3A_638 = arith.index_cast %add3A_637 : i32 to index
          %get3A_639 = arith.constant 80 : index
          %get3A_640 = tpu.vector_load %arg11[%get3A_638, %get3A_639] {strides = array<i32>} : memref<240x128xi32, #tpu.memory_space<vmem>>, vector<16xi32>,
          %bitcast3A_641 = vector.bitcast %get3A_640 : vector<16xi32> to vector<32xbf16>
          %unpack3A_642 = tpu.unpack_subelements %bitcast3A_641, 0 {pack_format = #tpu.pack_format<interleaved>} : vector<32xbf16> -> vector<16xf32>
          %unpack3A_643 = tpu.unpack_subelements %bitcast3A_641, 1 {pack_format = #tpu.pack_format<interleaved>} : vector<32xbf16> -> vector<16xf32>
          %add3A_644 = arith.constant 1 : i32
          %add3A_645 = arith.addi %mul3A_369, %add3A_644 : i32
          %get3A_646 = arith.index_cast %add3A_645 : i32 to index
          %get3A_647 = arith.constant 80 : index
          %get3A_648 = tpu.vector_load %arg11[%get3A_646, %get3A_647] {strides = array<i32>} : memref<240x128xi32, #tpu.memory_space<vmem>>, vector<16xi32>,
          %bitcast3A_649 = vector.bitcast %get3A_648 : vector<16xi32> to vector<32xbf16>
          %unpack3A_650 = tpu.unpack_subelements %bitcast3A_649, 0 {pack_format = #tpu.pack_format<interleaved>} : vector<32xbf16> -> vector<16xf32>
          %unpack3A_651 = tpu.unpack_subelements %bitcast3A_649, 1 {pack_format = #tpu.pack_format<interleaved>} : vector<32xbf16> -> vector<16xf32>
          %add3A_652 = arith.addf %unpack3A_642, %unpack3A_650 : vector<16xf32>
          %add3A_653 = arith.addf %unpack3A_643, %unpack3A_651 : vector<16xf32>
          %add3A_654 = arith.constant 2 : i32
          %add3A_655 = arith.addi %mul3A_369, %add3A_654 : i32
          %get3A_656 = arith.index_cast %add3A_655 : i32 to index
          %get3A_657 = arith.constant 80 : index
          %get3A_658 = tpu.vector_load %arg11[%get3A_656, %get3A_657] {strides = array<i32>} : memref<240x128xi32, #tpu.memory_space<vmem>>, vector<16xi32>,
          %bitcast3A_659 = vector.bitcast %get3A_658 : vector<16xi32> to vector<32xbf16>
          %unpack3A_660 = tpu.unpack_subelements %bitcast3A_659, 0 {pack_format = #tpu.pack_format<interleaved>} : vector<32xbf16> -> vector<16xf32>
          %unpack3A_661 = tpu.unpack_subelements %bitcast3A_659, 1 {pack_format = #tpu.pack_format<interleaved>} : vector<32xbf16> -> vector<16xf32>
          %add3A_662 = arith.addf %add3A_652, %unpack3A_660 : vector<16xf32>
          %add3A_663 = arith.addf %add3A_653, %unpack3A_661 : vector<16xf32>
          %add3A_664 = arith.constant 3 : i32
          %add3A_665 = arith.addi %mul3A_369, %add3A_664 : i32
          %get3A_666 = arith.index_cast %add3A_665 : i32 to index
          %get3A_667 = arith.constant 80 : index
          %get3A_668 = tpu.vector_load %arg11[%get3A_666, %get3A_667] {strides = array<i32>} : memref<240x128xi32, #tpu.memory_space<vmem>>, vector<16xi32>,
          %bitcast3A_669 = vector.bitcast %get3A_668 : vector<16xi32> to vector<32xbf16>
          %unpack3A_670 = tpu.unpack_subelements %bitcast3A_669, 0 {pack_format = #tpu.pack_format<interleaved>} : vector<32xbf16> -> vector<16xf32>
          %unpack3A_671 = tpu.unpack_subelements %bitcast3A_669, 1 {pack_format = #tpu.pack_format<interleaved>} : vector<32xbf16> -> vector<16xf32>
          %add3A_672 = arith.addf %add3A_662, %unpack3A_670 : vector<16xf32>
          %add3A_673 = arith.addf %add3A_663, %unpack3A_671 : vector<16xf32>
          %add3A_674 = arith.constant 4 : i32
          %add3A_675 = arith.addi %mul3A_369, %add3A_674 : i32
          %get3A_676 = arith.index_cast %add3A_675 : i32 to index
          %get3A_677 = arith.constant 80 : index
          %get3A_678 = tpu.vector_load %arg11[%get3A_676, %get3A_677] {strides = array<i32>} : memref<240x128xi32, #tpu.memory_space<vmem>>, vector<16xi32>,
          %bitcast3A_679 = vector.bitcast %get3A_678 : vector<16xi32> to vector<32xbf16>
          %unpack3A_680 = tpu.unpack_subelements %bitcast3A_679, 0 {pack_format = #tpu.pack_format<interleaved>} : vector<32xbf16> -> vector<16xf32>
          %unpack3A_681 = tpu.unpack_subelements %bitcast3A_679, 1 {pack_format = #tpu.pack_format<interleaved>} : vector<32xbf16> -> vector<16xf32>
          %add3A_682 = arith.addf %add3A_672, %unpack3A_680 : vector<16xf32>
          %add3A_683 = arith.addf %add3A_673, %unpack3A_681 : vector<16xf32>
          %swap3A_684 = arith.index_cast %scan3A_367 : i32 to index
          %swap3A_685 = arith.constant 80 : index
          %swap3A_686 = tpu.vector_load %arg15[%swap3A_684, %swap3A_685] {strides = array<i32>} : memref<48x256xf32, #tpu.memory_space<vmem>>, vector<16xf32>,
          tpu.vector_store %arg15[%swap3A_684, %swap3A_685], %add3A_682 {strides = array<i32>} : memref<48x256xf32, #tpu.memory_space<vmem>>, vector<16xf32>,
          %swap3A_687 = arith.index_cast %scan3A_367 : i32 to index
          %swap3A_688 = arith.constant 208 : index
          %swap3A_689 = tpu.vector_load %arg15[%swap3A_687, %swap3A_688] {strides = array<i32>} : memref<48x256xf32, #tpu.memory_space<vmem>>, vector<16xf32>,
          tpu.vector_store %arg15[%swap3A_687, %swap3A_688], %add3A_683 {strides = array<i32>} : memref<48x256xf32, #tpu.memory_space<vmem>>, vector<16xf32>,
          %add3A_690 = arith.constant 0 : i32
          %add3A_691 = arith.addi %mul3A_369, %add3A_690 : i32
          %get3A_692 = arith.index_cast %add3A_691 : i32 to index
          %get3A_693 = arith.constant 96 : index
          %get3A_694 = tpu.vector_load %arg11[%get3A_692, %get3A_693] {strides = array<i32>} : memref<240x128xi32, #tpu.memory_space<vmem>>, vector<16xi32>,
          %bitcast3A_695 = vector.bitcast %get3A_694 : vector<16xi32> to vector<32xbf16>
          %unpack3A_696 = tpu.unpack_subelements %bitcast3A_695, 0 {pack_format = #tpu.pack_format<interleaved>} : vector<32xbf16> -> vector<16xf32>
          %unpack3A_697 = tpu.unpack_subelements %bitcast3A_695, 1 {pack_format = #tpu.pack_format<interleaved>} : vector<32xbf16> -> vector<16xf32>
          %add3A_698 = arith.constant 1 : i32
          %add3A_699 = arith.addi %mul3A_369, %add3A_698 : i32
          %get3A_700 = arith.index_cast %add3A_699 : i32 to index
          %get3A_701 = arith.constant 96 : index
          %get3A_702 = tpu.vector_load %arg11[%get3A_700, %get3A_701] {strides = array<i32>} : memref<240x128xi32, #tpu.memory_space<vmem>>, vector<16xi32>,
          %bitcast3A_703 = vector.bitcast %get3A_702 : vector<16xi32> to vector<32xbf16>
          %unpack3A_704 = tpu.unpack_subelements %bitcast3A_703, 0 {pack_format = #tpu.pack_format<interleaved>} : vector<32xbf16> -> vector<16xf32>
          %unpack3A_705 = tpu.unpack_subelements %bitcast3A_703, 1 {pack_format = #tpu.pack_format<interleaved>} : vector<32xbf16> -> vector<16xf32>
          %add3A_706 = arith.addf %unpack3A_696, %unpack3A_704 : vector<16xf32>
          %add3A_707 = arith.addf %unpack3A_697, %unpack3A_705 : vector<16xf32>
          %add3A_708 = arith.constant 2 : i32
          %add3A_709 = arith.addi %mul3A_369, %add3A_708 : i32
          %get3A_710 = arith.index_cast %add3A_709 : i32 to index
          %get3A_711 = arith.constant 96 : index
          %get3A_712 = tpu.vector_load %arg11[%get3A_710, %get3A_711] {strides = array<i32>} : memref<240x128xi32, #tpu.memory_space<vmem>>, vector<16xi32>,
          %bitcast3A_713 = vector.bitcast %get3A_712 : vector<16xi32> to vector<32xbf16>
          %unpack3A_714 = tpu.unpack_subelements %bitcast3A_713, 0 {pack_format = #tpu.pack_format<interleaved>} : vector<32xbf16> -> vector<16xf32>
          %unpack3A_715 = tpu.unpack_subelements %bitcast3A_713, 1 {pack_format = #tpu.pack_format<interleaved>} : vector<32xbf16> -> vector<16xf32>
          %add3A_716 = arith.addf %add3A_706, %unpack3A_714 : vector<16xf32>
          %add3A_717 = arith.addf %add3A_707, %unpack3A_715 : vector<16xf32>
          %add3A_718 = arith.constant 3 : i32
          %add3A_719 = arith.addi %mul3A_369, %add3A_718 : i32
          %get3A_720 = arith.index_cast %add3A_719 : i32 to index
          %get3A_721 = arith.constant 96 : index
          %get3A_722 = tpu.vector_load %arg11[%get3A_720, %get3A_721] {strides = array<i32>} : memref<240x128xi32, #tpu.memory_space<vmem>>, vector<16xi32>,
          %bitcast3A_723 = vector.bitcast %get3A_722 : vector<16xi32> to vector<32xbf16>
          %unpack3A_724 = tpu.unpack_subelements %bitcast3A_723, 0 {pack_format = #tpu.pack_format<interleaved>} : vector<32xbf16> -> vector<16xf32>
          %unpack3A_725 = tpu.unpack_subelements %bitcast3A_723, 1 {pack_format = #tpu.pack_format<interleaved>} : vector<32xbf16> -> vector<16xf32>
          %add3A_726 = arith.addf %add3A_716, %unpack3A_724 : vector<16xf32>
          %add3A_727 = arith.addf %add3A_717, %unpack3A_725 : vector<16xf32>
          %add3A_728 = arith.constant 4 : i32
          %add3A_729 = arith.addi %mul3A_369, %add3A_728 : i32
          %get3A_730 = arith.index_cast %add3A_729 : i32 to index
          %get3A_731 = arith.constant 96 : index
          %get3A_732 = tpu.vector_load %arg11[%get3A_730, %get3A_731] {strides = array<i32>} : memref<240x128xi32, #tpu.memory_space<vmem>>, vector<16xi32>,
          %bitcast3A_733 = vector.bitcast %get3A_732 : vector<16xi32> to vector<32xbf16>
          %unpack3A_734 = tpu.unpack_subelements %bitcast3A_733, 0 {pack_format = #tpu.pack_format<interleaved>} : vector<32xbf16> -> vector<16xf32>
          %unpack3A_735 = tpu.unpack_subelements %bitcast3A_733, 1 {pack_format = #tpu.pack_format<interleaved>} : vector<32xbf16> -> vector<16xf32>
          %add3A_736 = arith.addf %add3A_726, %unpack3A_734 : vector<16xf32>
          %add3A_737 = arith.addf %add3A_727, %unpack3A_735 : vector<16xf32>
          %swap3A_738 = arith.index_cast %scan3A_367 : i32 to index
          %swap3A_739 = arith.constant 96 : index
          %swap3A_740 = tpu.vector_load %arg15[%swap3A_738, %swap3A_739] {strides = array<i32>} : memref<48x256xf32, #tpu.memory_space<vmem>>, vector<16xf32>,
          tpu.vector_store %arg15[%swap3A_738, %swap3A_739], %add3A_736 {strides = array<i32>} : memref<48x256xf32, #tpu.memory_space<vmem>>, vector<16xf32>,
          %swap3A_741 = arith.index_cast %scan3A_367 : i32 to index
          %swap3A_742 = arith.constant 224 : index
          %swap3A_743 = tpu.vector_load %arg15[%swap3A_741, %swap3A_742] {strides = array<i32>} : memref<48x256xf32, #tpu.memory_space<vmem>>, vector<16xf32>,
          tpu.vector_store %arg15[%swap3A_741, %swap3A_742], %add3A_737 {strides = array<i32>} : memref<48x256xf32, #tpu.memory_space<vmem>>, vector<16xf32>,
          %add3A_744 = arith.constant 0 : i32
          %add3A_745 = arith.addi %mul3A_369, %add3A_744 : i32
          %get3A_746 = arith.index_cast %add3A_745 : i32 to index
          %get3A_747 = arith.constant 112 : index
          %get3A_748 = tpu.vector_load %arg11[%get3A_746, %get3A_747] {strides = array<i32>} : memref<240x128xi32, #tpu.memory_space<vmem>>, vector<16xi32>,
          %bitcast3A_749 = vector.bitcast %get3A_748 : vector<16xi32> to vector<32xbf16>
          %unpack3A_750 = tpu.unpack_subelements %bitcast3A_749, 0 {pack_format = #tpu.pack_format<interleaved>} : vector<32xbf16> -> vector<16xf32>
          %unpack3A_751 = tpu.unpack_subelements %bitcast3A_749, 1 {pack_format = #tpu.pack_format<interleaved>} : vector<32xbf16> -> vector<16xf32>
          %add3A_752 = arith.constant 1 : i32
          %add3A_753 = arith.addi %mul3A_369, %add3A_752 : i32
          %get3A_754 = arith.index_cast %add3A_753 : i32 to index
          %get3A_755 = arith.constant 112 : index
          %get3A_756 = tpu.vector_load %arg11[%get3A_754, %get3A_755] {strides = array<i32>} : memref<240x128xi32, #tpu.memory_space<vmem>>, vector<16xi32>,
          %bitcast3A_757 = vector.bitcast %get3A_756 : vector<16xi32> to vector<32xbf16>
          %unpack3A_758 = tpu.unpack_subelements %bitcast3A_757, 0 {pack_format = #tpu.pack_format<interleaved>} : vector<32xbf16> -> vector<16xf32>
          %unpack3A_759 = tpu.unpack_subelements %bitcast3A_757, 1 {pack_format = #tpu.pack_format<interleaved>} : vector<32xbf16> -> vector<16xf32>
          %add3A_760 = arith.addf %unpack3A_750, %unpack3A_758 : vector<16xf32>
          %add3A_761 = arith.addf %unpack3A_751, %unpack3A_759 : vector<16xf32>
          %add3A_762 = arith.constant 2 : i32
          %add3A_763 = arith.addi %mul3A_369, %add3A_762 : i32
          %get3A_764 = arith.index_cast %add3A_763 : i32 to index
          %get3A_765 = arith.constant 112 : index
          %get3A_766 = tpu.vector_load %arg11[%get3A_764, %get3A_765] {strides = array<i32>} : memref<240x128xi32, #tpu.memory_space<vmem>>, vector<16xi32>,
          %bitcast3A_767 = vector.bitcast %get3A_766 : vector<16xi32> to vector<32xbf16>
          %unpack3A_768 = tpu.unpack_subelements %bitcast3A_767, 0 {pack_format = #tpu.pack_format<interleaved>} : vector<32xbf16> -> vector<16xf32>
          %unpack3A_769 = tpu.unpack_subelements %bitcast3A_767, 1 {pack_format = #tpu.pack_format<interleaved>} : vector<32xbf16> -> vector<16xf32>
          %add3A_770 = arith.addf %add3A_760, %unpack3A_768 : vector<16xf32>
          %add3A_771 = arith.addf %add3A_761, %unpack3A_769 : vector<16xf32>
          %add3A_772 = arith.constant 3 : i32
          %add3A_773 = arith.addi %mul3A_369, %add3A_772 : i32
          %get3A_774 = arith.index_cast %add3A_773 : i32 to index
          %get3A_775 = arith.constant 112 : index
          %get3A_776 = tpu.vector_load %arg11[%get3A_774, %get3A_775] {strides = array<i32>} : memref<240x128xi32, #tpu.memory_space<vmem>>, vector<16xi32>,
          %bitcast3A_777 = vector.bitcast %get3A_776 : vector<16xi32> to vector<32xbf16>
          %unpack3A_778 = tpu.unpack_subelements %bitcast3A_777, 0 {pack_format = #tpu.pack_format<interleaved>} : vector<32xbf16> -> vector<16xf32>
          %unpack3A_779 = tpu.unpack_subelements %bitcast3A_777, 1 {pack_format = #tpu.pack_format<interleaved>} : vector<32xbf16> -> vector<16xf32>
          %add3A_780 = arith.addf %add3A_770, %unpack3A_778 : vector<16xf32>
          %add3A_781 = arith.addf %add3A_771, %unpack3A_779 : vector<16xf32>
          %add3A_782 = arith.constant 4 : i32
          %add3A_783 = arith.addi %mul3A_369, %add3A_782 : i32
          %get3A_784 = arith.index_cast %add3A_783 : i32 to index
          %get3A_785 = arith.constant 112 : index
          %get3A_786 = tpu.vector_load %arg11[%get3A_784, %get3A_785] {strides = array<i32>} : memref<240x128xi32, #tpu.memory_space<vmem>>, vector<16xi32>,
          %bitcast3A_787 = vector.bitcast %get3A_786 : vector<16xi32> to vector<32xbf16>
          %unpack3A_788 = tpu.unpack_subelements %bitcast3A_787, 0 {pack_format = #tpu.pack_format<interleaved>} : vector<32xbf16> -> vector<16xf32>
          %unpack3A_789 = tpu.unpack_subelements %bitcast3A_787, 1 {pack_format = #tpu.pack_format<interleaved>} : vector<32xbf16> -> vector<16xf32>
          %add3A_790 = arith.addf %add3A_780, %unpack3A_788 : vector<16xf32>
          %add3A_791 = arith.addf %add3A_781, %unpack3A_789 : vector<16xf32>
          %swap3A_792 = arith.index_cast %scan3A_367 : i32 to index
          %swap3A_793 = arith.constant 112 : index
          %swap3A_794 = tpu.vector_load %arg15[%swap3A_792, %swap3A_793] {strides = array<i32>} : memref<48x256xf32, #tpu.memory_space<vmem>>, vector<16xf32>,
          tpu.vector_store %arg15[%swap3A_792, %swap3A_793], %add3A_790 {strides = array<i32>} : memref<48x256xf32, #tpu.memory_space<vmem>>, vector<16xf32>,
          %swap3A_795 = arith.index_cast %scan3A_367 : i32 to index
          %swap3A_796 = arith.constant 240 : index
          %swap3A_797 = tpu.vector_load %arg15[%swap3A_795, %swap3A_796] {strides = array<i32>} : memref<48x256xf32, #tpu.memory_space<vmem>>, vector<16xf32>,
          tpu.vector_store %arg15[%swap3A_795, %swap3A_796], %add3A_791 {strides = array<i32>} : memref<48x256xf32, #tpu.memory_space<vmem>>, vector<16xf32>,
          %get3A_798 = arith.index_cast %scan3A_367 : i32 to index
          %get3A_799 = arith.constant 0 : index
          %get3A_800 = tpu.vector_load %arg13[%get3A_798, %get3A_799] {strides = array<i32>} : memref<48x32xf32, #tpu.memory_space<vmem>>, vector<16xf32>,
          %swap3A_801 = arith.index_cast %scan3A_367 : i32 to index
          %swap3A_802 = arith.constant 224 : index
          %swap3A_803 = tpu.vector_load %arg15[%swap3A_801, %swap3A_802] {strides = array<i32>} : memref<48x256xf32, #tpu.memory_space<vmem>>, vector<16xf32>,
          tpu.vector_store %arg15[%swap3A_801, %swap3A_802], %get3A_800 {strides = array<i32>} : memref<48x256xf32, #tpu.memory_space<vmem>>, vector<16xf32>,
          %get3A_804 = arith.index_cast %scan3A_367 : i32 to index
          %get3A_805 = arith.constant 16 : index
          %get3A_806 = tpu.vector_load %arg13[%get3A_804, %get3A_805] {strides = array<i32>} : memref<48x32xf32, #tpu.memory_space<vmem>>, vector<16xf32>,
          %swap3A_807 = arith.index_cast %scan3A_367 : i32 to index
          %swap3A_808 = arith.constant 240 : index
          %swap3A_809 = tpu.vector_load %arg15[%swap3A_807, %swap3A_808] {strides = array<i32>} : memref<48x256xf32, #tpu.memory_space<vmem>>, vector<16xf32>,
          tpu.vector_store %arg15[%swap3A_807, %swap3A_808], %get3A_806 {strides = array<i32>} : memref<48x256xf32, #tpu.memory_space<vmem>>, vector<16xf32>,
        }
        %scan3A_355 = arith.constant 48 : i32
        %dma_start3A_356 = arith.constant 0 : i32
        %dma_start3A_357 = tpu.memref_slice %arg5[%min3A_338, %dma_start3A_356] : memref<50000x256xf32, #tpu.memory_space<hbm>> -> memref<48x256xf32, #tpu.memory_space<hbm>>
        %dma_start3A_358 = arith.constant 0 : i32
        %dma_start3A_359 = tpu.memref_slice %arg5[%min3A_338, %dma_start3A_358] : memref<50000x256xf32, #tpu.memory_space<hbm>> -> memref<48x256xf32, #tpu.memory_space<hbm>>
        tpu.enqueue_dma source(%arg15 : memref<48x256xf32, #tpu.memory_space<vmem>>) target(%dma_start3A_359 : memref<48x256xf32, #tpu.memory_space<hbm>>) target_semaphore(%arg19 : memref<!tpu.dma_semaphore, #tpu.memory_space<semaphore_mem>>)
        %add3A_360 = arith.constant 2 : i32
        %add3A_361 = arith.addi %scan3A_293, %add3A_360 : i32
        %lt3A_362 = arith.constant 33 : i32
        %lt3A_363 = arith.cmpi slt, %add3A_361, %lt3A_362 : i32
        %convert_element_type3A_364 = arith.extui %lt3A_363 : i1 to i32
        %cond3A_365 = arith.constant 0 : i32
        %cond3A_366 = arith.cmpi ne, %convert_element_type3A_364, %cond3A_365 : i32
        scf.if %cond3A_366 {
          %add3A_367 = arith.constant 2 : i32
          %add3A_368 = arith.addi %scan3A_293, %add3A_367 : i32
          %mul3A_369 = arith.constant 48 : i32
          %mul3A_370 = arith.muli %add3A_368, %mul3A_369 : i32
          %add3A_371 = arith.addi %mul3A_2, %mul3A_370 : i32
          %min3A_372 = arith.constant 49952 : i32
          %min3A_373 = arith.minsi %add3A_371, %min3A_372 : i32
          %dma_start3A_374 = arith.constant 0 : i32
          %dma_start3A_375 = tpu.memref_slice %arg2[%min3A_373, %dma_start3A_374] : memref<50000x9xi32, #tpu.memory_space<hbm>> -> memref<48x9xi32, #tpu.memory_space<hbm>>
          %dma_start3A_376 = arith.constant 0 : i32
          %dma_start3A_377 = tpu.memref_slice %arg2[%min3A_373, %dma_start3A_376] : memref<50000x9xi32, #tpu.memory_space<hbm>> -> memref<48x9xi32, #tpu.memory_space<hbm>>
          tpu.enqueue_dma source(%dma_start3A_377 : memref<48x9xi32, #tpu.memory_space<hbm>>) target(%arg7 : memref<48x9xi32, #tpu.memory_space<vmem>>) target_semaphore(%arg21 : memref<!tpu.dma_semaphore, #tpu.memory_space<semaphore_mem>>)
          %dma_start3A_378 = arith.constant 0 : i32
          %dma_start3A_379 = tpu.memref_slice %arg4[%min3A_373, %dma_start3A_378] : memref<50000x32xf32, #tpu.memory_space<hbm>> -> memref<48x32xf32, #tpu.memory_space<hbm>>
          %dma_start3A_380 = arith.constant 0 : i32
          %dma_start3A_381 = tpu.memref_slice %arg4[%min3A_373, %dma_start3A_380] : memref<50000x32xf32, #tpu.memory_space<hbm>> -> memref<48x32xf32, #tpu.memory_space<hbm>>
          tpu.enqueue_dma source(%dma_start3A_381 : memref<48x32xf32, #tpu.memory_space<hbm>>) target(%arg13 : memref<48x32xf32, #tpu.memory_space<vmem>>) target_semaphore(%arg23 : memref<!tpu.dma_semaphore, #tpu.memory_space<semaphore_mem>>)
        } else {
        }
      } else {
      }
    }
    %scan3A_276 = arith.constant 33 : i32
    %add3A_277 = arith.constant 1488 : i32
    %add3A_278 = arith.addi %mul3A_2, %add3A_277 : i32
    %min3A_279 = arith.constant 49952 : i32
    %min3A_280 = arith.minsi %add3A_278, %min3A_279 : i32
    %dma_wait3A_281 = arith.constant 0 : i32
    %dma_wait3A_282 = tpu.memref_slice %arg5[%min3A_280, %dma_wait3A_281] : memref<50000x256xf32, #tpu.memory_space<hbm>> -> memref<48x256xf32, #tpu.memory_space<hbm>>
    %dma_wait3A_283 = arith.constant 0 : i32
    %dma_wait3A_284 = tpu.memref_slice %arg5[%min3A_280, %dma_wait3A_283] : memref<50000x256xf32, #tpu.memory_space<hbm>> -> memref<48x256xf32, #tpu.memory_space<hbm>>
    tpu.wait_dma2 semaphore(%arg19 : memref<!tpu.dma_semaphore, #tpu.memory_space<semaphore_mem>>) src(%arg15 : memref<48x256xf32, #tpu.memory_space<vmem>>) dst(%dma_wait3A_284 : memref<48x256xf32, #tpu.memory_space<hbm>>)
    %add3A_285 = arith.constant 1536 : i32
    %add3A_286 = arith.addi %mul3A_2, %add3A_285 : i32
    %min3A_287 = arith.constant 49952 : i32
    %min3A_288 = arith.minsi %add3A_286, %min3A_287 : i32
    %dma_wait3A_289 = arith.constant 0 : i32
    %dma_wait3A_290 = tpu.memref_slice %arg5[%min3A_288, %dma_wait3A_289] : memref<50000x256xf32, #tpu.memory_space<hbm>> -> memref<48x256xf32, #tpu.memory_space<hbm>>
    %dma_wait3A_291 = arith.constant 0 : i32
    %dma_wait3A_292 = tpu.memref_slice %arg5[%min3A_288, %dma_wait3A_291] : memref<50000x256xf32, #tpu.memory_space<hbm>> -> memref<48x256xf32, #tpu.memory_space<hbm>>
    tpu.wait_dma2 semaphore(%arg18 : memref<!tpu.dma_semaphore, #tpu.memory_space<semaphore_mem>>) src(%arg14 : memref<48x256xf32, #tpu.memory_space<vmem>>) dst(%dma_wait3A_292 : memref<48x256xf32, #tpu.memory_space<hbm>>)
    return
  }
}

module attributes {stable_mosaic.version = 14 : i64} {
  func.func @_prologue_body(%arg0: i32, %arg1: memref<576x256xf32, #tpu.memory_space<vmem>>, %arg2: memref<4096x32xf32, #tpu.memory_space<vmem>>, %arg3: memref<32x512xbf16, #tpu.memory_space<vmem>>, %arg4: memref<1x512xf32, #tpu.memory_space<vmem>>, %arg5: memref<512x512xbf16, #tpu.memory_space<vmem>>, %arg6: memref<1x512xf32, #tpu.memory_space<vmem>>, %arg7: memref<512x32xbf16, #tpu.memory_space<vmem>>, %arg8: memref<1x32xf32, #tpu.memory_space<vmem>>, %arg9: memref<4096x128xi32, #tpu.memory_space<vmem>>, %arg10: memref<4096x32xf32, #tpu.memory_space<vmem>>) attributes {dimension_semantics = [#tpu.dimension_semantics<arbitrary>], iteration_bounds = array<i64: 13>, scalar_prefetch = 0 : i64, scratch_operands = 0 : i64, tpu.core_type = #tpu.core_type<tc>, window_params = [{pipeline_mode = #tpu.pipeline_mode<synchronous>, transform_indices = @transform_0, window_bounds = array<i64: 576, 256>}, {transform_indices = @transform_1, window_bounds = array<i64: 4096, 32>}, {pipeline_mode = #tpu.pipeline_mode<synchronous>, transform_indices = @transform_2, window_bounds = array<i64: 32, 512>}, {pipeline_mode = #tpu.pipeline_mode<synchronous>, transform_indices = @transform_3, window_bounds = array<i64: 1, 512>}, {pipeline_mode = #tpu.pipeline_mode<synchronous>, transform_indices = @transform_4, window_bounds = array<i64: 512, 512>}, {pipeline_mode = #tpu.pipeline_mode<synchronous>, transform_indices = @transform_5, window_bounds = array<i64: 1, 512>}, {pipeline_mode = #tpu.pipeline_mode<synchronous>, transform_indices = @transform_6, window_bounds = array<i64: 512, 32>}, {pipeline_mode = #tpu.pipeline_mode<synchronous>, transform_indices = @transform_7, window_bounds = array<i64: 1, 32>}, {transform_indices = @transform_8, window_bounds = array<i64: 4096, 128>}, {transform_indices = @transform_9, window_bounds = array<i64: 4096, 32>}]} {
    %le3A = arith.constant 4 : i32
    %le3A_0 = arith.cmpi sle, %arg0, %le3A : i32
    %convert_element_type3A = arith.extui %le3A_0 : i1 to i32
    %cond3A = arith.constant 0 : i32
    %cond3A_1 = arith.cmpi ne, %convert_element_type3A, %cond3A : i32
    scf.if %cond3A_1 {
      %min3A = arith.constant 4 : i32
      %min3A_45 = arith.minsi %arg0, %min3A : i32
      %min3A_46 = arith.constant 3 : i32
      %min3A_47 = arith.minsi %min3A_45, %min3A_46 : i32
      %mul3A = arith.constant 2 : i32
      %mul3A_48 = arith.muli %min3A_47, %mul3A : i32
      %mul3A_49 = arith.constant 64 : i32
      %mul3A_50 = arith.muli %mul3A_48, %mul3A_49 : i32
      %get3A_51 = arith.index_cast %mul3A_50 : i32 to index
      %get3A_52 = arith.constant 0 : index
      %get3A_53 = vector.load %arg1[%get3A_51, %get3A_52] : memref<576x256xf32, #tpu.memory_space<vmem>>, vector<64x256xf32>
      %mul3A_54 = arith.constant 2 : i32
      %mul3A_55 = arith.muli %min3A_47, %mul3A_54 : i32
      %mul3A_56 = arith.constant 64 : i32
      %mul3A_57 = arith.muli %mul3A_55, %mul3A_56 : i32
      %add3A_58 = arith.constant 64 : i32
      %add3A_59 = arith.addi %mul3A_57, %add3A_58 : i32
      %get3A_60 = arith.index_cast %add3A_59 : i32 to index
      %get3A_61 = arith.constant 0 : index
      %get3A_62 = vector.load %arg1[%get3A_60, %get3A_61] : memref<576x256xf32, #tpu.memory_space<vmem>>, vector<64x256xf32>
      %get3A_63 = arith.constant 512 : index
      %get3A_64 = arith.constant 0 : index
      %get3A_65 = vector.load %arg1[%get3A_63, %get3A_64] : memref<576x256xf32, #tpu.memory_space<vmem>>, vector<64x256xf32>
      %broadcast_in_dim3A = vector.shape_cast %get3A_53 : vector<64x256xf32> to vector<64x1x256xf32>
      %broadcast_in_dim3A_66 = vector.shape_cast %get3A_62 : vector<64x256xf32> to vector<1x64x256xf32>
      %add3A_67 = vector.broadcast %broadcast_in_dim3A : vector<64x1x256xf32> to vector<64x64x256xf32>
      %add3A_68 = vector.broadcast %broadcast_in_dim3A_66 : vector<1x64x256xf32> to vector<64x64x256xf32>
      %add3A_69 = arith.addf %add3A_67, %add3A_68 : vector<64x64x256xf32>
      %reshape3A = vector.shape_cast %add3A_69 : vector<64x64x256xf32> to vector<4096x256xf32>
      %lt3A = arith.constant 4 : i32
      %lt3A_70 = arith.cmpi slt, %min3A_45, %lt3A : i32
      %tile3A = tpu.concatenate %get3A_65, %get3A_65, %get3A_65, %get3A_65, %get3A_65, %get3A_65, %get3A_65, %get3A_65, %get3A_65, %get3A_65, %get3A_65, %get3A_65, %get3A_65, %get3A_65, %get3A_65, %get3A_65, %get3A_65, %get3A_65, %get3A_65, %get3A_65, %get3A_65, %get3A_65, %get3A_65, %get3A_65, %get3A_65, %get3A_65, %get3A_65, %get3A_65, %get3A_65, %get3A_65, %get3A_65, %get3A_65, %get3A_65, %get3A_65, %get3A_65, %get3A_65, %get3A_65, %get3A_65, %get3A_65, %get3A_65, %get3A_65, %get3A_65, %get3A_65, %get3A_65, %get3A_65, %get3A_65, %get3A_65, %get3A_65, %get3A_65, %get3A_65, %get3A_65, %get3A_65, %get3A_65, %get3A_65, %get3A_65, %get3A_65, %get3A_65, %get3A_65, %get3A_65, %get3A_65, %get3A_65, %get3A_65, %get3A_65, %get3A_65 in 0 : vector<64x256xf32>, vector<64x256xf32>, vector<64x256xf32>, vector<64x256xf32>, vector<64x256xf32>, vector<64x256xf32>, vector<64x256xf32>, vector<64x256xf32>, vector<64x256xf32>, vector<64x256xf32>, vector<64x256xf32>, vector<64x256xf32>, vector<64x256xf32>, vector<64x256xf32>, vector<64x256xf32>, vector<64x256xf32>, vector<64x256xf32>, vector<64x256xf32>, vector<64x256xf32>, vector<64x256xf32>, vector<64x256xf32>, vector<64x256xf32>, vector<64x256xf32>, vector<64x256xf32>, vector<64x256xf32>, vector<64x256xf32>, vector<64x256xf32>, vector<64x256xf32>, vector<64x256xf32>, vector<64x256xf32>, vector<64x256xf32>, vector<64x256xf32>, vector<64x256xf32>, vector<64x256xf32>, vector<64x256xf32>, vector<64x256xf32>, vector<64x256xf32>, vector<64x256xf32>, vector<64x256xf32>, vector<64x256xf32>, vector<64x256xf32>, vector<64x256xf32>, vector<64x256xf32>, vector<64x256xf32>, vector<64x256xf32>, vector<64x256xf32>, vector<64x256xf32>, vector<64x256xf32>, vector<64x256xf32>, vector<64x256xf32>, vector<64x256xf32>, vector<64x256xf32>, vector<64x256xf32>, vector<64x256xf32>, vector<64x256xf32>, vector<64x256xf32>, vector<64x256xf32>, vector<64x256xf32>, vector<64x256xf32>, vector<64x256xf32>, vector<64x256xf32>, vector<64x256xf32>, vector<64x256xf32>, vector<64x256xf32> -> vector<4096x256xf32>
      %select_n3A = arith.select %lt3A_70, %reshape3A, %tile3A : vector<4096x256xf32>
      %slice3A = vector.extract_strided_slice %select_n3A {offsets = [0, 0], sizes = [4096, 128], strides = [1, 1]} : vector<4096x256xf32> to vector<4096x128xf32>
      %convert_element_type3A_71 = arith.truncf %slice3A : vector<4096x128xf32> to vector<4096x128xbf16>
      %bitcast_convert_type3A = tpu.bitcast %convert_element_type3A_71 : vector<4096x128xbf16> -> vector<4096x128xi16>
      %convert_element_type3A_72 = arith.extui %bitcast_convert_type3A : vector<4096x128xi16> to vector<4096x128xi32>
      %slice3A_73 = vector.extract_strided_slice %select_n3A {offsets = [0, 128], sizes = [4096, 128], strides = [1, 1]} : vector<4096x256xf32> to vector<4096x128xf32>
      %convert_element_type3A_74 = arith.truncf %slice3A_73 : vector<4096x128xf32> to vector<4096x128xbf16>
      %bitcast_convert_type3A_75 = tpu.bitcast %convert_element_type3A_74 : vector<4096x128xbf16> -> vector<4096x128xi16>
      %convert_element_type3A_76 = arith.extui %bitcast_convert_type3A_75 : vector<4096x128xi16> to vector<4096x128xi32>
      %shift_left3A = arith.constant 16 : i32
      %shift_left3A_77 = vector.broadcast %shift_left3A : i32 to vector<4096x128xi32>
      %shift_left3A_78 = arith.shli %convert_element_type3A_76, %shift_left3A_77 : vector<4096x128xi32>
      %or3A = arith.ori %convert_element_type3A_72, %shift_left3A_78 : vector<4096x128xi32>
      %swap3A_79 = arith.constant 0 : index
      %swap3A_80 = arith.constant 0 : index
      %swap3A_81 = vector.load %arg9[%swap3A_79, %swap3A_80] : memref<4096x128xi32, #tpu.memory_space<vmem>>, vector<4096x128xi32>
      tpu.vector_store %arg9[%swap3A_79, %swap3A_80], %or3A {strides = array<i32>} : memref<4096x128xi32, #tpu.memory_space<vmem>>, vector<4096x128xi32>,
    } else {
    }
    %get3A = arith.constant 0 : index
    %get3A_2 = arith.constant 0 : index
    %get3A_3 = vector.load %arg2[%get3A, %get3A_2] : memref<4096x32xf32, #tpu.memory_space<vmem>>, vector<4096x32xf32>
    %convert_element_type3A_4 = arith.truncf %get3A_3 : vector<4096x32xf32> to vector<4096x32xbf16>
    %get3A_5 = arith.constant 0 : index
    %get3A_6 = arith.constant 0 : index
    %get3A_7 = vector.load %arg3[%get3A_5, %get3A_6] : memref<32x512xbf16, #tpu.memory_space<vmem>>, vector<32x512xbf16>
    %dot_general3A = arith.constant dense<0.000000e+00> : vector<4096x512xf32>
    %dot_general3A_8 = tpu.matmul %convert_element_type3A_4, %get3A_7, %dot_general3A {dimension_numbers = #tpu.dot_dimension_numbers<[1], [0], [0], [1], [0, 0, 1, 1], [], []>, transpose_lhs_hint = false} : vector<4096x32xbf16>, vector<32x512xbf16>, vector<4096x512xf32> -> vector<4096x512xf32>
    %get3A_9 = arith.constant 0 : index
    %get3A_10 = arith.constant 0 : index
    %get3A_11 = vector.load %arg4[%get3A_9, %get3A_10] : memref<1x512xf32, #tpu.memory_space<vmem>>, vector<1x512xf32>
    %add3A = vector.broadcast %get3A_11 : vector<1x512xf32> to vector<4096x512xf32>
    %add3A_12 = arith.addf %dot_general3A_8, %add3A : vector<4096x512xf32>
    %max3A = arith.constant 0.000000e+00 : f32
    %max3A_13 = vector.broadcast %max3A : f32 to vector<4096x512xf32>
    %max3A_14 = arith.maximumf %add3A_12, %max3A_13 : vector<4096x512xf32>
    %convert_element_type3A_15 = arith.truncf %max3A_14 : vector<4096x512xf32> to vector<4096x512xbf16>
    %get3A_16 = arith.constant 0 : index
    %get3A_17 = arith.constant 0 : index
    %get3A_18 = vector.load %arg5[%get3A_16, %get3A_17] : memref<512x512xbf16, #tpu.memory_space<vmem>>, vector<512x512xbf16>
    %dot_general3A_19 = arith.constant dense<0.000000e+00> : vector<4096x512xf32>
    %dot_general3A_20 = tpu.matmul %convert_element_type3A_15, %get3A_18, %dot_general3A_19 {dimension_numbers = #tpu.dot_dimension_numbers<[1], [0], [0], [1], [0, 0, 1, 1], [], []>, transpose_lhs_hint = false} : vector<4096x512xbf16>, vector<512x512xbf16>, vector<4096x512xf32> -> vector<4096x512xf32>
    %get3A_21 = arith.constant 0 : index
    %get3A_22 = arith.constant 0 : index
    %get3A_23 = vector.load %arg6[%get3A_21, %get3A_22] : memref<1x512xf32, #tpu.memory_space<vmem>>, vector<1x512xf32>
    %add3A_24 = vector.broadcast %get3A_23 : vector<1x512xf32> to vector<4096x512xf32>
    %add3A_25 = arith.addf %dot_general3A_20, %add3A_24 : vector<4096x512xf32>
    %max3A_26 = arith.constant 0.000000e+00 : f32
    %max3A_27 = vector.broadcast %max3A_26 : f32 to vector<4096x512xf32>
    %max3A_28 = arith.maximumf %add3A_25, %max3A_27 : vector<4096x512xf32>
    %convert_element_type3A_29 = arith.truncf %max3A_28 : vector<4096x512xf32> to vector<4096x512xbf16>
    %get3A_30 = arith.constant 0 : index
    %get3A_31 = arith.constant 0 : index
    %get3A_32 = vector.load %arg7[%get3A_30, %get3A_31] : memref<512x32xbf16, #tpu.memory_space<vmem>>, vector<512x32xbf16>
    %dot_general3A_33 = arith.constant dense<0.000000e+00> : vector<4096x32xf32>
    %dot_general3A_34 = tpu.matmul %convert_element_type3A_29, %get3A_32, %dot_general3A_33 {dimension_numbers = #tpu.dot_dimension_numbers<[1], [0], [0], [1], [0, 0, 1, 1], [], []>, transpose_lhs_hint = false} : vector<4096x512xbf16>, vector<512x32xbf16>, vector<4096x32xf32> -> vector<4096x32xf32>
    %get3A_35 = arith.constant 0 : index
    %get3A_36 = arith.constant 0 : index
    %get3A_37 = vector.load %arg8[%get3A_35, %get3A_36] : memref<1x32xf32, #tpu.memory_space<vmem>>, vector<1x32xf32>
    %add3A_38 = vector.broadcast %get3A_37 : vector<1x32xf32> to vector<4096x32xf32>
    %add3A_39 = arith.addf %dot_general3A_34, %add3A_38 : vector<4096x32xf32>
    %max3A_40 = arith.constant 0.000000e+00 : f32
    %max3A_41 = vector.broadcast %max3A_40 : f32 to vector<4096x32xf32>
    %max3A_42 = arith.maximumf %add3A_39, %max3A_41 : vector<4096x32xf32>
    %swap3A = arith.constant 0 : index
    %swap3A_43 = arith.constant 0 : index
    %swap3A_44 = vector.load %arg10[%swap3A, %swap3A_43] : memref<4096x32xf32, #tpu.memory_space<vmem>>, vector<4096x32xf32>
    tpu.vector_store %arg10[%swap3A, %swap3A_43], %max3A_42 {strides = array<i32>} : memref<4096x32xf32, #tpu.memory_space<vmem>>, vector<4096x32xf32>,
    return
  }
  func.func @transform_0(%arg0: i32) -> (i32, i32) {
    %c0_i32 = arith.constant 0 : i32
    %c0_i32_0 = arith.constant 0 : i32
    %c0_i32_1 = arith.constant 0 : i32
    return %c0_i32, %c0_i32_0 : i32, i32
  }
  func.func @transform_1(%arg0: i32) -> (i32, i32) {
    %c0_i32 = arith.constant 0 : i32
    %c0_i32_0 = arith.constant 0 : i32
    return %arg0, %c0_i32 : i32, i32
  }
  func.func @transform_2(%arg0: i32) -> (i32, i32) {
    %c0_i32 = arith.constant 0 : i32
    %c0_i32_0 = arith.constant 0 : i32
    %c0_i32_1 = arith.constant 0 : i32
    return %c0_i32, %c0_i32_0 : i32, i32
  }
  func.func @transform_3(%arg0: i32) -> (i32, i32) {
    %c0_i32 = arith.constant 0 : i32
    %c0_i32_0 = arith.constant 0 : i32
    %c0_i32_1 = arith.constant 0 : i32
    return %c0_i32, %c0_i32_0 : i32, i32
  }
  func.func @transform_4(%arg0: i32) -> (i32, i32) {
    %c0_i32 = arith.constant 0 : i32
    %c0_i32_0 = arith.constant 0 : i32
    %c0_i32_1 = arith.constant 0 : i32
    return %c0_i32, %c0_i32_0 : i32, i32
  }
  func.func @transform_5(%arg0: i32) -> (i32, i32) {
    %c0_i32 = arith.constant 0 : i32
    %c0_i32_0 = arith.constant 0 : i32
    %c0_i32_1 = arith.constant 0 : i32
    return %c0_i32, %c0_i32_0 : i32, i32
  }
  func.func @transform_6(%arg0: i32) -> (i32, i32) {
    %c0_i32 = arith.constant 0 : i32
    %c0_i32_0 = arith.constant 0 : i32
    %c0_i32_1 = arith.constant 0 : i32
    return %c0_i32, %c0_i32_0 : i32, i32
  }
  func.func @transform_7(%arg0: i32) -> (i32, i32) {
    %c0_i32 = arith.constant 0 : i32
    %c0_i32_0 = arith.constant 0 : i32
    %c0_i32_1 = arith.constant 0 : i32
    return %c0_i32, %c0_i32_0 : i32, i32
  }
  func.func @transform_8(%arg0: i32) -> (i32, i32) {
    %min3A = arith.constant 4 : i32
    %min3A_0 = arith.minsi %arg0, %min3A : i32
    %c0_i32 = arith.constant 0 : i32
    %c0_i32_1 = arith.constant 0 : i32
    return %min3A_0, %c0_i32 : i32, i32
  }
  func.func @transform_9(%arg0: i32) -> (i32, i32) {
    %c0_i32 = arith.constant 0 : i32
    %c0_i32_0 = arith.constant 0 : i32
    return %arg0, %c0_i32 : i32, i32
  }
}

</mosaic_0001>

<sc_bundles>
// kernel: kernel.4.cloned.1.call-start
scs
__scs_entry_jumppad:
0x0: {  	(pc) =	sbr.rel $0x88, $3  }
0x1: {  	(tag) =	ssettag $0x0;
	lr =	simm.s32 $0x1  }
0x2: {  	[smem:$0x3F98] =	sst lr;
	_ =	strace $0xD0000000  }
0x3: {  	_ = 	snop  }
0x4: {  	_ = 	snop  }
0x5: {  	_ = 	snop  }
0x6: {  	_ = 	snop  }
0x7: {  	_ = 	snop  }
__scs_overlays_trampoline_lowered:
0x8: {  	[smem:$0x3FA7] =	sst s0  }
0x9: {  	[smem:$0x3FA8] =	sst s1  }
0xa: {  	[smem:$0x3FA9] =	sst s2  }
0xb: {  	[smem:$0x3FAA] =	sst s3  }
0xc: {  	[smem:$0x3FAB] =	sst s4  }
0xd: {  	[smem:$0x3FAC] =	sst s5  }
0xe: {  	[smem:$0x3FAD] =	sst s6  }
0xf: {  	[smem:$0x3FAE] =	sst s7  }
0x10: {  	[smem:$0x3FAF] =	sst s8  }
0x11: {  	[smem:$0x3FB0] =	sst s9;
	s0 =	simm.s32 @!p0 $0x0  }
0x12: {  	s1 =	sld [smem:$0x3F96];
	s0 =	simm.s32 @p0 $0x1  }
0x13: {  	[smem:$0x3FB1] =	sst s0;
	s0 =	simm.s32 @!p1 $0x0  }
0x14: {  	s2 =	sld [smem:$0x3F95];
	s0 =	simm.s32 @p1 $0x1  }
0x15: {  	[smem:$0x3FB2] =	sst s0;
	s0 =	simm.s32 @!p2 $0x0  }
0x16: {  	s3 =	sld [smem:$0x3FDB];
	s0 =	simm.s32 @p2 $0x1  }
0x17: {  	s4 =	simm.s32 $0x1BF5;
	[smem:$0x3FB4] =	sst s0  }
0x18: {  	s0 =	sld [smem:$0x3F97];
	_ =	swait.ge [sflag:s4], $0x0  }
0x19: {  	s7 =	sld [smem:$0x3F98]  }
0x1a: {  	s8 =	sadd.s32 $0xFFFFE003, lr  }
0x1b: {  	s9 =	sadd.s32 $0xFFFFFEF7, lr;
	s5 =	simm.s32 $0xFFFFFFFF;
	p2 =	slt.u32 s8, $0xFFFFF086  }
0x1c: {  	p1 =	slt.u32 s9, $0xF7A;
	s5 =	simm.s32 @!p2 $0x0  }
0x1d: {  	s5 =	simm.s32 @p1 $0x1;
	p0 =	seq.s32 s7, s2  }
0x1e: {  	s7 =	smul.u32 @!p0 $0xF7A, s2;
	p2 =	seq.s32 @!p0 s5, $0x0  }
0x1f: {  	s9 =	smul.u32 $0xF7A, s1;
	s8 =	simm.s32 @!p0 $0x1BF5;
	p2 =	por !p2, p0  }
0x20: {  	[sflag:s8] =	ssyncset.s32 @!p0 $0xFFFFF086;
	s6 =	sadd.s32 @!p0 s3, s7;
	s7 =	simm.s32 @!p0 $0x108  }
0x21: {  	s3 =	sadd.s32 s3, s9;
	s6 =	sadd.s32 @!p0 $0x88, s6;
	s7 =	simm.s32 @p2 $0x1082  }
0x22: {  	[simem:s7], [sflag:s8] =	dma.local @!p0 [hbm:s6], $0xF7A  }
0x23: {  	s9 =	sor.u32 $0xD0000000, s2;
	s6 =	simm.s32 $0x108;
	_ =	swait.ge @!p0 [sflag:s8], $0x0  }
0x24: {  	s3 =	sadd.s32 $0x88, s3;
	s6 =	simm.s32 @!p1 $0x1082;
	[sflag:s4] =	ssyncset.s32 $0xFFFFF086  }
0x25: {  	[simem:s6], [sflag:s4] =	dma.local [hbm:s3], $0xF7A  }
0x26: {  	[smem:$0x3F98] =	sst s1;
	(tag) =	ssettag s2;
	_ =	strace s9  }
0x27: {  	s1 =	sld [smem:$0x3FA8]  }
0x28: {  	s2 =	sld [smem:$0x3FA9]  }
0x29: {  	s4 =	sld [smem:$0x3FAB]  }
0x2a: {  	p0 =	seq.s32 s5, $0x0;
	s5 =	sld [smem:$0x3FAC]  }
0x2b: {  	s6 =	sld [smem:$0x3FAD]  }
0x2c: {  	s7 =	sld [smem:$0x3FAE]  }
0x2d: {  	s3 =	simm.s32 $0x108;
	s8 =	sld [smem:$0x3FAF]  }
0x2e: {  	s3 =	simm.s32 @!p0 $0x1082;
	s9 =	sld [smem:$0x3FB0]  }
0x2f: {  	lr =	sadd.s32 s0, s3;
	s0 =	sld [smem:$0x3FA7]  }
0x30: {  	s3 =	sld [smem:$0x3FAA]  }
0x31: {  	[smem:$0x3FB3] =	sst s10  }
0x32: {  	s10 =	sld [smem:$0x3FB1];
	_ =	sdelay $0x3  }
0x33: {  	p0 =	seq.s32 s10, $0x1;
	s10 =	sld [smem:$0x3FB3];
	_ =	sdelay $0x3  }
0x34: {  	[smem:$0x3FB3] =	sst s10  }
0x35: {  	s10 =	sld [smem:$0x3FB2];
	_ =	sdelay $0x3  }
0x36: {  	p1 =	seq.s32 s10, $0x1;
	s10 =	sld [smem:$0x3FB3];
	_ =	sdelay $0x3  }
0x37: {  	[smem:$0x3FB3] =	sst s10  }
0x38: {  	s10 =	sld [smem:$0x3FB4]  }
0x39: {  	_ = 	snop;
	(pc) =	sbr.ind lr, $3  }
0x3a: {  	_ = 	snop  }
0x3b: {  	_ = 	snop  }
0x3c: {  	p2 =	seq.s32 s10, $0x1;
	s10 =	sld [smem:$0x3FB3]  }
0x3d: {  	_ =	shalt  }
0x3e: {  	_ =	shalt  }
0x3f: {  	_ =	shalt  }
0x40: {  	_ =	shalt  }
0x41: {  	_ =	shalt  }
0x42: {  	_ =	shalt  }
0x43: {  	_ =	shalt  }
0x44: {  	_ =	shalt  }
0x45: {  	_ =	shalt  }
0x46: {  	_ =	shalt  }
0x47: {  	_ =	shalt  }
0x48: {  	_ =	shalt  }
0x49: {  	_ =	shalt  }
0x4a: {  	_ =	shalt  }
0x4b: {  	_ =	shalt  }
0x4c: {  	_ =	shalt  }
0x4d: {  	_ =	shalt  }
0x4e: {  	_ =	shalt  }
0x4f: {  	_ =	shalt  }
0x50: {  	_ =	shalt  }
0x51: {  	_ =	shalt  }
0x52: {  	_ =	shalt  }
0x53: {  	_ =	shalt  }
0x54: {  	_ =	shalt  }
0x55: {  	_ =	shalt  }
0x56: {  	_ =	shalt  }
0x57: {  	_ =	shalt  }
0x58: {  	_ =	shalt  }
0x59: {  	_ =	shalt  }
0x5a: {  	_ =	shalt  }
0x5b: {  	_ =	shalt  }
0x5c: {  	_ =	shalt  }
0x5d: {  	_ =	shalt  }
0x5e: {  	_ =	shalt  }
0x5f: {  	_ =	shalt  }
0x60: {  	_ =	shalt  }
0x61: {  	_ =	shalt  }
0x62: {  	_ =	shalt  }
0x63: {  	_ =	shalt  }
0x64: {  	_ =	shalt  }
0x65: {  	_ =	shalt  }
0x66: {  	_ =	shalt  }
0x67: {  	_ =	shalt  }
0x68: {  	_ =	shalt  }
0x69: {  	_ =	shalt  }
0x6a: {  	_ =	shalt  }
0x6b: {  	_ =	shalt  }
0x6c: {  	_ =	shalt  }
0x6d: {  	_ =	shalt  }
0x6e: {  	_ =	shalt  }
0x6f: {  	_ =	shalt  }
0x70: {  	_ =	shalt  }
0x71: {  	_ =	shalt  }
0x72: {  	_ =	shalt  }
0x73: {  	_ =	shalt  }
0x74: {  	_ =	shalt  }
0x75: {  	_ =	shalt  }
0x76: {  	_ =	shalt  }
0x77: {  	_ =	shalt  }
0x78: {  	_ =	shalt  }
0x79: {  	_ =	shalt  }
0x7a: {  	_ =	shalt  }
0x7b: {  	_ =	shalt  }
0x7c: {  	_ =	shalt  }
0x7d: {  	_ =	shalt  }
0x7e: {  	_ =	shalt  }
0x7f: {  	_ =	shalt  }
0x80: {  	_ =	shalt  }
0x81: {  	_ =	shalt  }
0x82: {  	_ =	shalt  }
0x83: {  	_ =	shalt  }
0x84: {  	_ =	shalt  }
0x85: {  	_ =	shalt  }
0x86: {  	_ =	shalt  }
0x87: {  	_ =	shalt  }
.Lfunc_end0:
.L_simem_size_0:
called_computation_lowered:
.L_overlay_start_0:
0x88: {  	s2 =	sld [smem:$0x3FD9]  }
0x89: {  	s3 =	sld [smem:$0x3FFE];
	_ =	sdelay $0x1  }
0x8a: {  	s1 =	srdreg.scid  }
0x8b: {  	s0 =	sand.u32 $0x1, s1  }
0x8c: {  	s17 =	sshll.u32 s0, $0xA;
	s2 =	sadd.s32 s3, s2  }
0x8d: {  	s2 =	sadd.s32 s2, s17  }
0x8e: {  	[smem:$0x3FBF] =	sst s2  }
0x8f: {  	_ = 	snop  }
0x90: {  	s2 =	sld [smem:$0x3FD0];
	(tm) =	ssettm $0x1  }
0x91: {  	s18 =	sld [smem:$0x3FFB];
	_ =	sdelay $0x3  }
0x92: {  	_ =	strace s18  }
0x93: {  	s3 =	sld [smem:$0x3FFC];
	_ =	sdelay $0x3  }
0x94: {  	_ =	strace s3  }
0x95: {  	s3 =	sld [smem:$0x3FFD];
	_ =	sdelay $0x3  }
0x96: {  	_ =	strace s3  }
0x97: {  	_ =	strace $0x8FFFFFFF  }
0x98: {  	s19 =	sld [smem:$0x3FDB];
	_ =	sdelay $0x1  }
0x99: {  	s4 =	simm.s32 $_scs_section_size  }
0x9a: {  	s5 =	simm.s32 $_size__tile_overlayer_lowered;
	s6 =	simm.s32 $_tile_overlayer_lowered  }
0x9b: {  	s22 =	simm.s32 $0x1BFF;
	s21 =	sshll.u32 s6, $0x1;
	s3 =	sadd.s32 s4, s19  }
0x9c: {  	s7 =	simm.s32 $0x0;
	s20 =	sshll.u32 s5, $0x1;
	s5 =	sadd.s32 s21, s3  }
0x9d: {  	[timem:s7], [sflag:s22] =	dma.local [hbm:s5], s20  }
0x9e: {  	_ =	swait.ge [sflag:s22], s20  }
0x9f: {  	s4 =	ssub.s32 $0x0, s20;
	[sflag:s22] =	ssyncset.done $0x0  }
0xa0: {  	[sflag:s22] =	ssyncadd.s32 s4;
	_ =	sdelay $0x1  }
0xa1: {  	s23 =	simm.s32 $0x1B8B  }
0xa2: {  	_ =	swait.ge [sflag:s23], $0x1  }
0xa3: {  	[sflag:s23] =	ssyncset.done $0x0  }
0xa4: {  	s25 =	simm.s32 $0x1B8E;
	s24 =	sld [smem:$0x3FFE];
	[sflag:s23] =	ssyncadd.s32 $0xFFFFFFFF  }
0xa5: {  	s26 =	simm.s32 $execute0_lowered;
	[smem:$0x3FD2] =	sst s25  }
0xa6: {  	s5 =	sshll.u32 s26, $0x1;
	_ =	strace $0x80000046;
	[dreg:$0x1] =	wrdreg $0xFFFFFFFF  }
0xa7: {  	s28 =	simm.s32 $_size_execute0_lowered;
	s3 =	sadd.s32 s3, s5;
	[dreg:$0x0] =	wrdreg $0x0  }
0xa8: {  	s5 =	sshll.u32 s28, $0x1;
	[dreg:$0x2] =	wrdreg s3  }
0xa9: {  	[dreg:$0x3] =	wrdreg s5  }
0xaa: {  	[dreg:$0x4] =	wrdreg $0xC0  }
0xab: {  	_ =	task [dreg:s7], $0x5FFFF  }
0xac: {  	[dreg:$0x1] =	wrdreg $0xFFFFFFFF  }
0xad: {  	[dreg:$0x0] =	wrdreg $0x60  }
0xae: {  	[dreg:$0x2] =	wrdreg s24  }
0xaf: {  	[dreg:$0x3] =	wrdreg s2  }
0xb0: {  	[dreg:$0x4] =	wrdreg $0x9  }
0xb1: {  	_ =	task.clear_ibuf [dreg:s7], $0x5FFFF;
	_ =	strace $0x90000046  }
0xb2: {  	s29 =	simm.s32 $0x9;
	_ =	strace $0x80000048  }
0xb3: {  	_ =	swait.ge [sflag:s29], $0x1  }
0xb4: {  	[sflag:s29] =	ssyncadd.s32 $0xFFFFFFFF  }
0xb5: {  	_ =	strace $0x90000048  }
0xb6: {  	_ =	sfence  }
0xb7: {  	s30 =	sld [smem:$0x0];
	_ =	sdelay $0x2  }
0xb8: {  	s31 =	sshll.u32 s1, $0xD;
	s1 =	sshrl.u32 s1, $0x2  }
0xb9: {  	s3 =	sand.u32 $0x4000, s31;
	s1 =	sadd.s32 s1, s30  }
0xba: {  	s0 =	sor.u32 s3, s0;
	s1 =	sshll.u32 s1, $0x11  }
0xbb: {  	s0 =	sor.u32 s1, s0  }
0xbc: {  	s0 =	sadd.s32 $0x8F2B, s0  }
0xbd: {  	[sflag:s0] =	ssyncadd.remote.s32 $0x1  }
0xbe: {  	_ =	sfence.sel $0xFFFF  }
0xbf: {  	[dreg:$0x0] =	wrdreg $0xFFFFFFFF;
	(pc) =	sbr.abs _section_cstart, $3  }
0xc0: {  	[dreg:$0x1] =	wrdreg $0xFFFFFFFF  }
0xc1: {  	_ =	task.clear_ibuf [dreg:s7], $0x2FFFF;
	_ =	strace $0x9FFFFFFF  }
0xc2: {  	(tm) =	ssettm $0x7FFFFFFF  }
0xc3: {  	_ =	shalt  }
tec
execute0_lowered:
.L_overlay_start_1:
0x0: {  	(tag) =	ssettag $0x1  }
0x1: {  	v1 =	vlaneseq.u32  }
0x2: {  	v0 =	vmul.u32 $0x80, v1  }
0x3: {  	s0 =	rddreg [dreg:$0x0];
	v1 =	vmul.u32 $0x5, v1  }
0x4: {  	s1 =	rddreg [dreg:$0x1];
	s3 =	simm.s32 $0x0;
	s2 =	srdreg.scid;
	v2 =	vor.u32 $0x1, v0  }
0x5: {  	s4 =	stileid.u32;
	s18 =	simm.s32 $0x5;
	s19 =	simm.s32 $0x3000;
	v3 =	vor.u32 $0x2, v0;
	v4 =	vor.u32 $0x3, v0;
	v5 =	vadd.s32 $0x1, v1  }
0x6: {  	s22 =	simm.s32 $0x4;
	s28 =	simm.s32 $0x1;
	s29 =	simm.s32 $0x7;
	v6 =	vor.u32 $0x4, v0;
	v7 =	vor.u32 $0x5, v0;
	v8 =	vadd.s32 $0x2, v1  }
0x7: {  	s30 =	simm.s32 $0x15200;
	s31 =	simm.s32 $0x0;
	[smem:$0x7FF] =	sst s3;
	v9 =	vor.u32 $0x6, v0;
	v10 =	vor.u32 $0x7, v0;
	v11 =	vadd.s32 $0x3, v1  }
0x8: {  	s2 =	sand.u32 $0x1, s2;
	s4 =	sshll.u32 s4, $0x1;
	s5 =	sadd.s32 $0x187A00, s0;
	v12 =	vor.u32 $0x8, v0;
	v13 =	vadd.s32 $0x4, v1;
	v14 =	vor.u32 $0x800, v0  }
0x9: {  	s6 =	sadd.s32 $0xC4400, s0;
	s7 =	sor.u32 s2, s4;
	s2 =	ssub.s32 $0x2, s2;
	v15 =	vor.u32 $0x801, v0;
	v16 =	vadd.s32 $0x50, v1;
	v17 =	vor.u32 $0x802, v0  }
0xa: {  	_ =	strace $0x80000047;
	s8 =	smul.u32 $0x6200, s7;
	s23 =	sshrl.u32 s2, $0x1;
	v18 =	vor.u32 $0x803, v0;
	v19 =	vadd.s32 $0x51, v1;
	v20 =	vor.u32 $0x804, v0  }
0xb: {  	s4 =	sadd.s32 $0xE00, s0;
	s7 =	smul.u32 $0x620, s7;
	v21 =	vor.u32 $0x805, v0;
	v22 =	vadd.s32 $0x52, v1;
	v23 =	vor.u32 $0x806, v0;
	s0 =	ssub.s32 s2, s23  }
0xc: {  	v24 =	vor.u32 $0x807, v0;
	v25 =	vadd.s32 $0x53, v1;
	v26 =	vor.u32 $0x808, v0;
	s23 =	simm.s32 $0x2;
	s24 =	sadd.s32 $0x300, s8;
	s9 =	sadd.s32 s4, s8  }
.Ltmp0:
0xd: {  	v27 =	vadd.s32 $0x54, v1;
	v28 =	vor.u32 $0x1000, v0;
	v29 =	vor.u32 $0x1001, v0;
	s8 =	sadd.s32 s6, s8;
	s12 =	sadd.s32 $0x60, s7;
	(pc) =	sbr.rel .LBB2_1-.Ltmp0, $4  }
0xe: {  	v30 =	vadd.s32 $0xA0, v1;
	v31 =	vor.u32 $0x1002, v0;
	v32 =	vor.u32 $0x1003, v0;
	s26 =	smin.u32 s7, $0xBD20;
	s13 =	smax.u32 s0, $0x1;
	[dreg:$0x3] =	wrdreg s9  }
0xf: {  	v33 =	vadd.s32 $0xA1, v1;
	v34 =	vor.u32 $0x1004, v0;
	v35 =	vor.u32 $0x1005, v0;
	[dreg:$0x4] =	wrdreg s8;
	s25 =	sadd.s32 s4, s24;
	s2 =	sadd.s32 s6, s24  }
0x10: {  	v36 =	vadd.s32 $0xA2, v1;
	v37 =	vor.u32 $0x1006, v0;
	v38 =	vor.u32 $0x1007, v0;
	s14 =	sadd.s32 $0x600, s26;
	s24 =	simm.s32 $0x8;
	[dreg:$0x5] =	wrdreg s25  }
0x11: {  	v39 =	vadd.s32 $0xA3, v1;
	v40 =	vor.u32 $0x1008, v0;
	v41 =	vadd.s32 $0xA4, v1;
	s26 =	simm.s32 $0x3;
	[dreg:$0x6] =	wrdreg s2;
	s25 =	simm.s32 $0x18200  }
.LBB2_14:
0x12: {  	s31 =	sadd.s32 $0x1, s31  }
0x13: {  	_ =	swait.ge [sflag:s22], $0x3000;
	p0 =	sne.s32 s31, s13  }
.Ltmp1:
0x14: {  	[sflag:s22] =	ssyncset.done $0x0;
	(pc) =	sbr.rel @!p0 .LBB2_15-.Ltmp1, $4  }
0x15: {  	[sflag:s22] =	ssyncadd.s32 $0xFFFFD000  }
0x16: {  	_ =	swait.ge [sflag:s26], $0x3000  }
0x17: {  	[sflag:s26] =	ssyncset.done $0x0  }
0x18: {  	[sflag:s26] =	ssyncadd.s32 $0xFFFFD000  }
.LBB2_1:
0x19: {  	s0 =	rddreg [dreg:$0x3]  }
0x1a: {  	[tilespmem:s3], [sflag:$0x5] =	stream.linear.gather [hbm4b:s0+s3], $0x1800, $0x38;
	[tilespmem:$0x1B200] =	vst v63  }
0x1b: {  	s10 =	rddreg [dreg:$0x4];
	s2 =	simm.s32 $0x12200  }
0x1c: {  	[tilespmem:s2], [sflag:$0x7] =	stream.linear.gather [hbm4b:s10+s3], $0x1800, $0x38;
	[tilespmem:$0x1B200] =	vst v63  }
0x1d: {  	s11 =	rddreg [dreg:$0x5];
	s15 =	simm.s32 $0x1800  }
0x1e: {  	[tilespmem:s15], [sflag:$0x6] =	stream.linear.gather [hbm4b:s11+s3], $0x1800, $0x38;
	[tilespmem:$0x1B200] =	vst v63  }
0x1f: {  	s16 =	rddreg [dreg:$0x6];
	s17 =	simm.s32 $0x13A00  }
0x20: {  	[tilespmem:s17], [sflag:$0x8] =	stream.linear.gather [hbm4b:s16+s3], $0x1800, $0x38;
	[tilespmem:$0x1B200] =	vst v63  }
0x21: {  	_ =	swait.ge [sflag:s18], $0x1800  }
0x22: {  	[sflag:s18] =	ssyncset.done $0x0  }
0x23: {  	[sflag:s18] =	ssyncadd.s32 $0xFFFFE800  }
0x24: {  	v42 =	vld.idx.msk [tilespmem:v0+s3+$0x0], $0xffff  }
0x25: {  	v43 =	vld.idx.msk [tilespmem:v2+s3+$0x0], $0xffff;
	_ =	sdelay $0x3  }
0x26: {  	v42 =	vshll.u32 v42, $0x6  }
0x27: {  	v42 =	vadd.s32 v43, v42  }
0x28: {  	[tilespmem:v1+s19+$0x0] =	vst.idx.msk $0xffff, v42  }
0x29: {  	v42 =	vld.idx.msk [tilespmem:v3+s3+$0x0], $0xffff  }
0x2a: {  	v53 =	vld.idx.msk [tilespmem:v4+s3+$0x0], $0xffff;
	_ =	sdelay $0x3  }
0x2b: {  	v42 =	vshll.u32 v42, $0x6  }
0x2c: {  	v42 =	vadd.s32 v42, v53  }
0x2d: {  	v42 =	vadd.s32 $0x1000, v42  }
0x2e: {  	[tilespmem:v5+s19+$0x0] =	vst.idx.msk $0xffff, v42  }
0x2f: {  	v42 =	vld.idx.msk [tilespmem:v6+s3+$0x0], $0xffff  }
0x30: {  	v54 =	vld.idx.msk [tilespmem:v7+s3+$0x0], $0xffff;
	_ =	sdelay $0x3  }
0x31: {  	v42 =	vshll.u32 v42, $0x6  }
0x32: {  	v42 =	vadd.s32 v42, v54  }
0x33: {  	v42 =	vadd.s32 $0x2000, v42  }
0x34: {  	[tilespmem:v8+s19+$0x0] =	vst.idx.msk $0xffff, v42  }
0x35: {  	v42 =	vld.idx.msk [tilespmem:v9+s3+$0x0], $0xffff  }
0x36: {  	v55 =	vld.idx.msk [tilespmem:v10+s3+$0x0], $0xffff;
	_ =	sdelay $0x3  }
0x37: {  	v42 =	vshll.u32 v42, $0x6  }
0x38: {  	v42 =	vadd.s32 v42, v55  }
0x39: {  	v42 =	vadd.s32 $0x3000, v42  }
0x3a: {  	[tilespmem:v11+s19+$0x0] =	vst.idx.msk $0xffff, v42  }
0x3b: {  	v42 =	vld.idx.msk [tilespmem:v12+s3+$0x0], $0xffff;
	_ =	sdelay $0x4  }
0x3c: {  	v42 =	vadd.s32 $0x4000, v42  }
0x3d: {  	[tilespmem:v13+s19+$0x0] =	vst.idx.msk $0xffff, v42  }
0x3e: {  	v42 =	vld.idx.msk [tilespmem:v14+s3+$0x0], $0xffff  }
0x3f: {  	v56 =	vld.idx.msk [tilespmem:v15+s3+$0x0], $0xffff;
	_ =	sdelay $0x3  }
0x40: {  	v42 =	vshll.u32 v42, $0x6  }
0x41: {  	v42 =	vadd.s32 v56, v42  }
0x42: {  	[tilespmem:v16+s19+$0x0] =	vst.idx.msk $0xffff, v42  }
0x43: {  	v42 =	vld.idx.msk [tilespmem:v17+s3+$0x0], $0xffff  }
0x44: {  	v57 =	vld.idx.msk [tilespmem:v18+s3+$0x0], $0xffff;
	_ =	sdelay $0x3  }
0x45: {  	v42 =	vshll.u32 v42, $0x6  }
0x46: {  	v42 =	vadd.s32 v42, v57  }
0x47: {  	v42 =	vadd.s32 $0x1000, v42  }
0x48: {  	[tilespmem:v19+s19+$0x0] =	vst.idx.msk $0xffff, v42  }
0x49: {  	v42 =	vld.idx.msk [tilespmem:v20+s3+$0x0], $0xffff  }
0x4a: {  	v58 =	vld.idx.msk [tilespmem:v21+s3+$0x0], $0xffff;
	_ =	sdelay $0x3  }
0x4b: {  	v42 =	vshll.u32 v42, $0x6  }
0x4c: {  	v42 =	vadd.s32 v42, v58  }
0x4d: {  	v42 =	vadd.s32 $0x2000, v42  }
0x4e: {  	[tilespmem:v22+s19+$0x0] =	vst.idx.msk $0xffff, v42  }
0x4f: {  	v42 =	vld.idx.msk [tilespmem:v23+s3+$0x0], $0xffff  }
0x50: {  	v59 =	vld.idx.msk [tilespmem:v24+s3+$0x0], $0xffff;
	_ =	sdelay $0x3  }
0x51: {  	v42 =	vshll.u32 v42, $0x6  }
0x52: {  	v42 =	vadd.s32 v42, v59  }
0x53: {  	v42 =	vadd.s32 $0x3000, v42  }
0x54: {  	[tilespmem:v25+s19+$0x0] =	vst.idx.msk $0xffff, v42  }
0x55: {  	v42 =	vld.idx.msk [tilespmem:v26+s3+$0x0], $0xffff;
	_ =	sdelay $0x4  }
0x56: {  	v42 =	vadd.s32 $0x4000, v42  }
0x57: {  	[tilespmem:v27+s19+$0x0] =	vst.idx.msk $0xffff, v42  }
0x58: {  	v42 =	vld.idx.msk [tilespmem:v28+s3+$0x0], $0xffff  }
0x59: {  	v60 =	vld.idx.msk [tilespmem:v29+s3+$0x0], $0xffff;
	_ =	sdelay $0x3  }
0x5a: {  	v42 =	vshll.u32 v42, $0x6  }
0x5b: {  	v42 =	vadd.s32 v60, v42  }
0x5c: {  	[tilespmem:v30+s19+$0x0] =	vst.idx.msk $0xffff, v42  }
0x5d: {  	v42 =	vld.idx.msk [tilespmem:v31+s3+$0x0], $0xffff  }
0x5e: {  	v61 =	vld.idx.msk [tilespmem:v32+s3+$0x0], $0xffff;
	_ =	sdelay $0x3  }
0x5f: {  	v42 =	vshll.u32 v42, $0x6  }
0x60: {  	v42 =	vadd.s32 v42, v61  }
0x61: {  	v42 =	vadd.s32 $0x1000, v42  }
0x62: {  	[tilespmem:v33+s19+$0x0] =	vst.idx.msk $0xffff, v42  }
0x63: {  	v42 =	vld.idx.msk [tilespmem:v34+s3+$0x0], $0xffff  }
0x64: {  	v62 =	vld.idx.msk [tilespmem:v35+s3+$0x0], $0xffff;
	_ =	sdelay $0x3  }
0x65: {  	v42 =	vshll.u32 v42, $0x6  }
0x66: {  	v42 =	vadd.s32 v42, v62  }
0x67: {  	v42 =	vadd.s32 $0x2000, v42  }
0x68: {  	[tilespmem:v36+s19+$0x0] =	vst.idx.msk $0xffff, v42  }
0x69: {  	v42 =	vld.idx.msk [tilespmem:v37+s3+$0x0], $0xffff  }
0x6a: {  	v63 =	vld.idx.msk [tilespmem:v38+s3+$0x0], $0xffff;
	_ =	sdelay $0x3  }
0x6b: {  	v42 =	vshll.u32 v42, $0x6  }
0x6c: {  	v42 =	vadd.s32 v42, v63  }
0x6d: {  	v42 =	vadd.s32 $0x3000, v42  }
0x6e: {  	[tilespmem:v39+s19+$0x0] =	vst.idx.msk $0xffff, v42  }
0x6f: {  	v42 =	vld.idx.msk [tilespmem:v40+s3+$0x0], $0xffff;
	_ =	sdelay $0x2  }
.Ltmp2:
0x70: {  	_ = 	snop;
	(pc) =	sbr.rel .LBB2_2-.Ltmp2, $4  }
0x71: {  	_ = 	snop  }
0x72: {  	v42 =	vadd.s32 $0x4000, v42  }
0x73: {  	s20 =	simm.s32 $0xF0;
	s21 =	simm.s32 $0x3200;
	s0 =	simm.s32 $0x0;
	[tilespmem:v41+s19+$0x0] =	vst.idx.msk $0xffff, v42  }
0x74: {  	[tilespmem:s21], [sflag:$0x1] =	stream.indirect.gather [hbm4b:s5+s20], $0x80, s19, s20, $0xb8;
	[tilespmem:$0x1B200] =	vst v63  }
.LBB2_13:
0x75: {  	s0 =	sadd.s32 $0x1, s0  }
0x76: {  	p0 =	sne.s32 s0, $0x21  }
.Ltmp3:
0x77: {  	_ = 	snop;
	(pc) =	sbr.rel @!p0 .LBB2_14-.Ltmp3, $1  }
0x78: {  	_ =	sdelay $0x3  }
.LBB2_2:
0x79: {  	s2 =	sand.u32 $0x1, s0  }
0x7a: {  	p0 =	seq.s32 s2, $0x1  }
.Ltmp4:
0x7b: {  	_ = 	snop;
	(pc) =	sbr.rel @p0 .LBB2_8-.Ltmp4, $1  }
0x7c: {  	_ =	sdelay $0x3  }
0x7d: {  	p0 =	seq.s32 s0, $0x20  }
0x7e: {  	v42 =	vlaneseq.u32 @!p0  }
0x7f: {  	v43 =	vmul.u32 @!p0 $0x80, v42;
	_ =	sdelay $0x1  }
0x80: {  	s8 =	simm.s32 @!p0 $0x6;
	v44 =	vor.u32 @!p0 $0x1, v43  }
0x81: {  	_ =	swait.ge @!p0 [sflag:s8], $0x1800  }
0x82: {  	[sflag:s8] =	ssyncset.done @!p0 $0x0  }
0x83: {  	[sflag:s8] =	ssyncadd.s32 @!p0 $0xFFFFE800;
	s8 =	simm.s32 @!p0 $0x1800  }
0x84: {  	v45 =	vld.idx.msk @!p0 [tilespmem:v43+s8+$0x0], $0xffff  }
0x85: {  	v42 =	vmul.u32 @!p0 $0x5, v42;
	v44 =	vld.idx.msk @!p0 [tilespmem:v44+s8+$0x0], $0xffff;
	_ =	sdelay $0x1  }
0x86: {  	v46 =	vor.u32 @!p0 $0x2, v43  }
0x87: {  	v47 =	vor.u32 @!p0 $0x3, v43  }
0x88: {  	v45 =	vshll.u32 @!p0 v45, $0x6  }
0x89: {  	s9 =	simm.s32 @!p0 $0x3100;
	v44 =	vadd.s32 @!p0 v44, v45  }
0x8a: {  	[tilespmem:v42+s9+$0x0] =	vst.idx.msk @!p0 $0xffff, v44  }
0x8b: {  	v44 =	vld.idx.msk @!p0 [tilespmem:v46+s8+$0x0], $0xffff  }
0x8c: {  	v45 =	vld.idx.msk @!p0 [tilespmem:v47+s8+$0x0], $0xffff;
	_ =	sdelay $0x1  }
0x8d: {  	v46 =	vadd.s32 @!p0 $0x1, v42  }
0x8e: {  	v47 =	vor.u32 @!p0 $0x4, v43  }
0x8f: {  	v48 =	vor.u32 @!p0 $0x5, v43;
	v44 =	vshll.u32 @!p0 v44, $0x6  }
0x90: {  	v44 =	vadd.s32 @!p0 v44, v45  }
0x91: {  	v44 =	vadd.s32 @!p0 $0x1000, v44  }
0x92: {  	[tilespmem:v46+s9+$0x0] =	vst.idx.msk @!p0 $0xffff, v44  }
0x93: {  	v44 =	vld.idx.msk @!p0 [tilespmem:v47+s8+$0x0], $0xffff  }
0x94: {  	v45 =	vld.idx.msk @!p0 [tilespmem:v48+s8+$0x0], $0xffff;
	_ =	sdelay $0x1  }
0x95: {  	v46 =	vadd.s32 @!p0 $0x2, v42  }
0x96: {  	v47 =	vor.u32 @!p0 $0x6, v43  }
0x97: {  	v48 =	vor.u32 @!p0 $0x7, v43;
	v44 =	vshll.u32 @!p0 v44, $0x6  }
0x98: {  	v44 =	vadd.s32 @!p0 v44, v45  }
0x99: {  	v44 =	vadd.s32 @!p0 $0x2000, v44  }
0x9a: {  	[tilespmem:v46+s9+$0x0] =	vst.idx.msk @!p0 $0xffff, v44  }
0x9b: {  	v44 =	vld.idx.msk @!p0 [tilespmem:v47+s8+$0x0], $0xffff  }
0x9c: {  	v45 =	vld.idx.msk @!p0 [tilespmem:v48+s8+$0x0], $0xffff;
	_ =	sdelay $0x1  }
0x9d: {  	v46 =	vadd.s32 @!p0 $0x3, v42  }
0x9e: {  	v47 =	vor.u32 @!p0 $0x8, v43  }
0x9f: {  	v44 =	vshll.u32 @!p0 v44, $0x6  }
0xa0: {  	v44 =	vadd.s32 @!p0 v44, v45  }
0xa1: {  	v44 =	vadd.s32 @!p0 $0x3000, v44  }
0xa2: {  	[tilespmem:v46+s9+$0x0] =	vst.idx.msk @!p0 $0xffff, v44  }
0xa3: {  	v44 =	vld.idx.msk @!p0 [tilespmem:v47+s8+$0x0], $0xffff  }
0xa4: {  	v45 =	vadd.s32 @!p0 $0x4, v42  }
0xa5: {  	v46 =	vor.u32 @!p0 $0x800, v43  }
0xa6: {  	v47 =	vor.u32 @!p0 $0x801, v43;
	_ =	sdelay $0x1  }
0xa7: {  	v44 =	vadd.s32 @!p0 $0x4000, v44  }
0xa8: {  	[tilespmem:v45+s9+$0x0] =	vst.idx.msk @!p0 $0xffff, v44  }
0xa9: {  	v44 =	vld.idx.msk @!p0 [tilespmem:v46+s8+$0x0], $0xffff  }
0xaa: {  	v45 =	vld.idx.msk @!p0 [tilespmem:v47+s8+$0x0], $0xffff  }
0xab: {  	v46 =	vadd.s32 @!p0 $0x50, v42  }
0xac: {  	v47 =	vor.u32 @!p0 $0x802, v43  }
0xad: {  	v48 =	vor.u32 @!p0 $0x803, v43  }
0xae: {  	v44 =	vshll.u32 @!p0 v44, $0x6  }
0xaf: {  	v44 =	vadd.s32 @!p0 v45, v44  }
0xb0: {  	[tilespmem:v46+s9+$0x0] =	vst.idx.msk @!p0 $0xffff, v44  }
0xb1: {  	v44 =	vld.idx.msk @!p0 [tilespmem:v47+s8+$0x0], $0xffff  }
0xb2: {  	v45 =	vld.idx.msk @!p0 [tilespmem:v48+s8+$0x0], $0xffff;
	_ =	sdelay $0x1  }
0xb3: {  	v46 =	vadd.s32 @!p0 $0x51, v42  }
0xb4: {  	v47 =	vor.u32 @!p0 $0x804, v43  }
0xb5: {  	v48 =	vor.u32 @!p0 $0x805, v43;
	v44 =	vshll.u32 @!p0 v44, $0x6  }
0xb6: {  	v44 =	vadd.s32 @!p0 v44, v45  }
0xb7: {  	v44 =	vadd.s32 @!p0 $0x1000, v44  }
0xb8: {  	[tilespmem:v46+s9+$0x0] =	vst.idx.msk @!p0 $0xffff, v44  }
0xb9: {  	v44 =	vld.idx.msk @!p0 [tilespmem:v47+s8+$0x0], $0xffff  }
0xba: {  	v45 =	vld.idx.msk @!p0 [tilespmem:v48+s8+$0x0], $0xffff;
	_ =	sdelay $0x1  }
0xbb: {  	v46 =	vadd.s32 @!p0 $0x52, v42  }
0xbc: {  	v47 =	vor.u32 @!p0 $0x806, v43  }
0xbd: {  	v48 =	vor.u32 @!p0 $0x807, v43;
	v44 =	vshll.u32 @!p0 v44, $0x6  }
0xbe: {  	v44 =	vadd.s32 @!p0 v44, v45  }
0xbf: {  	v44 =	vadd.s32 @!p0 $0x2000, v44  }
0xc0: {  	[tilespmem:v46+s9+$0x0] =	vst.idx.msk @!p0 $0xffff, v44  }
0xc1: {  	v44 =	vld.idx.msk @!p0 [tilespmem:v47+s8+$0x0], $0xffff  }
0xc2: {  	v45 =	vld.idx.msk @!p0 [tilespmem:v48+s8+$0x0], $0xffff;
	_ =	sdelay $0x1  }
0xc3: {  	v46 =	vadd.s32 @!p0 $0x53, v42  }
0xc4: {  	v47 =	vor.u32 @!p0 $0x808, v43  }
0xc5: {  	v44 =	vshll.u32 @!p0 v44, $0x6  }
0xc6: {  	v44 =	vadd.s32 @!p0 v44, v45  }
0xc7: {  	v44 =	vadd.s32 @!p0 $0x3000, v44  }
0xc8: {  	[tilespmem:v46+s9+$0x0] =	vst.idx.msk @!p0 $0xffff, v44  }
0xc9: {  	v44 =	vld.idx.msk @!p0 [tilespmem:v47+s8+$0x0], $0xffff  }
0xca: {  	v45 =	vadd.s32 @!p0 $0x54, v42  }
0xcb: {  	v46 =	vor.u32 @!p0 $0x1000, v43  }
0xcc: {  	v47 =	vor.u32 @!p0 $0x1001, v43;
	_ =	sdelay $0x1  }
0xcd: {  	v44 =	vadd.s32 @!p0 $0x4000, v44  }
0xce: {  	[tilespmem:v45+s9+$0x0] =	vst.idx.msk @!p0 $0xffff, v44  }
0xcf: {  	v44 =	vld.idx.msk @!p0 [tilespmem:v46+s8+$0x0], $0xffff  }
0xd0: {  	v45 =	vld.idx.msk @!p0 [tilespmem:v47+s8+$0x0], $0xffff  }
0xd1: {  	v46 =	vadd.s32 @!p0 $0xA0, v42  }
0xd2: {  	v47 =	vor.u32 @!p0 $0x1002, v43  }
0xd3: {  	v48 =	vor.u32 @!p0 $0x1003, v43  }
0xd4: {  	v44 =	vshll.u32 @!p0 v44, $0x6  }
0xd5: {  	v44 =	vadd.s32 @!p0 v45, v44  }
0xd6: {  	[tilespmem:v46+s9+$0x0] =	vst.idx.msk @!p0 $0xffff, v44  }
0xd7: {  	v44 =	vld.idx.msk @!p0 [tilespmem:v47+s8+$0x0], $0xffff  }
0xd8: {  	v45 =	vld.idx.msk @!p0 [tilespmem:v48+s8+$0x0], $0xffff;
	_ =	sdelay $0x1  }
0xd9: {  	v46 =	vadd.s32 @!p0 $0xA1, v42  }
0xda: {  	v47 =	vor.u32 @!p0 $0x1004, v43  }
0xdb: {  	v48 =	vor.u32 @!p0 $0x1005, v43;
	v44 =	vshll.u32 @!p0 v44, $0x6  }
0xdc: {  	v44 =	vadd.s32 @!p0 v44, v45  }
0xdd: {  	v44 =	vadd.s32 @!p0 $0x1000, v44  }
0xde: {  	[tilespmem:v46+s9+$0x0] =	vst.idx.msk @!p0 $0xffff, v44  }
0xdf: {  	v44 =	vld.idx.msk @!p0 [tilespmem:v47+s8+$0x0], $0xffff  }
0xe0: {  	v45 =	vld.idx.msk @!p0 [tilespmem:v48+s8+$0x0], $0xffff;
	_ =	sdelay $0x1  }
0xe1: {  	v46 =	vadd.s32 @!p0 $0xA2, v42  }
0xe2: {  	v47 =	vor.u32 @!p0 $0x1006, v43  }
0xe3: {  	v48 =	vor.u32 @!p0 $0x1007, v43;
	v44 =	vshll.u32 @!p0 v44, $0x6  }
0xe4: {  	v44 =	vadd.s32 @!p0 v44, v45  }
0xe5: {  	v44 =	vadd.s32 @!p0 $0x2000, v44  }
0xe6: {  	[tilespmem:v46+s9+$0x0] =	vst.idx.msk @!p0 $0xffff, v44  }
0xe7: {  	v44 =	vld.idx.msk @!p0 [tilespmem:v47+s8+$0x0], $0xffff  }
0xe8: {  	v45 =	vld.idx.msk @!p0 [tilespmem:v48+s8+$0x0], $0xffff;
	_ =	sdelay $0x1  }
0xe9: {  	v46 =	vadd.s32 @!p0 $0xA3, v42  }
0xea: {  	v43 =	vor.u32 @!p0 $0x1008, v43  }
0xeb: {  	v44 =	vshll.u32 @!p0 v44, $0x6  }
0xec: {  	v44 =	vadd.s32 @!p0 v44, v45  }
0xed: {  	v44 =	vadd.s32 @!p0 $0x3000, v44  }
0xee: {  	[tilespmem:v46+s9+$0x0] =	vst.idx.msk @!p0 $0xffff, v44  }
0xef: {  	v43 =	vld.idx.msk @!p0 [tilespmem:v43+s8+$0x0], $0xffff  }
0xf0: {  	s15 =	smul.u32 @!p0 $0x30, s0;
	p2 =	slt.u32 @!p0 s0, $0x2;
	v42 =	vadd.s32 @!p0 $0xA4, v42  }
0xf1: {  	p2 =	por p0, !p2  }
.Ltmp5:
0xf2: {  	s16 =	sadd.s32 @!p0 s7, s15;
	(pc) =	sbr.rel @!p2 .LBB2_5-.Ltmp5, $4  }
0xf3: {  	p1 =	slt.s32 @!p0 s16, $0xC320  }
0xf4: {  	p1 =	por !p1, p0;
	v43 =	vadd.s32 @!p0 $0x4000, v43  }
0xf5: {  	s10 =	simm.s32 @!p0 $0xAA00;
	s16 =	simm.s32 @p1 $0xC320;
	s8 =	simm.s32 @!p0 $0xF0;
	[tilespmem:v42+s9+$0x0] =	vst.idx.msk @!p0 $0xffff, v43  }
0xf6: {  	[tilespmem:s10], [sflag:$0x2] =	stream.indirect.gather @!p0 [hbm4b:s5+s8], $0x80, s9, s8, $0xb8;
	[tilespmem:$0x1B200] =	vst v63  }
0xf7: {  	_ =	swait.ge [sflag:s26], $0x3000  }
0xf8: {  	[sflag:s26] =	ssyncset.done $0x0  }
0xf9: {  	s16 =	smov.u32 @p0 s14;
	s15 =	simm.s32 @p0 $0x600;
	[sflag:s26] =	ssyncadd.s32 $0xFFFFD000  }
.LBB2_5:
0xfa: {  	_ =	swait.ge [sflag:s28], $0x7800  }
0xfb: {  	[sflag:s28] =	ssyncset.done $0x0  }
0xfc: {  	[sflag:s28] =	ssyncadd.s32 $0xFFFF8800  }
0xfd: {  	_ =	swait.ge [sflag:s29], $0x1800  }
0xfe: {  	[sflag:s29] =	ssyncset.done $0x0  }
0xff: {  	s17 =	simm.s32 $0x3340;
	[sflag:s29] =	ssyncadd.s32 $0xFFFFE800  }
0x100: {  	v42 =	vld [tilespmem:s17+$0xFFFFFF40]  }
0x101: {  	v43 =	vld [tilespmem:s17+$0xFFFFFEC0];
	_ =	sdelay $0x1  }
0x102: {  	v44 =	vld [tilespmem:s17+$0xFFFFFFC0];
	_ =	sdelay $0x1  }
0x103: {  	v45 =	vld [tilespmem:s17+$0x40]  }
0x104: {  	v46 =	vunpack.i.l.bf16.f32 v42;
	v47 =	vunpack.i.l.bf16.f32 v43  }
0x105: {  	v48 =	vld [tilespmem:s17+$0xC0];
	v43 =	vunpack.i.u.bf16.f32 v43;
	v42 =	vunpack.i.u.bf16.f32 v42;
	v46 =	vadd.f32 v46, v47  }
0x106: {  	v58 =	vunpack.i.l.bf16.f32 v44;
	v42 =	vadd.f32 v42, v43  }
0x107: {  	v59 =	vunpack.i.u.bf16.f32 v44;
	v60 =	vadd.f32 v58, v46  }
0x108: {  	v61 =	vunpack.i.l.bf16.f32 v45;
	v42 =	vadd.f32 v59, v42  }
0x109: {  	v62 =	vunpack.i.u.bf16.f32 v45;
	v44 =	vadd.f32 v61, v60  }
0x10a: {  	s20 =	simm.s32 $0x0;
	v63 =	vunpack.i.l.bf16.f32 v48;
	v42 =	vadd.f32 v62, v42  }
0x10b: {  	s8 =	sand.u32 $0x3800, s20;
	s9 =	sand.u32 $0x380, s20;
	v48 =	vunpack.i.u.bf16.f32 v48;
	v44 =	vadd.f32 v63, v44  }
0x10c: {  	s8 =	sor.u32 s9, s8;
	v42 =	vadd.f32 v48, v42  }
0x10d: {  	s21 =	sadd.s32 $0x15200, s8;
	[tilespmem:s8+$0x15200] =	vst v44  }
0x10e: {  	[tilespmem:s21+$0x400] =	vst v42  }
0x10f: {  	v42 =	vld [tilespmem:s17+$0xFFFFFED0]  }
0x110: {  	v49 =	vld [tilespmem:s17+$0xFFFFFF50];
	_ =	sdelay $0x1  }
0x111: {  	v44 =	vld [tilespmem:s17+$0xFFFFFFD0];
	_ =	sdelay $0x1  }
0x112: {  	v50 =	vld [tilespmem:s17+$0x50]  }
0x113: {  	v51 =	vunpack.i.l.bf16.f32 v42;
	v52 =	vunpack.i.l.bf16.f32 v49  }
0x114: {  	v53 =	vld [tilespmem:s17+$0xD0];
	v42 =	vunpack.i.u.bf16.f32 v42;
	v43 =	vunpack.i.u.bf16.f32 v49;
	v46 =	vadd.f32 v52, v51  }
0x115: {  	v54 =	vunpack.i.l.bf16.f32 v44;
	v42 =	vadd.f32 v43, v42  }
0x116: {  	v44 =	vunpack.i.u.bf16.f32 v44;
	v43 =	vadd.f32 v54, v46  }
0x117: {  	v55 =	vunpack.i.l.bf16.f32 v50;
	v42 =	vadd.f32 v44, v42  }
0x118: {  	v45 =	vunpack.i.u.bf16.f32 v50;
	v43 =	vadd.f32 v55, v43  }
0x119: {  	v56 =	vunpack.i.l.bf16.f32 v53;
	v42 =	vadd.f32 v45, v42  }
0x11a: {  	v57 =	vunpack.i.u.bf16.f32 v53;
	v43 =	vadd.f32 v56, v43  }
0x11b: {  	v42 =	vadd.f32 v57, v42  }
0x11c: {  	[tilespmem:s21+$0x10] =	vst v43  }
0x11d: {  	[tilespmem:s21+$0x410] =	vst v42  }
0x11e: {  	v42 =	vld [tilespmem:s17+$0xFFFFFEE0]  }
0x11f: {  	v43 =	vld [tilespmem:s17+$0xFFFFFF60];
	_ =	sdelay $0x1  }
0x120: {  	v58 =	vld [tilespmem:s17+$0xFFFFFFE0];
	_ =	sdelay $0x1  }
0x121: {  	v59 =	vld [tilespmem:s17+$0x60]  }
0x122: {  	v60 =	vunpack.i.l.bf16.f32 v42;
	v61 =	vunpack.i.l.bf16.f32 v43  }
0x123: {  	v62 =	vld [tilespmem:s17+$0xE0];
	v42 =	vunpack.i.u.bf16.f32 v42;
	v43 =	vunpack.i.u.bf16.f32 v43;
	v46 =	vadd.f32 v61, v60  }
0x124: {  	v63 =	vunpack.i.l.bf16.f32 v58;
	v42 =	vadd.f32 v43, v42  }
0x125: {  	v44 =	vunpack.i.u.bf16.f32 v58;
	v43 =	vadd.f32 v63, v46  }
0x126: {  	v48 =	vunpack.i.l.bf16.f32 v59;
	v42 =	vadd.f32 v44, v42  }
0x127: {  	v45 =	vunpack.i.u.bf16.f32 v59;
	v43 =	vadd.f32 v48, v43  }
0x128: {  	v49 =	vunpack.i.l.bf16.f32 v62;
	v42 =	vadd.f32 v45, v42  }
0x129: {  	v50 =	vunpack.i.u.bf16.f32 v62;
	v43 =	vadd.f32 v49, v43  }
0x12a: {  	v42 =	vadd.f32 v50, v42  }
0x12b: {  	[tilespmem:s21+$0x20] =	vst v43  }
0x12c: {  	[tilespmem:s21+$0x420] =	vst v42  }
0x12d: {  	v42 =	vld [tilespmem:s17+$0xFFFFFEF0]  }
0x12e: {  	v43 =	vld [tilespmem:s17+$0xFFFFFF70];
	_ =	sdelay $0x1  }
0x12f: {  	v51 =	vld [tilespmem:s17+$0xFFFFFFF0];
	_ =	sdelay $0x1  }
0x130: {  	v52 =	vld [tilespmem:s17+$0x70]  }
0x131: {  	v53 =	vunpack.i.l.bf16.f32 v42;
	v54 =	vunpack.i.l.bf16.f32 v43  }
0x132: {  	v55 =	vld [tilespmem:s17+$0xF0];
	v42 =	vunpack.i.u.bf16.f32 v42;
	v43 =	vunpack.i.u.bf16.f32 v43;
	v46 =	vadd.f32 v54, v53  }
0x133: {  	v56 =	vunpack.i.l.bf16.f32 v51;
	v42 =	vadd.f32 v43, v42  }
0x134: {  	v44 =	vunpack.i.u.bf16.f32 v51;
	v43 =	vadd.f32 v56, v46  }
0x135: {  	v57 =	vunpack.i.l.bf16.f32 v52;
	v42 =	vadd.f32 v44, v42  }
0x136: {  	v45 =	vunpack.i.u.bf16.f32 v52;
	v43 =	vadd.f32 v57, v43  }
0x137: {  	v58 =	vunpack.i.l.bf16.f32 v55;
	v42 =	vadd.f32 v45, v42  }
0x138: {  	v59 =	vunpack.i.u.bf16.f32 v55;
	v43 =	vadd.f32 v58, v43  }
0x139: {  	v42 =	vadd.f32 v59, v42  }
0x13a: {  	[tilespmem:s21+$0x30] =	vst v43  }
0x13b: {  	[tilespmem:s21+$0x430] =	vst v42  }
0x13c: {  	v42 =	vld [tilespmem:s17+$0xFFFFFF00]  }
0x13d: {  	v43 =	vld [tilespmem:s17+$0xFFFFFF80];
	_ =	sdelay $0x1  }
0x13e: {  	v60 =	vld [tilespmem:s17+$0x0];
	_ =	sdelay $0x1  }
0x13f: {  	v61 =	vld [tilespmem:s17+$0x80]  }
0x140: {  	v62 =	vunpack.i.l.bf16.f32 v42;
	v63 =	vunpack.i.l.bf16.f32 v43  }
0x141: {  	v48 =	vld [tilespmem:s17+$0x100];
	v42 =	vunpack.i.u.bf16.f32 v42;
	v43 =	vunpack.i.u.bf16.f32 v43;
	v46 =	vadd.f32 v63, v62  }
0x142: {  	v49 =	vunpack.i.l.bf16.f32 v60;
	v42 =	vadd.f32 v43, v42  }
0x143: {  	v44 =	vunpack.i.u.bf16.f32 v60;
	v43 =	vadd.f32 v49, v46  }
0x144: {  	v50 =	vunpack.i.l.bf16.f32 v61;
	v42 =	vadd.f32 v44, v42  }
0x145: {  	v45 =	vunpack.i.u.bf16.f32 v61;
	v43 =	vadd.f32 v50, v43  }
0x146: {  	v51 =	vunpack.i.l.bf16.f32 v48;
	v42 =	vadd.f32 v45, v42  }
0x147: {  	v52 =	vunpack.i.u.bf16.f32 v48;
	v43 =	vadd.f32 v51, v43  }
0x148: {  	v42 =	vadd.f32 v52, v42  }
0x149: {  	[tilespmem:s21+$0x40] =	vst v43  }
0x14a: {  	[tilespmem:s21+$0x440] =	vst v42  }
0x14b: {  	v42 =	vld [tilespmem:s17+$0xFFFFFF10]  }
0x14c: {  	v43 =	vld [tilespmem:s17+$0xFFFFFF90];
	_ =	sdelay $0x1  }
0x14d: {  	v53 =	vld [tilespmem:s17+$0x10];
	_ =	sdelay $0x1  }
0x14e: {  	v54 =	vld [tilespmem:s17+$0x90]  }
0x14f: {  	v55 =	vunpack.i.u.bf16.f32 v42;
	v56 =	vunpack.i.u.bf16.f32 v43  }
0x150: {  	v57 =	vld [tilespmem:s17+$0x110];
	v42 =	vunpack.i.l.bf16.f32 v42;
	v43 =	vunpack.i.l.bf16.f32 v43;
	v46 =	vadd.f32 v56, v55  }
0x151: {  	v58 =	vunpack.i.u.bf16.f32 v53;
	v42 =	vadd.f32 v43, v42  }
0x152: {  	v44 =	vunpack.i.l.bf16.f32 v53;
	v43 =	vadd.f32 v58, v46  }
0x153: {  	v59 =	vunpack.i.u.bf16.f32 v54;
	v42 =	vadd.f32 v44, v42  }
0x154: {  	v45 =	vunpack.i.l.bf16.f32 v54;
	v43 =	vadd.f32 v59, v43  }
0x155: {  	v60 =	vunpack.i.u.bf16.f32 v57;
	v42 =	vadd.f32 v45, v42  }
0x156: {  	v61 =	vunpack.i.l.bf16.f32 v57;
	v43 =	vadd.f32 v60, v43  }
0x157: {  	v42 =	vadd.f32 v61, v42  }
0x158: {  	[tilespmem:s21+$0x450] =	vst v43  }
0x159: {  	[tilespmem:s21+$0x50] =	vst v42  }
0x15a: {  	v42 =	vld [tilespmem:s17+$0xFFFFFF20]  }
0x15b: {  	v43 =	vld [tilespmem:s17+$0xFFFFFFA0];
	_ =	sdelay $0x1  }
0x15c: {  	v62 =	vld [tilespmem:s17+$0x20];
	_ =	sdelay $0x1  }
0x15d: {  	v63 =	vld [tilespmem:s17+$0xA0]  }
0x15e: {  	v52 =	vunpack.i.l.bf16.f32 v42;
	v53 =	vunpack.i.l.bf16.f32 v43  }
0x15f: {  	v54 =	vld [tilespmem:s17+$0x120];
	v42 =	vunpack.i.u.bf16.f32 v42;
	v43 =	vunpack.i.u.bf16.f32 v43;
	v46 =	vadd.f32 v53, v52  }
0x160: {  	v55 =	vunpack.i.l.bf16.f32 v62;
	v42 =	vadd.f32 v43, v42  }
0x161: {  	v44 =	vunpack.i.u.bf16.f32 v62;
	v43 =	vadd.f32 v55, v46  }
0x162: {  	v56 =	vunpack.i.l.bf16.f32 v63;
	v42 =	vadd.f32 v44, v42  }
0x163: {  	v45 =	vunpack.i.u.bf16.f32 v63;
	v43 =	vadd.f32 v56, v43  }
0x164: {  	v57 =	vunpack.i.l.bf16.f32 v54;
	v42 =	vadd.f32 v45, v42  }
0x165: {  	v58 =	vunpack.i.u.bf16.f32 v54;
	v43 =	vadd.f32 v57, v43  }
0x166: {  	v42 =	vadd.f32 v58, v42  }
0x167: {  	[tilespmem:s21+$0x60] =	vst v43  }
0x168: {  	[tilespmem:s21+$0x460] =	vst v42  }
0x169: {  	v42 =	vld [tilespmem:s17+$0xFFFFFF30]  }
0x16a: {  	v43 =	vld [tilespmem:s17+$0xFFFFFFB0]  }
0x16b: {  	v59 =	vld [tilespmem:s17+$0x30]  }
0x16c: {  	v60 =	vld [tilespmem:s17+$0xB0];
	_ =	sdelay $0x1  }
0x16d: {  	v61 =	vunpack.i.l.bf16.f32 v42  }
0x16e: {  	v42 =	vunpack.i.u.bf16.f32 v42;
	v62 =	vunpack.i.u.bf16.f32 v43;
	v43 =	vunpack.i.l.bf16.f32 v43  }
0x16f: {  	v45 =	vadd.f32 v43, v61;
	v47 =	vadd.f32 v62, v42;
	v42 =	vld [tilespmem:s17+$0x130]  }
0x170: {  	v63 =	vunpack.i.u.bf16.f32 v59;
	v44 =	vunpack.i.l.bf16.f32 v59;
	v46 =	vunpack.i.l.bf16.f32 v60  }
0x171: {  	s10 =	simm.s32 $0x100;
	s9 =	simm.s32 $0x12210;
	s8 =	simm.s32 $0x12210;
	v43 =	vunpack.i.u.bf16.f32 v60;
	v44 =	vadd.f32 v44, v45;
	v45 =	vadd.f32 v63, v47  }
.LBB2_6:
0x172: {  	s17 =	sadd.s32 $0x280, s17;
	s9 =	sadd.s32 $0x80, s9;
	s20 =	sadd.s32 $0x80, s20  }
0x173: {  	p0 =	sne.s32 s10, $0x2F00;
	s11 =	smov.u32 s10;
	s10 =	sadd.s32 $0x100, s10;
	v44 =	vadd.f32 v46, v44;
	v43 =	vadd.f32 v43, v45  }
0x174: {  	v45 =	vunpack.i.u.bf16.f32 v42;
	v42 =	vunpack.i.l.bf16.f32 v42  }
0x175: {  	v42 =	vadd.f32 v42, v44;
	v43 =	vadd.f32 v45, v43;
	_ =	sdelay $0x1  }
0x176: {  	[tilespmem:s21+$0x70] =	vst v42  }
0x177: {  	[tilespmem:s21+$0x470] =	vst v43  }
0x178: {  	v42 =	vld [tilespmem:s8+$0xFFFFFFF0];
	_ =	sdelay $0x4  }
0x179: {  	[tilespmem:s21+$0x460] =	vst v42  }
0x17a: {  	v42 =	vld [tilespmem:s8+$0x0];
	s8 =	smov.u32 s9;
	_ =	sdelay $0x4  }
0x17b: {  	[tilespmem:s21+$0x470] =	vst v42  }
0x17c: {  	v42 =	vld [tilespmem:s17+$0xFFFFFF40]  }
0x17d: {  	v43 =	vld [tilespmem:s17+$0xFFFFFEC0]  }
0x17e: {  	v44 =	vld [tilespmem:s17+$0xFFFFFFC0];
	_ =	sdelay $0x1  }
0x17f: {  	v45 =	vld [tilespmem:s17+$0x40]  }
0x180: {  	v46 =	vunpack.i.l.bf16.f32 v42  }
0x181: {  	v42 =	vunpack.i.u.bf16.f32 v42;
	v47 =	vunpack.i.u.bf16.f32 v43;
	v43 =	vunpack.i.l.bf16.f32 v43;
	v48 =	vld [tilespmem:s17+$0xC0]  }
0x182: {  	v43 =	vadd.f32 v46, v43;
	v46 =	vunpack.i.u.bf16.f32 v44;
	v44 =	vunpack.i.l.bf16.f32 v44  }
0x183: {  	v42 =	vadd.f32 v42, v47  }
0x184: {  	v43 =	vadd.f32 v44, v43;
	v44 =	vunpack.i.u.bf16.f32 v45;
	v45 =	vunpack.i.l.bf16.f32 v45  }
0x185: {  	v42 =	vadd.f32 v46, v42  }
0x186: {  	v43 =	vadd.f32 v45, v43;
	v45 =	vunpack.i.u.bf16.f32 v48;
	v46 =	vunpack.i.l.bf16.f32 v48  }
0x187: {  	v42 =	vadd.f32 v44, v42  }
0x188: {  	s11 =	sand.u32 $0x3800, s11;
	s21 =	sand.u32 $0x380, s20;
	v43 =	vadd.f32 v46, v43  }
0x189: {  	s11 =	sor.u32 s21, s11;
	v42 =	vadd.f32 v45, v42  }
0x18a: {  	s21 =	sadd.s32 $0x15200, s11;
	[tilespmem:s11+$0x15200] =	vst v43  }
0x18b: {  	[tilespmem:s21+$0x400] =	vst v42  }
0x18c: {  	v42 =	vld [tilespmem:s17+$0xFFFFFED0]  }
0x18d: {  	v43 =	vld [tilespmem:s17+$0xFFFFFFD0]  }
0x18e: {  	v44 =	vld [tilespmem:s17+$0xFFFFFF50];
	_ =	sdelay $0x2  }
0x18f: {  	v45 =	vunpack.i.u.bf16.f32 v42;
	v42 =	vunpack.i.l.bf16.f32 v42  }
0x190: {  	v46 =	vld [tilespmem:s17+$0x50]  }
0x191: {  	v47 =	vunpack.i.u.bf16.f32 v44;
	v44 =	vunpack.i.l.bf16.f32 v44  }
0x192: {  	v42 =	vadd.f32 v44, v42;
	v44 =	vadd.f32 v47, v45;
	v45 =	vld [tilespmem:s17+$0xD0]  }
0x193: {  	v47 =	vunpack.i.u.bf16.f32 v43;
	v43 =	vunpack.i.l.bf16.f32 v43  }
0x194: {  	v42 =	vadd.f32 v43, v42;
	v43 =	vadd.f32 v47, v44  }
0x195: {  	v44 =	vunpack.i.u.bf16.f32 v46;
	v46 =	vunpack.i.l.bf16.f32 v46  }
0x196: {  	v42 =	vadd.f32 v46, v42;
	v43 =	vadd.f32 v44, v43  }
0x197: {  	v44 =	vunpack.i.u.bf16.f32 v45;
	v45 =	vunpack.i.l.bf16.f32 v45  }
0x198: {  	v42 =	vadd.f32 v45, v42;
	v43 =	vadd.f32 v44, v43;
	_ =	sdelay $0x1  }
0x199: {  	[tilespmem:s21+$0x10] =	vst v42  }
0x19a: {  	[tilespmem:s21+$0x410] =	vst v43  }
0x19b: {  	v42 =	vld [tilespmem:s17+$0xFFFFFEE0]  }
0x19c: {  	v43 =	vld [tilespmem:s17+$0xFFFFFF60];
	_ =	sdelay $0x1  }
0x19d: {  	v44 =	vld [tilespmem:s17+$0xFFFFFFE0];
	_ =	sdelay $0x1  }
0x19e: {  	v45 =	vunpack.i.l.bf16.f32 v42;
	v46 =	vld [tilespmem:s17+$0x60]  }
0x19f: {  	v42 =	vunpack.i.u.bf16.f32 v42;
	v47 =	vunpack.i.u.bf16.f32 v43;
	v43 =	vunpack.i.l.bf16.f32 v43  }
0x1a0: {  	v43 =	vadd.f32 v43, v45;
	v42 =	vadd.f32 v47, v42;
	v45 =	vld [tilespmem:s17+$0xE0]  }
0x1a1: {  	v47 =	vunpack.i.u.bf16.f32 v44;
	v44 =	vunpack.i.l.bf16.f32 v44  }
0x1a2: {  	v43 =	vadd.f32 v44, v43;
	v42 =	vadd.f32 v47, v42  }
0x1a3: {  	v44 =	vunpack.i.u.bf16.f32 v46;
	v46 =	vunpack.i.l.bf16.f32 v46  }
0x1a4: {  	v43 =	vadd.f32 v46, v43;
	v42 =	vadd.f32 v44, v42  }
0x1a5: {  	v44 =	vunpack.i.u.bf16.f32 v45;
	v45 =	vunpack.i.l.bf16.f32 v45  }
0x1a6: {  	v43 =	vadd.f32 v45, v43;
	v42 =	vadd.f32 v44, v42;
	_ =	sdelay $0x1  }
0x1a7: {  	[tilespmem:s21+$0x20] =	vst v43  }
0x1a8: {  	[tilespmem:s21+$0x420] =	vst v42  }
0x1a9: {  	v42 =	vld [tilespmem:s17+$0xFFFFFEF0]  }
0x1aa: {  	v43 =	vld [tilespmem:s17+$0xFFFFFF70];
	_ =	sdelay $0x1  }
0x1ab: {  	v44 =	vld [tilespmem:s17+$0xFFFFFFF0];
	_ =	sdelay $0x1  }
0x1ac: {  	v45 =	vunpack.i.u.bf16.f32 v42;
	v42 =	vunpack.i.l.bf16.f32 v42;
	v46 =	vld [tilespmem:s17+$0x70]  }
0x1ad: {  	v47 =	vunpack.i.u.bf16.f32 v43;
	v43 =	vunpack.i.l.bf16.f32 v43  }
0x1ae: {  	v42 =	vadd.f32 v43, v42;
	v43 =	vadd.f32 v47, v45;
	v45 =	vld [tilespmem:s17+$0xF0]  }
0x1af: {  	v47 =	vunpack.i.u.bf16.f32 v44;
	v44 =	vunpack.i.l.bf16.f32 v44  }
0x1b0: {  	v42 =	vadd.f32 v44, v42;
	v43 =	vadd.f32 v47, v43  }
0x1b1: {  	v44 =	vunpack.i.u.bf16.f32 v46;
	v46 =	vunpack.i.l.bf16.f32 v46  }
0x1b2: {  	v42 =	vadd.f32 v46, v42;
	v43 =	vadd.f32 v44, v43  }
0x1b3: {  	v44 =	vunpack.i.u.bf16.f32 v45;
	v45 =	vunpack.i.l.bf16.f32 v45  }
0x1b4: {  	v42 =	vadd.f32 v45, v42;
	v43 =	vadd.f32 v44, v43;
	_ =	sdelay $0x1  }
0x1b5: {  	[tilespmem:s21+$0x30] =	vst v42  }
0x1b6: {  	[tilespmem:s21+$0x430] =	vst v43  }
0x1b7: {  	v42 =	vld [tilespmem:s17+$0xFFFFFF00]  }
0x1b8: {  	v43 =	vld [tilespmem:s17+$0xFFFFFF80]  }
0x1b9: {  	v44 =	vld [tilespmem:s17+$0x0];
	_ =	sdelay $0x2  }
0x1ba: {  	v45 =	vunpack.i.u.bf16.f32 v42;
	v42 =	vunpack.i.l.bf16.f32 v42;
	v46 =	vld [tilespmem:s17+$0x80]  }
0x1bb: {  	v47 =	vunpack.i.u.bf16.f32 v43;
	v43 =	vunpack.i.l.bf16.f32 v43  }
0x1bc: {  	v42 =	vadd.f32 v43, v42;
	v43 =	vadd.f32 v47, v45;
	v45 =	vld [tilespmem:s17+$0x100]  }
0x1bd: {  	v47 =	vunpack.i.u.bf16.f32 v44;
	v44 =	vunpack.i.l.bf16.f32 v44  }
0x1be: {  	v42 =	vadd.f32 v44, v42;
	v43 =	vadd.f32 v47, v43  }
0x1bf: {  	v44 =	vunpack.i.u.bf16.f32 v46;
	v46 =	vunpack.i.l.bf16.f32 v46  }
0x1c0: {  	v42 =	vadd.f32 v46, v42;
	v43 =	vadd.f32 v44, v43  }
0x1c1: {  	v44 =	vunpack.i.u.bf16.f32 v45;
	v45 =	vunpack.i.l.bf16.f32 v45  }
0x1c2: {  	v42 =	vadd.f32 v45, v42;
	v43 =	vadd.f32 v44, v43;
	_ =	sdelay $0x1  }
0x1c3: {  	[tilespmem:s21+$0x40] =	vst v42  }
0x1c4: {  	[tilespmem:s21+$0x440] =	vst v43  }
0x1c5: {  	v42 =	vld [tilespmem:s17+$0xFFFFFF10]  }
0x1c6: {  	v43 =	vld [tilespmem:s17+$0xFFFFFF90]  }
0x1c7: {  	v44 =	vld [tilespmem:s17+$0x10]  }
0x1c8: {  	v45 =	vld [tilespmem:s17+$0x90]  }
0x1c9: {  	v46 =	vld [tilespmem:s17+$0x110]  }
0x1ca: {  	v47 =	vunpack.i.u.bf16.f32 v42  }
0x1cb: {  	v42 =	vunpack.i.l.bf16.f32 v42;
	v48 =	vunpack.i.u.bf16.f32 v43;
	v43 =	vunpack.i.l.bf16.f32 v43  }
0x1cc: {  	v42 =	vadd.f32 v43, v42;
	v43 =	vadd.f32 v48, v47  }
0x1cd: {  	v47 =	vunpack.i.u.bf16.f32 v44;
	v44 =	vunpack.i.l.bf16.f32 v44  }
0x1ce: {  	v42 =	vadd.f32 v44, v42;
	v43 =	vadd.f32 v47, v43  }
0x1cf: {  	v44 =	vunpack.i.u.bf16.f32 v45;
	v45 =	vunpack.i.l.bf16.f32 v45  }
0x1d0: {  	v42 =	vadd.f32 v45, v42;
	v43 =	vadd.f32 v44, v43  }
0x1d1: {  	v44 =	vunpack.i.u.bf16.f32 v46  }
0x1d2: {  	v45 =	vunpack.i.l.bf16.f32 v46;
	v43 =	vadd.f32 v44, v43  }
0x1d3: {  	v42 =	vadd.f32 v45, v42  }
0x1d4: {  	[tilespmem:s21+$0x450] =	vst v43  }
0x1d5: {  	[tilespmem:s21+$0x50] =	vst v42  }
0x1d6: {  	v42 =	vld [tilespmem:s17+$0xFFFFFF20]  }
0x1d7: {  	v43 =	vld [tilespmem:s17+$0xFFFFFFA0]  }
0x1d8: {  	v44 =	vld [tilespmem:s17+$0x20]  }
0x1d9: {  	v45 =	vld [tilespmem:s17+$0xA0]  }
0x1da: {  	v46 =	vld [tilespmem:s17+$0x120];
	_ =	sdelay $0x1  }
0x1db: {  	v47 =	vunpack.i.u.bf16.f32 v42;
	v42 =	vunpack.i.l.bf16.f32 v42;
	v48 =	vunpack.i.l.bf16.f32 v43  }
0x1dc: {  	v43 =	vunpack.i.u.bf16.f32 v43;
	v42 =	vadd.f32 v48, v42  }
0x1dd: {  	v43 =	vadd.f32 v43, v47;
	v47 =	vunpack.i.l.bf16.f32 v44  }
0x1de: {  	v44 =	vunpack.i.u.bf16.f32 v44;
	v42 =	vadd.f32 v47, v42  }
0x1df: {  	v43 =	vadd.f32 v44, v43;
	v44 =	vunpack.i.l.bf16.f32 v45  }
0x1e0: {  	v45 =	vunpack.i.u.bf16.f32 v45;
	v42 =	vadd.f32 v44, v42  }
0x1e1: {  	v43 =	vadd.f32 v45, v43;
	v44 =	vunpack.i.l.bf16.f32 v46  }
0x1e2: {  	v45 =	vunpack.i.u.bf16.f32 v46;
	v42 =	vadd.f32 v44, v42  }
0x1e3: {  	v43 =	vadd.f32 v45, v43  }
0x1e4: {  	[tilespmem:s21+$0x60] =	vst v42  }
0x1e5: {  	[tilespmem:s21+$0x460] =	vst v43  }
0x1e6: {  	v43 =	vld [tilespmem:s17+$0xFFFFFF30]  }
0x1e7: {  	v44 =	vld [tilespmem:s17+$0xFFFFFFB0]  }
0x1e8: {  	v45 =	vld [tilespmem:s17+$0x30]  }
0x1e9: {  	v46 =	vld [tilespmem:s17+$0xB0]  }
0x1ea: {  	v42 =	vld [tilespmem:s17+$0x130]  }
.Ltmp6:
0x1eb: {  	v47 =	vunpack.i.l.bf16.f32 v43;
	(pc) =	sbr.rel @p0 .LBB2_6-.Ltmp6, $4  }
0x1ec: {  	v43 =	vunpack.i.u.bf16.f32 v43;
	v48 =	vunpack.i.u.bf16.f32 v44;
	v44 =	vunpack.i.l.bf16.f32 v44  }
0x1ed: {  	v44 =	vadd.f32 v44, v47;
	v47 =	vadd.f32 v48, v43  }
0x1ee: {  	v48 =	vunpack.i.u.bf16.f32 v45;
	v45 =	vunpack.i.l.bf16.f32 v45;
	v43 =	vunpack.i.u.bf16.f32 v46  }
0x1ef: {  	v46 =	vunpack.i.l.bf16.f32 v46;
	v44 =	vadd.f32 v45, v44;
	v45 =	vadd.f32 v48, v47  }
0x1f0: {  	_ = 	snop  }
0x1f1: {  	v44 =	vadd.f32 v46, v44  }
0x1f2: {  	v62 =	vunpack.i.l.bf16.f32 v42;
	v43 =	vadd.f32 v43, v45  }
0x1f3: {  	v63 =	vunpack.i.u.bf16.f32 v42;
	v44 =	vadd.f32 v62, v44  }
0x1f4: {  	v42 =	vadd.f32 v63, v43  }
0x1f5: {  	[tilespmem:s21+$0x70] =	vst v44  }
0x1f6: {  	[tilespmem:s21+$0x470] =	vst v42  }
0x1f7: {  	v42 =	vld [tilespmem:s8+$0xFFFFFFF0];
	_ =	sdelay $0x4  }
0x1f8: {  	[tilespmem:s21+$0x460] =	vst v42  }
0x1f9: {  	v42 =	vld [tilespmem:s8+$0x0];
	_ =	sdelay $0x3  }
0x1fa: {  	s20 =	sshll.u32 s16, $0x5  }
0x1fb: {  	p0 =	sgt.u32 s0, $0x1E;
	s8 =	sadd.s32 s1, s20;
	[tilespmem:s21+$0x470] =	vst v42  }
0x1fc: {  	[hbm4b:s8+s3] =	stream.linear.scatter [tilespmem:s30], [sflag:$0x3], $0x3000, $0x38;
	[tilespmem:$0x1B200] =	vst v63  }
0x1fd: {  	s8 =	sadd.s32 @!p0 s15, s12  }
0x1fe: {  	p1 =	slt.s32 @!p0 s8, $0xC320  }
0x1ff: {  	p1 =	por !p1, p0  }
0x200: {  	s8 =	simm.s32 @p1 $0xC320  }
0x201: {  	s8 =	sshll.u32 @!p0 s8, $0x4  }
0x202: {  	s10 =	simm.s32 @!p0 $0x0;
	s9 =	sadd.s32 @!p0 s4, s8  }
0x203: {  	[tilespmem:s10], [sflag:$0x5] =	stream.linear.gather @!p0 [hbm4b:s9+s10], $0x1800, $0x38;
	[tilespmem:$0x1B200] =	vst v63  }
0x204: {  	s8 =	sadd.s32 @!p0 s6, s8;
	s9 =	simm.s32 @!p0 $0x12200  }
0x205: {  	[tilespmem:s9], [sflag:$0x7] =	stream.linear.gather @!p0 [hbm4b:s8+s10], $0x1800, $0x38;
	[tilespmem:$0x1B200] =	vst v63  }
0x206: {  	p0 =	seq.s32 s2, $0x0  }
.Ltmp7:
0x207: {  	_ = 	snop;
	(pc) =	sbr.rel @p0 .LBB2_13-.Ltmp7, $1  }
0x208: {  	_ =	sdelay $0x3  }
.LBB2_8:
0x209: {  	p0 =	seq.s32 s0, $0x20  }
0x20a: {  	v42 =	vlaneseq.u32 @!p0  }
0x20b: {  	v43 =	vmul.u32 @!p0 $0x80, v42;
	_ =	sdelay $0x1  }
0x20c: {  	s2 =	simm.s32 @!p0 $0x5;
	v44 =	vor.u32 @!p0 $0x1, v43  }
0x20d: {  	_ =	swait.ge @!p0 [sflag:s2], $0x1800  }
0x20e: {  	[sflag:s2] =	ssyncset.done @!p0 $0x0  }
0x20f: {  	[sflag:s2] =	ssyncadd.s32 @!p0 $0xFFFFE800;
	s2 =	simm.s32 @!p0 $0x0  }
0x210: {  	v45 =	vld.idx.msk @!p0 [tilespmem:v43+s2+$0x0], $0xffff  }
0x211: {  	v42 =	vmul.u32 @!p0 $0x5, v42;
	v44 =	vld.idx.msk @!p0 [tilespmem:v44+s2+$0x0], $0xffff;
	_ =	sdelay $0x1  }
0x212: {  	v46 =	vor.u32 @!p0 $0x2, v43  }
0x213: {  	v47 =	vor.u32 @!p0 $0x3, v43  }
0x214: {  	v45 =	vshll.u32 @!p0 v45, $0x6  }
0x215: {  	s8 =	simm.s32 @!p0 $0x3000;
	v44 =	vadd.s32 @!p0 v44, v45  }
0x216: {  	[tilespmem:v42+s8+$0x0] =	vst.idx.msk @!p0 $0xffff, v44  }
0x217: {  	v44 =	vld.idx.msk @!p0 [tilespmem:v46+s2+$0x0], $0xffff  }
0x218: {  	v45 =	vld.idx.msk @!p0 [tilespmem:v47+s2+$0x0], $0xffff;
	_ =	sdelay $0x1  }
0x219: {  	v46 =	vadd.s32 @!p0 $0x1, v42  }
0x21a: {  	v47 =	vor.u32 @!p0 $0x4, v43  }
0x21b: {  	v48 =	vor.u32 @!p0 $0x5, v43;
	v44 =	vshll.u32 @!p0 v44, $0x6  }
0x21c: {  	v44 =	vadd.s32 @!p0 v44, v45  }
0x21d: {  	v44 =	vadd.s32 @!p0 $0x1000, v44  }
0x21e: {  	[tilespmem:v46+s8+$0x0] =	vst.idx.msk @!p0 $0xffff, v44  }
0x21f: {  	v44 =	vld.idx.msk @!p0 [tilespmem:v47+s2+$0x0], $0xffff  }
0x220: {  	v45 =	vld.idx.msk @!p0 [tilespmem:v48+s2+$0x0], $0xffff;
	_ =	sdelay $0x1  }
0x221: {  	v46 =	vadd.s32 @!p0 $0x2, v42  }
0x222: {  	v47 =	vor.u32 @!p0 $0x6, v43  }
0x223: {  	v48 =	vor.u32 @!p0 $0x7, v43;
	v44 =	vshll.u32 @!p0 v44, $0x6  }
0x224: {  	v44 =	vadd.s32 @!p0 v44, v45  }
0x225: {  	v44 =	vadd.s32 @!p0 $0x2000, v44  }
0x226: {  	[tilespmem:v46+s8+$0x0] =	vst.idx.msk @!p0 $0xffff, v44  }
0x227: {  	v44 =	vld.idx.msk @!p0 [tilespmem:v47+s2+$0x0], $0xffff  }
0x228: {  	v45 =	vld.idx.msk @!p0 [tilespmem:v48+s2+$0x0], $0xffff;
	_ =	sdelay $0x1  }
0x229: {  	v46 =	vadd.s32 @!p0 $0x3, v42  }
0x22a: {  	v47 =	vor.u32 @!p0 $0x8, v43  }
0x22b: {  	v44 =	vshll.u32 @!p0 v44, $0x6  }
0x22c: {  	v44 =	vadd.s32 @!p0 v44, v45  }
0x22d: {  	v44 =	vadd.s32 @!p0 $0x3000, v44  }
0x22e: {  	[tilespmem:v46+s8+$0x0] =	vst.idx.msk @!p0 $0xffff, v44  }
0x22f: {  	v44 =	vld.idx.msk @!p0 [tilespmem:v47+s2+$0x0], $0xffff  }
0x230: {  	v45 =	vadd.s32 @!p0 $0x4, v42  }
0x231: {  	v46 =	vor.u32 @!p0 $0x800, v43  }
0x232: {  	v47 =	vor.u32 @!p0 $0x801, v43;
	_ =	sdelay $0x1  }
0x233: {  	v44 =	vadd.s32 @!p0 $0x4000, v44  }
0x234: {  	[tilespmem:v45+s8+$0x0] =	vst.idx.msk @!p0 $0xffff, v44  }
0x235: {  	v44 =	vld.idx.msk @!p0 [tilespmem:v46+s2+$0x0], $0xffff  }
0x236: {  	v45 =	vld.idx.msk @!p0 [tilespmem:v47+s2+$0x0], $0xffff  }
0x237: {  	v46 =	vadd.s32 @!p0 $0x50, v42  }
0x238: {  	v47 =	vor.u32 @!p0 $0x802, v43  }
0x239: {  	v48 =	vor.u32 @!p0 $0x803, v43  }
0x23a: {  	v44 =	vshll.u32 @!p0 v44, $0x6  }
0x23b: {  	v44 =	vadd.s32 @!p0 v45, v44  }
0x23c: {  	[tilespmem:v46+s8+$0x0] =	vst.idx.msk @!p0 $0xffff, v44  }
0x23d: {  	v44 =	vld.idx.msk @!p0 [tilespmem:v47+s2+$0x0], $0xffff  }
0x23e: {  	v45 =	vld.idx.msk @!p0 [tilespmem:v48+s2+$0x0], $0xffff;
	_ =	sdelay $0x1  }
0x23f: {  	v46 =	vadd.s32 @!p0 $0x51, v42  }
0x240: {  	v47 =	vor.u32 @!p0 $0x804, v43  }
0x241: {  	v48 =	vor.u32 @!p0 $0x805, v43;
	v44 =	vshll.u32 @!p0 v44, $0x6  }
0x242: {  	v44 =	vadd.s32 @!p0 v44, v45  }
0x243: {  	v44 =	vadd.s32 @!p0 $0x1000, v44  }
0x244: {  	[tilespmem:v46+s8+$0x0] =	vst.idx.msk @!p0 $0xffff, v44  }
0x245: {  	v44 =	vld.idx.msk @!p0 [tilespmem:v47+s2+$0x0], $0xffff  }
0x246: {  	v45 =	vld.idx.msk @!p0 [tilespmem:v48+s2+$0x0], $0xffff;
	_ =	sdelay $0x1  }
0x247: {  	v46 =	vadd.s32 @!p0 $0x52, v42  }
0x248: {  	v47 =	vor.u32 @!p0 $0x806, v43  }
0x249: {  	v48 =	vor.u32 @!p0 $0x807, v43;
	v44 =	vshll.u32 @!p0 v44, $0x6  }
0x24a: {  	v44 =	vadd.s32 @!p0 v44, v45  }
0x24b: {  	v44 =	vadd.s32 @!p0 $0x2000, v44  }
0x24c: {  	[tilespmem:v46+s8+$0x0] =	vst.idx.msk @!p0 $0xffff, v44  }
0x24d: {  	v44 =	vld.idx.msk @!p0 [tilespmem:v47+s2+$0x0], $0xffff  }
0x24e: {  	v45 =	vld.idx.msk @!p0 [tilespmem:v48+s2+$0x0], $0xffff;
	_ =	sdelay $0x1  }
0x24f: {  	v46 =	vadd.s32 @!p0 $0x53, v42  }
0x250: {  	v47 =	vor.u32 @!p0 $0x808, v43  }
0x251: {  	v44 =	vshll.u32 @!p0 v44, $0x6  }
0x252: {  	v44 =	vadd.s32 @!p0 v44, v45  }
0x253: {  	v44 =	vadd.s32 @!p0 $0x3000, v44  }
0x254: {  	[tilespmem:v46+s8+$0x0] =	vst.idx.msk @!p0 $0xffff, v44  }
0x255: {  	v44 =	vld.idx.msk @!p0 [tilespmem:v47+s2+$0x0], $0xffff  }
0x256: {  	v45 =	vadd.s32 @!p0 $0x54, v42  }
0x257: {  	v46 =	vor.u32 @!p0 $0x1000, v43  }
0x258: {  	v47 =	vor.u32 @!p0 $0x1001, v43;
	_ =	sdelay $0x1  }
0x259: {  	v44 =	vadd.s32 @!p0 $0x4000, v44  }
0x25a: {  	[tilespmem:v45+s8+$0x0] =	vst.idx.msk @!p0 $0xffff, v44  }
0x25b: {  	v44 =	vld.idx.msk @!p0 [tilespmem:v46+s2+$0x0], $0xffff  }
0x25c: {  	v45 =	vld.idx.msk @!p0 [tilespmem:v47+s2+$0x0], $0xffff  }
0x25d: {  	v46 =	vadd.s32 @!p0 $0xA0, v42  }
0x25e: {  	v47 =	vor.u32 @!p0 $0x1002, v43  }
0x25f: {  	v48 =	vor.u32 @!p0 $0x1003, v43  }
0x260: {  	v44 =	vshll.u32 @!p0 v44, $0x6  }
0x261: {  	v44 =	vadd.s32 @!p0 v45, v44  }
0x262: {  	[tilespmem:v46+s8+$0x0] =	vst.idx.msk @!p0 $0xffff, v44  }
0x263: {  	v44 =	vld.idx.msk @!p0 [tilespmem:v47+s2+$0x0], $0xffff  }
0x264: {  	v45 =	vld.idx.msk @!p0 [tilespmem:v48+s2+$0x0], $0xffff;
	_ =	sdelay $0x1  }
0x265: {  	v46 =	vadd.s32 @!p0 $0xA1, v42  }
0x266: {  	v47 =	vor.u32 @!p0 $0x1004, v43  }
0x267: {  	v48 =	vor.u32 @!p0 $0x1005, v43;
	v44 =	vshll.u32 @!p0 v44, $0x6  }
0x268: {  	v44 =	vadd.s32 @!p0 v44, v45  }
0x269: {  	v44 =	vadd.s32 @!p0 $0x1000, v44  }
0x26a: {  	[tilespmem:v46+s8+$0x0] =	vst.idx.msk @!p0 $0xffff, v44  }
0x26b: {  	v44 =	vld.idx.msk @!p0 [tilespmem:v47+s2+$0x0], $0xffff  }
0x26c: {  	v45 =	vld.idx.msk @!p0 [tilespmem:v48+s2+$0x0], $0xffff;
	_ =	sdelay $0x1  }
0x26d: {  	v46 =	vadd.s32 @!p0 $0xA2, v42  }
0x26e: {  	v47 =	vor.u32 @!p0 $0x1006, v43  }
0x26f: {  	v48 =	vor.u32 @!p0 $0x1007, v43;
	v44 =	vshll.u32 @!p0 v44, $0x6  }
0x270: {  	v44 =	vadd.s32 @!p0 v44, v45  }
0x271: {  	v44 =	vadd.s32 @!p0 $0x2000, v44  }
0x272: {  	[tilespmem:v46+s8+$0x0] =	vst.idx.msk @!p0 $0xffff, v44  }
0x273: {  	v44 =	vld.idx.msk @!p0 [tilespmem:v47+s2+$0x0], $0xffff  }
0x274: {  	v45 =	vld.idx.msk @!p0 [tilespmem:v48+s2+$0x0], $0xffff;
	_ =	sdelay $0x1  }
0x275: {  	v46 =	vadd.s32 @!p0 $0xA3, v42  }
0x276: {  	v43 =	vor.u32 @!p0 $0x1008, v43  }
0x277: {  	v44 =	vshll.u32 @!p0 v44, $0x6  }
0x278: {  	v44 =	vadd.s32 @!p0 v44, v45  }
0x279: {  	v44 =	vadd.s32 @!p0 $0x3000, v44  }
0x27a: {  	[tilespmem:v46+s8+$0x0] =	vst.idx.msk @!p0 $0xffff, v44  }
0x27b: {  	v43 =	vld.idx.msk @!p0 [tilespmem:v43+s2+$0x0], $0xffff  }
0x27c: {  	p2 =	slt.u32 @!p0 s0, $0x2;
	v42 =	vadd.s32 @!p0 $0xA4, v42;
	s2 =	smul.u32 @!p0 $0x30, s0  }
0x27d: {  	p2 =	por p0, !p2  }
.Ltmp8:
0x27e: {  	s15 =	sadd.s32 @!p0 s7, s2;
	(pc) =	sbr.rel @!p2 .LBB2_10-.Ltmp8, $4  }
0x27f: {  	p1 =	slt.s32 @!p0 s15, $0xC320  }
0x280: {  	p1 =	por !p1, p0;
	v43 =	vadd.s32 @!p0 $0x4000, v43  }
0x281: {  	s9 =	simm.s32 @!p0 $0xF0;
	s10 =	simm.s32 @!p0 $0x3200;
	s15 =	simm.s32 @p1 $0xC320;
	[tilespmem:v42+s8+$0x0] =	vst.idx.msk @!p0 $0xffff, v43  }
0x282: {  	[tilespmem:s10], [sflag:$0x1] =	stream.indirect.gather @!p0 [hbm4b:s5+s9], $0x80, s8, s9, $0xb8;
	[tilespmem:$0x1B200] =	vst v63  }
0x283: {  	_ =	swait.ge [sflag:s22], $0x3000  }
0x284: {  	[sflag:s22] =	ssyncset.done $0x0  }
0x285: {  	s15 =	smov.u32 @p0 s14;
	s2 =	simm.s32 @p0 $0x600;
	[sflag:s22] =	ssyncadd.s32 $0xFFFFD000  }
.LBB2_10:
0x286: {  	_ =	swait.ge [sflag:s23], $0x7800  }
0x287: {  	[sflag:s23] =	ssyncset.done $0x0  }
0x288: {  	[sflag:s23] =	ssyncadd.s32 $0xFFFF8800  }
0x289: {  	_ =	swait.ge [sflag:s24], $0x1800  }
0x28a: {  	[sflag:s24] =	ssyncset.done $0x0  }
0x28b: {  	s16 =	simm.s32 $0xAB40;
	[sflag:s24] =	ssyncadd.s32 $0xFFFFE800  }
0x28c: {  	v42 =	vld [tilespmem:s16+$0xFFFFFF40]  }
0x28d: {  	v43 =	vld [tilespmem:s16+$0xFFFFFEC0];
	_ =	sdelay $0x1  }
0x28e: {  	v44 =	vld [tilespmem:s16+$0xFFFFFFC0];
	_ =	sdelay $0x1  }
0x28f: {  	v45 =	vld [tilespmem:s16+$0x40]  }
0x290: {  	v46 =	vunpack.i.l.bf16.f32 v42;
	v47 =	vunpack.i.l.bf16.f32 v43  }
0x291: {  	v48 =	vld [tilespmem:s16+$0xC0];
	v43 =	vunpack.i.u.bf16.f32 v43;
	v42 =	vunpack.i.u.bf16.f32 v42;
	v46 =	vadd.f32 v46, v47  }
0x292: {  	v58 =	vunpack.i.l.bf16.f32 v44;
	v42 =	vadd.f32 v42, v43  }
0x293: {  	v59 =	vunpack.i.u.bf16.f32 v44;
	v60 =	vadd.f32 v58, v46  }
0x294: {  	v61 =	vunpack.i.l.bf16.f32 v45;
	v42 =	vadd.f32 v59, v42  }
0x295: {  	v62 =	vunpack.i.u.bf16.f32 v45;
	v44 =	vadd.f32 v61, v60  }
0x296: {  	s17 =	simm.s32 $0x0;
	v63 =	vunpack.i.l.bf16.f32 v48;
	v42 =	vadd.f32 v62, v42  }
0x297: {  	s8 =	sand.u32 $0x3800, s17;
	s9 =	sand.u32 $0x380, s17;
	v48 =	vunpack.i.u.bf16.f32 v48;
	v44 =	vadd.f32 v63, v44  }
0x298: {  	s8 =	sor.u32 s9, s8;
	v42 =	vadd.f32 v48, v42  }
0x299: {  	s20 =	sadd.s32 $0x18200, s8;
	[tilespmem:s8+$0x18200] =	vst v44  }
0x29a: {  	[tilespmem:s20+$0x400] =	vst v42  }
0x29b: {  	v42 =	vld [tilespmem:s16+$0xFFFFFED0]  }
0x29c: {  	v49 =	vld [tilespmem:s16+$0xFFFFFF50];
	_ =	sdelay $0x1  }
0x29d: {  	v44 =	vld [tilespmem:s16+$0xFFFFFFD0];
	_ =	sdelay $0x1  }
0x29e: {  	v50 =	vld [tilespmem:s16+$0x50]  }
0x29f: {  	v51 =	vunpack.i.l.bf16.f32 v42;
	v52 =	vunpack.i.l.bf16.f32 v49  }
0x2a0: {  	v53 =	vld [tilespmem:s16+$0xD0];
	v42 =	vunpack.i.u.bf16.f32 v42;
	v43 =	vunpack.i.u.bf16.f32 v49;
	v46 =	vadd.f32 v52, v51  }
0x2a1: {  	v54 =	vunpack.i.l.bf16.f32 v44;
	v42 =	vadd.f32 v43, v42  }
0x2a2: {  	v44 =	vunpack.i.u.bf16.f32 v44;
	v43 =	vadd.f32 v54, v46  }
0x2a3: {  	v55 =	vunpack.i.l.bf16.f32 v50;
	v42 =	vadd.f32 v44, v42  }
0x2a4: {  	v45 =	vunpack.i.u.bf16.f32 v50;
	v43 =	vadd.f32 v55, v43  }
0x2a5: {  	v56 =	vunpack.i.l.bf16.f32 v53;
	v42 =	vadd.f32 v45, v42  }
0x2a6: {  	v57 =	vunpack.i.u.bf16.f32 v53;
	v43 =	vadd.f32 v56, v43  }
0x2a7: {  	v42 =	vadd.f32 v57, v42  }
0x2a8: {  	[tilespmem:s20+$0x10] =	vst v43  }
0x2a9: {  	[tilespmem:s20+$0x410] =	vst v42  }
0x2aa: {  	v42 =	vld [tilespmem:s16+$0xFFFFFEE0]  }
0x2ab: {  	v43 =	vld [tilespmem:s16+$0xFFFFFF60];
	_ =	sdelay $0x1  }
0x2ac: {  	v58 =	vld [tilespmem:s16+$0xFFFFFFE0];
	_ =	sdelay $0x1  }
0x2ad: {  	v59 =	vld [tilespmem:s16+$0x60]  }
0x2ae: {  	v60 =	vunpack.i.l.bf16.f32 v42;
	v61 =	vunpack.i.l.bf16.f32 v43  }
0x2af: {  	v62 =	vld [tilespmem:s16+$0xE0];
	v42 =	vunpack.i.u.bf16.f32 v42;
	v43 =	vunpack.i.u.bf16.f32 v43;
	v46 =	vadd.f32 v61, v60  }
0x2b0: {  	v63 =	vunpack.i.l.bf16.f32 v58;
	v42 =	vadd.f32 v43, v42  }
0x2b1: {  	v44 =	vunpack.i.u.bf16.f32 v58;
	v43 =	vadd.f32 v63, v46  }
0x2b2: {  	v48 =	vunpack.i.l.bf16.f32 v59;
	v42 =	vadd.f32 v44, v42  }
0x2b3: {  	v45 =	vunpack.i.u.bf16.f32 v59;
	v43 =	vadd.f32 v48, v43  }
0x2b4: {  	v49 =	vunpack.i.l.bf16.f32 v62;
	v42 =	vadd.f32 v45, v42  }
0x2b5: {  	v50 =	vunpack.i.u.bf16.f32 v62;
	v43 =	vadd.f32 v49, v43  }
0x2b6: {  	v42 =	vadd.f32 v50, v42  }
0x2b7: {  	[tilespmem:s20+$0x20] =	vst v43  }
0x2b8: {  	[tilespmem:s20+$0x420] =	vst v42  }
0x2b9: {  	v42 =	vld [tilespmem:s16+$0xFFFFFEF0]  }
0x2ba: {  	v43 =	vld [tilespmem:s16+$0xFFFFFF70];
	_ =	sdelay $0x1  }
0x2bb: {  	v51 =	vld [tilespmem:s16+$0xFFFFFFF0];
	_ =	sdelay $0x1  }
0x2bc: {  	v52 =	vld [tilespmem:s16+$0x70]  }
0x2bd: {  	v53 =	vunpack.i.l.bf16.f32 v42;
	v54 =	vunpack.i.l.bf16.f32 v43  }
0x2be: {  	v55 =	vld [tilespmem:s16+$0xF0];
	v42 =	vunpack.i.u.bf16.f32 v42;
	v43 =	vunpack.i.u.bf16.f32 v43;
	v46 =	vadd.f32 v54, v53  }
0x2bf: {  	v56 =	vunpack.i.l.bf16.f32 v51;
	v42 =	vadd.f32 v43, v42  }
0x2c0: {  	v44 =	vunpack.i.u.bf16.f32 v51;
	v43 =	vadd.f32 v56, v46  }
0x2c1: {  	v57 =	vunpack.i.l.bf16.f32 v52;
	v42 =	vadd.f32 v44, v42  }
0x2c2: {  	v45 =	vunpack.i.u.bf16.f32 v52;
	v43 =	vadd.f32 v57, v43  }
0x2c3: {  	v58 =	vunpack.i.l.bf16.f32 v55;
	v42 =	vadd.f32 v45, v42  }
0x2c4: {  	v59 =	vunpack.i.u.bf16.f32 v55;
	v43 =	vadd.f32 v58, v43  }
0x2c5: {  	v42 =	vadd.f32 v59, v42  }
0x2c6: {  	[tilespmem:s20+$0x30] =	vst v43  }
0x2c7: {  	[tilespmem:s20+$0x430] =	vst v42  }
0x2c8: {  	v42 =	vld [tilespmem:s16+$0xFFFFFF00]  }
0x2c9: {  	v43 =	vld [tilespmem:s16+$0xFFFFFF80];
	_ =	sdelay $0x1  }
0x2ca: {  	v60 =	vld [tilespmem:s16+$0x0];
	_ =	sdelay $0x1  }
0x2cb: {  	v61 =	vld [tilespmem:s16+$0x80]  }
0x2cc: {  	v62 =	vunpack.i.l.bf16.f32 v42;
	v63 =	vunpack.i.l.bf16.f32 v43  }
0x2cd: {  	v48 =	vld [tilespmem:s16+$0x100];
	v42 =	vunpack.i.u.bf16.f32 v42;
	v43 =	vunpack.i.u.bf16.f32 v43;
	v46 =	vadd.f32 v63, v62  }
0x2ce: {  	v49 =	vunpack.i.l.bf16.f32 v60;
	v42 =	vadd.f32 v43, v42  }
0x2cf: {  	v44 =	vunpack.i.u.bf16.f32 v60;
	v43 =	vadd.f32 v49, v46  }
0x2d0: {  	v50 =	vunpack.i.l.bf16.f32 v61;
	v42 =	vadd.f32 v44, v42  }
0x2d1: {  	v45 =	vunpack.i.u.bf16.f32 v61;
	v43 =	vadd.f32 v50, v43  }
0x2d2: {  	v51 =	vunpack.i.l.bf16.f32 v48;
	v42 =	vadd.f32 v45, v42  }
0x2d3: {  	v52 =	vunpack.i.u.bf16.f32 v48;
	v43 =	vadd.f32 v51, v43  }
0x2d4: {  	v42 =	vadd.f32 v52, v42  }
0x2d5: {  	[tilespmem:s20+$0x40] =	vst v43  }
0x2d6: {  	[tilespmem:s20+$0x440] =	vst v42  }
0x2d7: {  	v42 =	vld [tilespmem:s16+$0xFFFFFF10]  }
0x2d8: {  	v43 =	vld [tilespmem:s16+$0xFFFFFF90];
	_ =	sdelay $0x1  }
0x2d9: {  	v53 =	vld [tilespmem:s16+$0x10];
	_ =	sdelay $0x1  }
0x2da: {  	v54 =	vld [tilespmem:s16+$0x90]  }
0x2db: {  	v55 =	vunpack.i.u.bf16.f32 v42;
	v56 =	vunpack.i.u.bf16.f32 v43  }
0x2dc: {  	v57 =	vld [tilespmem:s16+$0x110];
	v42 =	vunpack.i.l.bf16.f32 v42;
	v43 =	vunpack.i.l.bf16.f32 v43;
	v46 =	vadd.f32 v56, v55  }
0x2dd: {  	v58 =	vunpack.i.u.bf16.f32 v53;
	v42 =	vadd.f32 v43, v42  }
0x2de: {  	v44 =	vunpack.i.l.bf16.f32 v53;
	v43 =	vadd.f32 v58, v46  }
0x2df: {  	v59 =	vunpack.i.u.bf16.f32 v54;
	v42 =	vadd.f32 v44, v42  }
0x2e0: {  	v45 =	vunpack.i.l.bf16.f32 v54;
	v43 =	vadd.f32 v59, v43  }
0x2e1: {  	v60 =	vunpack.i.u.bf16.f32 v57;
	v42 =	vadd.f32 v45, v42  }
0x2e2: {  	v61 =	vunpack.i.l.bf16.f32 v57;
	v43 =	vadd.f32 v60, v43  }
0x2e3: {  	v42 =	vadd.f32 v61, v42  }
0x2e4: {  	[tilespmem:s20+$0x450] =	vst v43  }
0x2e5: {  	[tilespmem:s20+$0x50] =	vst v42  }
0x2e6: {  	v42 =	vld [tilespmem:s16+$0xFFFFFF20]  }
0x2e7: {  	v43 =	vld [tilespmem:s16+$0xFFFFFFA0];
	_ =	sdelay $0x1  }
0x2e8: {  	v62 =	vld [tilespmem:s16+$0x20];
	_ =	sdelay $0x1  }
0x2e9: {  	v63 =	vld [tilespmem:s16+$0xA0]  }
0x2ea: {  	v52 =	vunpack.i.l.bf16.f32 v42;
	v53 =	vunpack.i.l.bf16.f32 v43  }
0x2eb: {  	v54 =	vld [tilespmem:s16+$0x120];
	v42 =	vunpack.i.u.bf16.f32 v42;
	v43 =	vunpack.i.u.bf16.f32 v43;
	v46 =	vadd.f32 v53, v52  }
0x2ec: {  	v55 =	vunpack.i.l.bf16.f32 v62;
	v42 =	vadd.f32 v43, v42  }
0x2ed: {  	v44 =	vunpack.i.u.bf16.f32 v62;
	v43 =	vadd.f32 v55, v46  }
0x2ee: {  	v56 =	vunpack.i.l.bf16.f32 v63;
	v42 =	vadd.f32 v44, v42  }
0x2ef: {  	v45 =	vunpack.i.u.bf16.f32 v63;
	v43 =	vadd.f32 v56, v43  }
0x2f0: {  	v57 =	vunpack.i.l.bf16.f32 v54;
	v42 =	vadd.f32 v45, v42  }
0x2f1: {  	v58 =	vunpack.i.u.bf16.f32 v54;
	v43 =	vadd.f32 v57, v43  }
0x2f2: {  	v42 =	vadd.f32 v58, v42  }
0x2f3: {  	[tilespmem:s20+$0x60] =	vst v43  }
0x2f4: {  	[tilespmem:s20+$0x460] =	vst v42  }
0x2f5: {  	v42 =	vld [tilespmem:s16+$0xFFFFFF30]  }
0x2f6: {  	v43 =	vld [tilespmem:s16+$0xFFFFFFB0]  }
0x2f7: {  	v59 =	vld [tilespmem:s16+$0x30]  }
0x2f8: {  	v60 =	vld [tilespmem:s16+$0xB0];
	_ =	sdelay $0x1  }
0x2f9: {  	v61 =	vunpack.i.l.bf16.f32 v42  }
0x2fa: {  	v42 =	vunpack.i.u.bf16.f32 v42;
	v62 =	vunpack.i.u.bf16.f32 v43;
	v43 =	vunpack.i.l.bf16.f32 v43  }
0x2fb: {  	v45 =	vadd.f32 v43, v61;
	v47 =	vadd.f32 v62, v42;
	v42 =	vld [tilespmem:s16+$0x130]  }
0x2fc: {  	v63 =	vunpack.i.u.bf16.f32 v59;
	v44 =	vunpack.i.l.bf16.f32 v59;
	v46 =	vunpack.i.l.bf16.f32 v60  }
0x2fd: {  	s10 =	simm.s32 $0x100;
	s9 =	simm.s32 $0x13A10;
	s8 =	simm.s32 $0x13A10;
	v43 =	vunpack.i.u.bf16.f32 v60;
	v44 =	vadd.f32 v44, v45;
	v45 =	vadd.f32 v63, v47  }
.LBB2_11:
0x2fe: {  	s16 =	sadd.s32 $0x280, s16;
	s9 =	sadd.s32 $0x80, s9;
	s17 =	sadd.s32 $0x80, s17  }
0x2ff: {  	p0 =	sne.s32 s10, $0x2F00;
	s11 =	smov.u32 s10;
	s10 =	sadd.s32 $0x100, s10;
	v44 =	vadd.f32 v46, v44;
	v43 =	vadd.f32 v43, v45  }
0x300: {  	v45 =	vunpack.i.u.bf16.f32 v42;
	v42 =	vunpack.i.l.bf16.f32 v42  }
0x301: {  	v42 =	vadd.f32 v42, v44;
	v43 =	vadd.f32 v45, v43;
	_ =	sdelay $0x1  }
0x302: {  	[tilespmem:s20+$0x70] =	vst v42  }
0x303: {  	[tilespmem:s20+$0x470] =	vst v43  }
0x304: {  	v42 =	vld [tilespmem:s8+$0xFFFFFFF0];
	_ =	sdelay $0x4  }
0x305: {  	[tilespmem:s20+$0x460] =	vst v42  }
0x306: {  	v42 =	vld [tilespmem:s8+$0x0];
	s8 =	smov.u32 s9;
	_ =	sdelay $0x4  }
0x307: {  	[tilespmem:s20+$0x470] =	vst v42  }
0x308: {  	v42 =	vld [tilespmem:s16+$0xFFFFFF40]  }
0x309: {  	v43 =	vld [tilespmem:s16+$0xFFFFFEC0]  }
0x30a: {  	v44 =	vld [tilespmem:s16+$0xFFFFFFC0];
	_ =	sdelay $0x1  }
0x30b: {  	v45 =	vld [tilespmem:s16+$0x40]  }
0x30c: {  	v46 =	vunpack.i.l.bf16.f32 v42  }
0x30d: {  	v42 =	vunpack.i.u.bf16.f32 v42;
	v47 =	vunpack.i.u.bf16.f32 v43;
	v43 =	vunpack.i.l.bf16.f32 v43;
	v48 =	vld [tilespmem:s16+$0xC0]  }
0x30e: {  	v43 =	vadd.f32 v46, v43;
	v46 =	vunpack.i.u.bf16.f32 v44;
	v44 =	vunpack.i.l.bf16.f32 v44  }
0x30f: {  	v42 =	vadd.f32 v42, v47  }
0x310: {  	v43 =	vadd.f32 v44, v43;
	v44 =	vunpack.i.u.bf16.f32 v45;
	v45 =	vunpack.i.l.bf16.f32 v45  }
0x311: {  	v42 =	vadd.f32 v46, v42  }
0x312: {  	v43 =	vadd.f32 v45, v43;
	v45 =	vunpack.i.u.bf16.f32 v48;
	v46 =	vunpack.i.l.bf16.f32 v48  }
0x313: {  	v42 =	vadd.f32 v44, v42  }
0x314: {  	s11 =	sand.u32 $0x3800, s11;
	s20 =	sand.u32 $0x380, s17;
	v43 =	vadd.f32 v46, v43  }
0x315: {  	s11 =	sor.u32 s20, s11;
	v42 =	vadd.f32 v45, v42  }
0x316: {  	s20 =	sadd.s32 $0x18200, s11;
	[tilespmem:s11+$0x18200] =	vst v43  }
0x317: {  	[tilespmem:s20+$0x400] =	vst v42  }
0x318: {  	v42 =	vld [tilespmem:s16+$0xFFFFFED0]  }
0x319: {  	v43 =	vld [tilespmem:s16+$0xFFFFFFD0]  }
0x31a: {  	v44 =	vld [tilespmem:s16+$0xFFFFFF50];
	_ =	sdelay $0x2  }
0x31b: {  	v45 =	vunpack.i.u.bf16.f32 v42;
	v42 =	vunpack.i.l.bf16.f32 v42  }
0x31c: {  	v46 =	vld [tilespmem:s16+$0x50]  }
0x31d: {  	v47 =	vunpack.i.u.bf16.f32 v44;
	v44 =	vunpack.i.l.bf16.f32 v44  }
0x31e: {  	v42 =	vadd.f32 v44, v42;
	v44 =	vadd.f32 v47, v45;
	v45 =	vld [tilespmem:s16+$0xD0]  }
0x31f: {  	v47 =	vunpack.i.u.bf16.f32 v43;
	v43 =	vunpack.i.l.bf16.f32 v43  }
0x320: {  	v42 =	vadd.f32 v43, v42;
	v43 =	vadd.f32 v47, v44  }
0x321: {  	v44 =	vunpack.i.u.bf16.f32 v46;
	v46 =	vunpack.i.l.bf16.f32 v46  }
0x322: {  	v42 =	vadd.f32 v46, v42;
	v43 =	vadd.f32 v44, v43  }
0x323: {  	v44 =	vunpack.i.u.bf16.f32 v45;
	v45 =	vunpack.i.l.bf16.f32 v45  }
0x324: {  	v42 =	vadd.f32 v45, v42;
	v43 =	vadd.f32 v44, v43;
	_ =	sdelay $0x1  }
0x325: {  	[tilespmem:s20+$0x10] =	vst v42  }
0x326: {  	[tilespmem:s20+$0x410] =	vst v43  }
0x327: {  	v42 =	vld [tilespmem:s16+$0xFFFFFEE0]  }
0x328: {  	v43 =	vld [tilespmem:s16+$0xFFFFFF60];
	_ =	sdelay $0x1  }
0x329: {  	v44 =	vld [tilespmem:s16+$0xFFFFFFE0];
	_ =	sdelay $0x1  }
0x32a: {  	v45 =	vunpack.i.l.bf16.f32 v42;
	v46 =	vld [tilespmem:s16+$0x60]  }
0x32b: {  	v42 =	vunpack.i.u.bf16.f32 v42;
	v47 =	vunpack.i.u.bf16.f32 v43;
	v43 =	vunpack.i.l.bf16.f32 v43  }
0x32c: {  	v43 =	vadd.f32 v43, v45;
	v42 =	vadd.f32 v47, v42;
	v45 =	vld [tilespmem:s16+$0xE0]  }
0x32d: {  	v47 =	vunpack.i.u.bf16.f32 v44;
	v44 =	vunpack.i.l.bf16.f32 v44  }
0x32e: {  	v43 =	vadd.f32 v44, v43;
	v42 =	vadd.f32 v47, v42  }
0x32f: {  	v44 =	vunpack.i.u.bf16.f32 v46;
	v46 =	vunpack.i.l.bf16.f32 v46  }
0x330: {  	v43 =	vadd.f32 v46, v43;
	v42 =	vadd.f32 v44, v42  }
0x331: {  	v44 =	vunpack.i.u.bf16.f32 v45;
	v45 =	vunpack.i.l.bf16.f32 v45  }
0x332: {  	v43 =	vadd.f32 v45, v43;
	v42 =	vadd.f32 v44, v42;
	_ =	sdelay $0x1  }
0x333: {  	[tilespmem:s20+$0x20] =	vst v43  }
0x334: {  	[tilespmem:s20+$0x420] =	vst v42  }
0x335: {  	v42 =	vld [tilespmem:s16+$0xFFFFFEF0]  }
0x336: {  	v43 =	vld [tilespmem:s16+$0xFFFFFF70];
	_ =	sdelay $0x1  }
0x337: {  	v44 =	vld [tilespmem:s16+$0xFFFFFFF0];
	_ =	sdelay $0x1  }
0x338: {  	v45 =	vunpack.i.u.bf16.f32 v42;
	v42 =	vunpack.i.l.bf16.f32 v42;
	v46 =	vld [tilespmem:s16+$0x70]  }
0x339: {  	v47 =	vunpack.i.u.bf16.f32 v43;
	v43 =	vunpack.i.l.bf16.f32 v43  }
0x33a: {  	v42 =	vadd.f32 v43, v42;
	v43 =	vadd.f32 v47, v45;
	v45 =	vld [tilespmem:s16+$0xF0]  }
0x33b: {  	v47 =	vunpack.i.u.bf16.f32 v44;
	v44 =	vunpack.i.l.bf16.f32 v44  }
0x33c: {  	v42 =	vadd.f32 v44, v42;
	v43 =	vadd.f32 v47, v43  }
0x33d: {  	v44 =	vunpack.i.u.bf16.f32 v46;
	v46 =	vunpack.i.l.bf16.f32 v46  }
0x33e: {  	v42 =	vadd.f32 v46, v42;
	v43 =	vadd.f32 v44, v43  }
0x33f: {  	v44 =	vunpack.i.u.bf16.f32 v45;
	v45 =	vunpack.i.l.bf16.f32 v45  }
0x340: {  	v42 =	vadd.f32 v45, v42;
	v43 =	vadd.f32 v44, v43;
	_ =	sdelay $0x1  }
0x341: {  	[tilespmem:s20+$0x30] =	vst v42  }
0x342: {  	[tilespmem:s20+$0x430] =	vst v43  }
0x343: {  	v42 =	vld [tilespmem:s16+$0xFFFFFF00]  }
0x344: {  	v43 =	vld [tilespmem:s16+$0xFFFFFF80]  }
0x345: {  	v44 =	vld [tilespmem:s16+$0x0];
	_ =	sdelay $0x2  }
0x346: {  	v45 =	vunpack.i.u.bf16.f32 v42;
	v42 =	vunpack.i.l.bf16.f32 v42;
	v46 =	vld [tilespmem:s16+$0x80]  }
0x347: {  	v47 =	vunpack.i.u.bf16.f32 v43;
	v43 =	vunpack.i.l.bf16.f32 v43  }
0x348: {  	v42 =	vadd.f32 v43, v42;
	v43 =	vadd.f32 v47, v45;
	v45 =	vld [tilespmem:s16+$0x100]  }
0x349: {  	v47 =	vunpack.i.u.bf16.f32 v44;
	v44 =	vunpack.i.l.bf16.f32 v44  }
0x34a: {  	v42 =	vadd.f32 v44, v42;
	v43 =	vadd.f32 v47, v43  }
0x34b: {  	v44 =	vunpack.i.u.bf16.f32 v46;
	v46 =	vunpack.i.l.bf16.f32 v46  }
0x34c: {  	v42 =	vadd.f32 v46, v42;
	v43 =	vadd.f32 v44, v43  }
0x34d: {  	v44 =	vunpack.i.u.bf16.f32 v45;
	v45 =	vunpack.i.l.bf16.f32 v45  }
0x34e: {  	v42 =	vadd.f32 v45, v42;
	v43 =	vadd.f32 v44, v43;
	_ =	sdelay $0x1  }
0x34f: {  	[tilespmem:s20+$0x40] =	vst v42  }
0x350: {  	[tilespmem:s20+$0x440] =	vst v43  }
0x351: {  	v42 =	vld [tilespmem:s16+$0xFFFFFF10]  }
0x352: {  	v43 =	vld [tilespmem:s16+$0xFFFFFF90]  }
0x353: {  	v44 =	vld [tilespmem:s16+$0x10]  }
0x354: {  	v45 =	vld [tilespmem:s16+$0x90]  }
0x355: {  	v46 =	vld [tilespmem:s16+$0x110]  }
0x356: {  	v47 =	vunpack.i.u.bf16.f32 v42  }
0x357: {  	v42 =	vunpack.i.l.bf16.f32 v42;
	v48 =	vunpack.i.u.bf16.f32 v43;
	v43 =	vunpack.i.l.bf16.f32 v43  }
0x358: {  	v42 =	vadd.f32 v43, v42;
	v43 =	vadd.f32 v48, v47  }
0x359: {  	v47 =	vunpack.i.u.bf16.f32 v44;
	v44 =	vunpack.i.l.bf16.f32 v44  }
0x35a: {  	v42 =	vadd.f32 v44, v42;
	v43 =	vadd.f32 v47, v43  }
0x35b: {  	v44 =	vunpack.i.u.bf16.f32 v45;
	v45 =	vunpack.i.l.bf16.f32 v45  }
0x35c: {  	v42 =	vadd.f32 v45, v42;
	v43 =	vadd.f32 v44, v43  }
0x35d: {  	v44 =	vunpack.i.u.bf16.f32 v46  }
0x35e: {  	v45 =	vunpack.i.l.bf16.f32 v46;
	v43 =	vadd.f32 v44, v43  }
0x35f: {  	v42 =	vadd.f32 v45, v42  }
0x360: {  	[tilespmem:s20+$0x450] =	vst v43  }
0x361: {  	[tilespmem:s20+$0x50] =	vst v42  }
0x362: {  	v42 =	vld [tilespmem:s16+$0xFFFFFF20]  }
0x363: {  	v43 =	vld [tilespmem:s16+$0xFFFFFFA0]  }
0x364: {  	v44 =	vld [tilespmem:s16+$0x20]  }
0x365: {  	v45 =	vld [tilespmem:s16+$0xA0]  }
0x366: {  	v46 =	vld [tilespmem:s16+$0x120];
	_ =	sdelay $0x1  }
0x367: {  	v47 =	vunpack.i.u.bf16.f32 v42;
	v42 =	vunpack.i.l.bf16.f32 v42;
	v48 =	vunpack.i.l.bf16.f32 v43  }
0x368: {  	v43 =	vunpack.i.u.bf16.f32 v43;
	v42 =	vadd.f32 v48, v42  }
0x369: {  	v43 =	vadd.f32 v43, v47;
	v47 =	vunpack.i.l.bf16.f32 v44  }
0x36a: {  	v44 =	vunpack.i.u.bf16.f32 v44;
	v42 =	vadd.f32 v47, v42  }
0x36b: {  	v43 =	vadd.f32 v44, v43;
	v44 =	vunpack.i.l.bf16.f32 v45  }
0x36c: {  	v45 =	vunpack.i.u.bf16.f32 v45;
	v42 =	vadd.f32 v44, v42  }
0x36d: {  	v43 =	vadd.f32 v45, v43;
	v44 =	vunpack.i.l.bf16.f32 v46  }
0x36e: {  	v45 =	vunpack.i.u.bf16.f32 v46;
	v42 =	vadd.f32 v44, v42  }
0x36f: {  	v43 =	vadd.f32 v45, v43  }
0x370: {  	[tilespmem:s20+$0x60] =	vst v42  }
0x371: {  	[tilespmem:s20+$0x460] =	vst v43  }
0x372: {  	v43 =	vld [tilespmem:s16+$0xFFFFFF30]  }
0x373: {  	v44 =	vld [tilespmem:s16+$0xFFFFFFB0]  }
0x374: {  	v45 =	vld [tilespmem:s16+$0x30]  }
0x375: {  	v46 =	vld [tilespmem:s16+$0xB0]  }
0x376: {  	v42 =	vld [tilespmem:s16+$0x130]  }
.Ltmp9:
0x377: {  	v47 =	vunpack.i.l.bf16.f32 v43;
	(pc) =	sbr.rel @p0 .LBB2_11-.Ltmp9, $4  }
0x378: {  	v43 =	vunpack.i.u.bf16.f32 v43;
	v48 =	vunpack.i.u.bf16.f32 v44;
	v44 =	vunpack.i.l.bf16.f32 v44  }
0x379: {  	v44 =	vadd.f32 v44, v47;
	v47 =	vadd.f32 v48, v43  }
0x37a: {  	v48 =	vunpack.i.u.bf16.f32 v45;
	v45 =	vunpack.i.l.bf16.f32 v45;
	v43 =	vunpack.i.u.bf16.f32 v46  }
0x37b: {  	v46 =	vunpack.i.l.bf16.f32 v46;
	v44 =	vadd.f32 v45, v44;
	v45 =	vadd.f32 v48, v47  }
0x37c: {  	_ = 	snop  }
0x37d: {  	v44 =	vadd.f32 v46, v44  }
0x37e: {  	v62 =	vunpack.i.l.bf16.f32 v42;
	v43 =	vadd.f32 v43, v45  }
0x37f: {  	v63 =	vunpack.i.u.bf16.f32 v42;
	v44 =	vadd.f32 v62, v44  }
0x380: {  	v42 =	vadd.f32 v63, v43  }
0x381: {  	[tilespmem:s20+$0x70] =	vst v44  }
0x382: {  	[tilespmem:s20+$0x470] =	vst v42  }
0x383: {  	v42 =	vld [tilespmem:s8+$0xFFFFFFF0];
	_ =	sdelay $0x4  }
0x384: {  	[tilespmem:s20+$0x460] =	vst v42  }
0x385: {  	v42 =	vld [tilespmem:s8+$0x0]  }
0x386: {  	p0 =	sgt.u32 s0, $0x1E  }
0x387: {  	s2 =	sadd.s32 @!p0 s2, s12  }
0x388: {  	p1 =	slt.s32 @!p0 s2, $0xC320  }
0x389: {  	s21 =	sshll.u32 s15, $0x5;
	p1 =	por !p1, p0  }
0x38a: {  	s2 =	simm.s32 @p1 $0xC320;
	s8 =	sadd.s32 s1, s21;
	[tilespmem:s20+$0x470] =	vst v42  }
0x38b: {  	[hbm4b:s8+s3] =	stream.linear.scatter [tilespmem:s25], [sflag:$0x4], $0x3000, $0x38;
	[tilespmem:$0x1B200] =	vst v63  }
.Ltmp10:
0x38c: {  	s2 =	sshll.u32 @!p0 s2, $0x4;
	(pc) =	sbr.rel .LBB2_13-.Ltmp10, $4  }
0x38d: {  	s9 =	simm.s32 @!p0 $0x0;
	s10 =	simm.s32 @!p0 $0x1800;
	s8 =	sadd.s32 @!p0 s4, s2  }
0x38e: {  	[tilespmem:s10], [sflag:$0x6] =	stream.linear.gather @!p0 [hbm4b:s8+s9], $0x1800, $0x38;
	[tilespmem:$0x1B200] =	vst v63  }
0x38f: {  	s2 =	sadd.s32 @!p0 s6, s2;
	s8 =	simm.s32 @!p0 $0x13A00  }
0x390: {  	[tilespmem:s8], [sflag:$0x8] =	stream.linear.gather @!p0 [hbm4b:s2+s9], $0x1800, $0x38;
	[tilespmem:$0x1B200] =	vst v63  }
.LBB2_15:
0x391: {  	_ =	sfence.sel $0x180000  }
0x392: {  	[bflag:$0x0] =	sbarrier.arrive $0xFFFF  }
0x393: {  	_ =	strace $0x90000047  }
0x394: {  	s0 =	stileid.u32;
	[bflag:$0x2] =	sbarrier.arrive $0xFFFF  }
0x395: {  	p0 =	sne.s32 s0, $0x0;
	s0 =	rddreg [dreg:$0x2]  }
0x396: {  	s0 =	sadd.s32 @!p0 $0x100000, s0  }
0x397: {  	[sflag:s0] =	ssyncadd.tile.s32 @!p0 $0x1;
	_ =	shalt  }
.Lfunc_end2:
_tile_overlayer_lowered:
.L_overlay_start_2:
0x398: {  	(tag) =	ssettag $0x2  }
0x399: {  	s0 =	rddreg [dreg:$0x0];
	s2 =	stileid.u32  }
0x39a: {  	s1 =	rddreg [dreg:$0x1];
	p0 =	sne.s32 s2, $0x0  }
0x39b: {  	s3 =	rddreg [dreg:$0x2];
	[bflag:$0x3] =	sbarrier.arrive $0xFFFF;
	s2 =	simm.s32 @!p0 $0x1C09  }
0x39c: {  	[timem:s3], [sflag:s2] =	dma.local @!p0 [hbm:s0], s1  }
0x39d: {  	s0 =	simm.s32 @!p0 $0x9  }
0x39e: {  	_ =	swait.ge @!p0 [sflag:s0], s1  }
0x39f: {  	s1 =	ssub.s32 @!p0 $0x0, s1;
	[sflag:s0] =	ssyncset.done @!p0 $0x0  }
0x3a0: {  	[sflag:s0] =	ssyncadd.s32 @!p0 s1  }
0x3a1: {  	[bflag:$0x3] =	sbarrier.arrive $0xFFFF  }
0x3a2: {  	_ =	shalt  }

</sc_bundles>
